<compile_context>
chip_gen: v7x
topology: tpu7x:2x2x1
jax: 0.10.2.dev20260603
libtpu: 0.0.44.dev20260713+nightly
codegen_flags: <defaults>
</compile_context>

<pallas_src>
import functools

import jax
import jax.numpy as jnp
from jax import lax
from jax.experimental import pallas as pl
from jax.experimental.pallas import tpu as pltpu
from jax.experimental.pallas import tpu_sc as plsc

B = 8
H = 384
W = 384
SC_BATCHES = 2
NW = 32
SC_ROWS = SC_BATCHES * H
ROWS_PER_W = SC_ROWS // NW
LANES = 16
COLS_PER_ROW = W // LANES
N_CHUNKS = 3
CHUNK_ROWS = ROWS_PER_W // N_CHUNKS
N_ACC = 8

_mesh = plsc.VectorSubcoreMesh(core_axis_name="c", subcore_axis_name="s")


@functools.partial(
    pl.kernel,
    mesh=_mesh,
    out_type=[
        jax.ShapeDtypeStruct((NW, LANES), jnp.float32),
        jax.ShapeDtypeStruct((NW, LANES), jnp.float32),
    ],
    scratch_types=[
        pltpu.VMEM((2, CHUNK_ROWS, W), jnp.float32),
        pltpu.VMEM((2, CHUNK_ROWS, W), jnp.float32),
        pltpu.VMEM((2, CHUNK_ROWS, W), jnp.float32),
        pltpu.VMEM((LANES,), jnp.float32),
        pltpu.VMEM((LANES,), jnp.float32),
        pltpu.SemaphoreType.DMA,
        pltpu.SemaphoreType.DMA,
    ],
    compiler_params=pltpu.CompilerParams(use_tc_tiling_on_sc=True),
)
def _sc_partials(pred, grnd, num_out, cnt_out, p_v, bg_v, g_v, num_v, cnt_v,
                 sem0, sem1):
    wid = lax.axis_index("s") * 2 + lax.axis_index("c")
    b = wid // (NW // SC_BATCHES)
    row0 = (wid % (NW // SC_BATCHES)) * ROWS_PER_W
    sems = (sem0, sem1)

    def start(g):
        slot = g % 2
        r = row0 + g * CHUNK_ROWS
        sem = sems[slot]
        return [
            pltpu.async_copy(pred.at[2, b, 5, pl.ds(r, CHUNK_ROWS), :],
                             p_v.at[slot], sem),
            pltpu.async_copy(grnd.at[b, 0, pl.ds(r, CHUNK_ROWS), :],
                             bg_v.at[slot], sem),
            pltpu.async_copy(grnd.at[b, 2, pl.ds(r, CHUNK_ROWS), :],
                             g_v.at[slot], sem),
        ]

    zeros = jnp.zeros((LANES,), jnp.float32)
    accs = (zeros,) * (2 * N_ACC)
    pending = start(0)
    for g in range(N_CHUNKS):
        nxt = start(g + 1) if g + 1 < N_CHUNKS else []
        for h in pending:
            h.wait()
        pending = nxt
        slot = g % 2

        def row_body(r, carry, _slot=slot):
            nums = list(carry[:N_ACC])
            cnts = list(carry[N_ACC:])
            for j in range(COLS_PER_ROW):
                a = j % N_ACC
                sl = pl.ds(j * LANES, LANES)
                d = p_v[_slot, r, sl] - g_v[_slot, r, sl]
                m = bg_v[_slot, r, sl]
                nums[a] = nums[a] + m * (d * d)
                cnts[a] = cnts[a] + m
            return tuple(nums) + tuple(cnts)

        accs = lax.fori_loop(0, CHUNK_ROWS, row_body, accs)
    num = accs[0]
    cnt = accs[N_ACC]
    for a in range(1, N_ACC):
        num = num + accs[a]
        cnt = cnt + accs[N_ACC + a]
    num_v[...] = num
    cnt_v[...] = cnt
    pltpu.sync_copy(num_v, num_out.at[wid])
    pltpu.sync_copy(cnt_v, cnt_out.at[wid])


def _tc_body(p_ref, bg_ref, g_ref, num_ref, cnt_ref):
    i = pl.program_id(0)

    @pl.when(i == 0)
    def _():
        num_ref[0, 0] = 0.0
        cnt_ref[0, 0] = 0.0

    p = p_ref[0, 0, 0]
    bg = bg_ref[0, 0]
    g = g_ref[0, 0]
    d = p - g
    num_ref[0, 0] += jnp.sum(bg * (d * d))
    cnt_ref[0, 0] += jnp.sum(bg)


_tc_partials = pl.pallas_call(
    _tc_body,
    grid=(B - SC_BATCHES,),
    in_specs=[
        pl.BlockSpec((1, 1, 1, H, W), lambda b: (2, SC_BATCHES + b, 5, 0, 0)),
        pl.BlockSpec((1, 1, H, W), lambda b: (SC_BATCHES + b, 0, 0, 0)),
        pl.BlockSpec((1, 1, H, W), lambda b: (SC_BATCHES + b, 2, 0, 0)),
    ],
    out_specs=[
        pl.BlockSpec(memory_space=pltpu.SMEM),
        pl.BlockSpec(memory_space=pltpu.SMEM),
    ],
    out_shape=[
        jax.ShapeDtypeStruct((1, 1), jnp.float32),
        jax.ShapeDtypeStruct((1, 1), jnp.float32),
    ],
)


def _fold_body(sc_num_ref, sc_cnt_ref, tc_num_ref, tc_cnt_ref, out_ref):
    num = jnp.sum(sc_num_ref[...]) + tc_num_ref[0, 0]
    cnt = jnp.sum(sc_cnt_ref[...]) + tc_cnt_ref[0, 0]
    out_ref[...] = jnp.full((1, 1), num / cnt, dtype=jnp.float32)


_fold = pl.pallas_call(
    _fold_body,
    in_specs=[
        pl.BlockSpec((NW, LANES), lambda: (0, 0)),
        pl.BlockSpec((NW, LANES), lambda: (0, 0)),
        pl.BlockSpec(memory_space=pltpu.SMEM),
        pl.BlockSpec(memory_space=pltpu.SMEM),
    ],
    out_shape=jax.ShapeDtypeStruct((1, 1), jnp.float32),
)


def kernel(predict, ground):
    sc_num, sc_cnt = _sc_partials(predict, ground)
    tc_num, tc_cnt = _tc_partials(predict, ground, ground)
    return _fold(sc_num, sc_cnt, tc_num, tc_cnt)[0, 0]

# --- scband reference (transcript-rebuilt; emitter-appended) ---
"""Pipeline reference for scband-l2-loss-31636729102740 (READ-ONLY COPY).

The authoritative reference and input builder live on the scoring server;
editing this copy changes nothing except your own understanding.
"""

import jax, jax.numpy as jnp
import numpy as np


def setup_inputs(seed: int = 0) -> dict:
    key = jax.random.key(seed)
    k1, k2 = jax.random.split(key)
    predict = jax.random.normal(k1, (3, 8, 6, 384, 384), dtype=jnp.float32)
    # ground channel 0 acts as a {0,1} background mask; other channels are labels
    ground = jax.random.randint(k2, (8, 3, 384, 384), 0, 2).astype(jnp.float32)
    return {"predict": predict, "ground": ground}


def reference(predict, ground):
    # predict = predict[2]  (select 3rd prediction in the stack)
    p = predict[2]
    # predict = predict[:, 5, :, :]
    p = p[:, 5, :, :]
    background = ground[:, 0, :, :]
    g = ground[:, 2, :, :]
    mask = background == 1.0
    # MSELoss over the boolean-masked elements == masked sum of squared diffs / count
    sq = (p - g) ** 2
    num = jnp.sum(jnp.where(mask, sq, 0.0))
    cnt = jnp.sum(mask.astype(jnp.float32))
    loss = num / cnt
    return loss

if __name__ == "__main__":
    import jax
    _d = setup_inputs()
    print(jax.jit(kernel)(*tuple(_d.values())))

</pallas_src>

<mosaic_0001>
#map = affine_map<(d0, d1) -> (0, 0, 0, 0, 0)>
#map1 = affine_map<(d0, d1) -> (0, 0, 0, 0)>
#map2 = affine_map<(d0, d1) -> (0, 0)>
module attributes {stable_mosaic.version = 14 : i64} {
  func.func @_sc_partials(%arg0: i32, %arg1: i32, %arg2: memref<3x8x6x384x384xf32, #tpu.memory_space<hbm>>, %arg3: memref<8x3x384x384xf32, #tpu.memory_space<hbm>>, %arg4: memref<32x16xf32, #tpu.memory_space<hbm>>, %arg5: memref<32x16xf32, #tpu.memory_space<hbm>>, %arg6: memref<2x8x384xf32, #tpu.memory_space<vmem>>, %arg7: memref<2x8x384xf32, #tpu.memory_space<vmem>>, %arg8: memref<2x8x384xf32, #tpu.memory_space<vmem>>, %arg9: memref<16xf32, #tpu.memory_space<vmem>>, %arg10: memref<16xf32, #tpu.memory_space<vmem>>, %arg11: memref<!tpu.dma_semaphore, #tpu.memory_space<semaphore_mem>>, %arg12: memref<!tpu.dma_semaphore, #tpu.memory_space<semaphore_mem>>) attributes {dimension_semantics = [#tpu.dimension_semantics<core_parallel>, #tpu.dimension_semantics<subcore_parallel>], iteration_bounds = array<i64: 2, 16>, scalar_prefetch = 0 : i64, scratch_operands = 7 : i64, tpu.core_type = #tpu.core_type<sc_vector_subcore>, window_params = [{transform_indices = #map}, {transform_indices = #map1}, {transform_indices = #map2}, {transform_indices = #map2}]} {
    %mul3A = arith.constant 2 : i32
    %mul3A_0 = arith.muli %arg1, %mul3A : i32
    %add3A = arith.addi %mul3A_0, %arg0 : i32
    %jit3A = arith.constant 16 : i32
    %div3A = arith.divsi %add3A, %jit3A : i32
    %sign3A = arith.constant 0 : i32
    %sign3A_1 = arith.cmpi sgt, %add3A, %sign3A : i32
    %sign3A_2 = arith.extui %sign3A_1 : i1 to i32
    %sign3A_3 = arith.constant 0 : i32
    %sign3A_4 = arith.cmpi slt, %add3A, %sign3A_3 : i32
    %sign3A_5 = arith.extui %sign3A_4 : i1 to i32
    %sign3A_6 = arith.subi %sign3A_2, %sign3A_5 : i32
    %sign3A_7 = arith.constant 0 : i32
    %sign3A_8 = arith.cmpi sgt, %jit3A, %sign3A_7 : i32
    %sign3A_9 = arith.extui %sign3A_8 : i1 to i32
    %sign3A_10 = arith.constant 0 : i32
    %sign3A_11 = arith.cmpi slt, %jit3A, %sign3A_10 : i32
    %sign3A_12 = arith.extui %sign3A_11 : i1 to i32
    %sign3A_13 = arith.subi %sign3A_9, %sign3A_12 : i32
    %ne3A = arith.cmpi ne, %sign3A_6, %sign3A_13 : i32
    %rem3A = arith.remsi %add3A, %jit3A : i32
    %ne3A_14 = arith.constant 0 : i32
    %ne3A_15 = arith.cmpi ne, %rem3A, %ne3A_14 : i32
    %and3A = arith.andi %ne3A, %ne3A_15 : i1
    %sub3A = arith.constant 1 : i32
    %sub3A_16 = arith.subi %div3A, %sub3A : i32
    %select_n3A = arith.select %and3A, %sub3A_16, %div3A : i32
    %jit3A_17 = arith.constant 16 : i32
    %eq3A = arith.constant 0 : i32
    %eq3A_18 = arith.cmpi eq, %jit3A_17, %eq3A : i32
    %jit3A_19 = arith.constant 1 : i32
    %select_n3A_20 = arith.select %eq3A_18, %jit3A_19, %jit3A_17 : i32
    %rem3A_21 = arith.remsi %add3A, %select_n3A_20 : i32
    %ne3A_22 = arith.constant 0 : i32
    %ne3A_23 = arith.cmpi ne, %rem3A_21, %ne3A_22 : i32
    %lt3A = arith.constant 0 : i32
    %lt3A_24 = arith.cmpi slt, %rem3A_21, %lt3A : i32
    %lt3A_25 = arith.constant 0 : i32
    %lt3A_26 = arith.cmpi slt, %select_n3A_20, %lt3A_25 : i32
    %ne3A_27 = arith.xori %lt3A_24, %lt3A_26 : i1
    %and3A_28 = arith.andi %ne3A_27, %ne3A_23 : i1
    %add3A_29 = arith.addi %rem3A_21, %select_n3A_20 : i32
    %select_n3A_30 = arith.select %and3A_28, %add3A_29, %rem3A_21 : i32
    %mul3A_31 = arith.constant 24 : i32
    %mul3A_32 = arith.muli %select_n3A_30, %mul3A_31 : i32
    %broadcast_in_dim3A = arith.constant 0.000000e+00 : f32
    %broadcast_in_dim3A_33 = vector.broadcast %broadcast_in_dim3A : f32 to vector<16xf32>
    %add3A_34 = arith.constant 0 : i32
    %add3A_35 = arith.addi %mul3A_32, %add3A_34 : i32
    %dma_start3A = arith.constant 2 : i32
    %dma_start3A_36 = arith.constant 5 : i32
    %dma_start3A_37 = arith.constant 0 : i32
    %dma_start3A_38 = arith.constant 0 : i32
    %dma_start3A_39 = arith.constant 0 : i32
    %dma_start3A_40 = tpu.memref_slice %arg6[%dma_start3A_37, %dma_start3A_38, %dma_start3A_39] : memref<2x8x384xf32, #tpu.memory_space<vmem>> -> memref<1x8x384xf32, #tpu.memory_space<vmem>>
    %dma_start3A_41 = tpu.memref_squeeze %dma_start3A_40 : memref<1x8x384xf32, #tpu.memory_space<vmem>> -> memref<8x384xf32, #tpu.memory_space<vmem>>
    %dma_start3A_42 = arith.constant 0 : i32
    %dma_start3A_43 = tpu.memref_slice %arg2[%dma_start3A, %select_n3A, %dma_start3A_36, %add3A_35, %dma_start3A_42] : memref<3x8x6x384x384xf32, #tpu.memory_space<hbm>> -> memref<1x1x1x8x384xf32, #tpu.memory_space<hbm>>
    %dma_start3A_44 = tpu.memref_squeeze %dma_start3A_43 : memref<1x1x1x8x384xf32, #tpu.memory_space<hbm>> -> memref<8x384xf32, #tpu.memory_space<hbm>>
    %dma_start3A_45 = arith.constant 0 : i32
    %dma_start3A_46 = arith.constant 0 : i32
    %dma_start3A_47 = tpu.memref_slice %arg6[%dma_start3A_37, %dma_start3A_45, %dma_start3A_46] : memref<2x8x384xf32, #tpu.memory_space<vmem>> -> memref<1x8x384xf32, #tpu.memory_space<vmem>>
    %dma_start3A_48 = tpu.memref_squeeze %dma_start3A_47 : memref<1x8x384xf32, #tpu.memory_space<vmem>> -> memref<8x384xf32, #tpu.memory_space<vmem>>
    %dma_start3A_49 = arith.constant 0 : i32
    %dma_start3A_50 = tpu.memref_slice %arg2[%dma_start3A, %select_n3A, %dma_start3A_36, %add3A_35, %dma_start3A_49] : memref<3x8x6x384x384xf32, #tpu.memory_space<hbm>> -> memref<1x1x1x8x384xf32, #tpu.memory_space<hbm>>
    %dma_start3A_51 = tpu.memref_squeeze %dma_start3A_50 : memref<1x1x1x8x384xf32, #tpu.memory_space<hbm>> -> memref<8x384xf32, #tpu.memory_space<hbm>>
    tpu.enqueue_dma source(%dma_start3A_51 : memref<8x384xf32, #tpu.memory_space<hbm>>) target(%dma_start3A_48 : memref<8x384xf32, #tpu.memory_space<vmem>>) target_semaphore(%arg11 : memref<!tpu.dma_semaphore, #tpu.memory_space<semaphore_mem>>)
    %dma_start3A_52 = arith.constant 0 : i32
    %dma_start3A_53 = arith.constant 0 : i32
    %dma_start3A_54 = arith.constant 0 : i32
    %dma_start3A_55 = arith.constant 0 : i32
    %dma_start3A_56 = tpu.memref_slice %arg7[%dma_start3A_53, %dma_start3A_54, %dma_start3A_55] : memref<2x8x384xf32, #tpu.memory_space<vmem>> -> memref<1x8x384xf32, #tpu.memory_space<vmem>>
    %dma_start3A_57 = tpu.memref_squeeze %dma_start3A_56 : memref<1x8x384xf32, #tpu.memory_space<vmem>> -> memref<8x384xf32, #tpu.memory_space<vmem>>
    %dma_start3A_58 = arith.constant 0 : i32
    %dma_start3A_59 = tpu.memref_slice %arg3[%select_n3A, %dma_start3A_52, %add3A_35, %dma_start3A_58] : memref<8x3x384x384xf32, #tpu.memory_space<hbm>> -> memref<1x1x8x384xf32, #tpu.memory_space<hbm>>
    %dma_start3A_60 = tpu.memref_squeeze %dma_start3A_59 : memref<1x1x8x384xf32, #tpu.memory_space<hbm>> -> memref<8x384xf32, #tpu.memory_space<hbm>>
    %dma_start3A_61 = arith.constant 0 : i32
    %dma_start3A_62 = arith.constant 0 : i32
    %dma_start3A_63 = tpu.memref_slice %arg7[%dma_start3A_53, %dma_start3A_61, %dma_start3A_62] : memref<2x8x384xf32, #tpu.memory_space<vmem>> -> memref<1x8x384xf32, #tpu.memory_space<vmem>>
    %dma_start3A_64 = tpu.memref_squeeze %dma_start3A_63 : memref<1x8x384xf32, #tpu.memory_space<vmem>> -> memref<8x384xf32, #tpu.memory_space<vmem>>
    %dma_start3A_65 = arith.constant 0 : i32
    %dma_start3A_66 = tpu.memref_slice %arg3[%select_n3A, %dma_start3A_52, %add3A_35, %dma_start3A_65] : memref<8x3x384x384xf32, #tpu.memory_space<hbm>> -> memref<1x1x8x384xf32, #tpu.memory_space<hbm>>
    %dma_start3A_67 = tpu.memref_squeeze %dma_start3A_66 : memref<1x1x8x384xf32, #tpu.memory_space<hbm>> -> memref<8x384xf32, #tpu.memory_space<hbm>>
    tpu.enqueue_dma source(%dma_start3A_67 : memref<8x384xf32, #tpu.memory_space<hbm>>) target(%dma_start3A_64 : memref<8x384xf32, #tpu.memory_space<vmem>>) target_semaphore(%arg11 : memref<!tpu.dma_semaphore, #tpu.memory_space<semaphore_mem>>)
    %dma_start3A_68 = arith.constant 2 : i32
    %dma_start3A_69 = arith.constant 0 : i32
    %dma_start3A_70 = arith.constant 0 : i32
    %dma_start3A_71 = arith.constant 0 : i32
    %dma_start3A_72 = tpu.memref_slice %arg8[%dma_start3A_69, %dma_start3A_70, %dma_start3A_71] : memref<2x8x384xf32, #tpu.memory_space<vmem>> -> memref<1x8x384xf32, #tpu.memory_space<vmem>>
    %dma_start3A_73 = tpu.memref_squeeze %dma_start3A_72 : memref<1x8x384xf32, #tpu.memory_space<vmem>> -> memref<8x384xf32, #tpu.memory_space<vmem>>
    %dma_start3A_74 = arith.constant 0 : i32
    %dma_start3A_75 = tpu.memref_slice %arg3[%select_n3A, %dma_start3A_68, %add3A_35, %dma_start3A_74] : memref<8x3x384x384xf32, #tpu.memory_space<hbm>> -> memref<1x1x8x384xf32, #tpu.memory_space<hbm>>
    %dma_start3A_76 = tpu.memref_squeeze %dma_start3A_75 : memref<1x1x8x384xf32, #tpu.memory_space<hbm>> -> memref<8x384xf32, #tpu.memory_space<hbm>>
    %dma_start3A_77 = arith.constant 0 : i32
    %dma_start3A_78 = arith.constant 0 : i32
    %dma_start3A_79 = tpu.memref_slice %arg8[%dma_start3A_69, %dma_start3A_77, %dma_start3A_78] : memref<2x8x384xf32, #tpu.memory_space<vmem>> -> memref<1x8x384xf32, #tpu.memory_space<vmem>>
    %dma_start3A_80 = tpu.memref_squeeze %dma_start3A_79 : memref<1x8x384xf32, #tpu.memory_space<vmem>> -> memref<8x384xf32, #tpu.memory_space<vmem>>
    %dma_start3A_81 = arith.constant 0 : i32
    %dma_start3A_82 = tpu.memref_slice %arg3[%select_n3A, %dma_start3A_68, %add3A_35, %dma_start3A_81] : memref<8x3x384x384xf32, #tpu.memory_space<hbm>> -> memref<1x1x8x384xf32, #tpu.memory_space<hbm>>
    %dma_start3A_83 = tpu.memref_squeeze %dma_start3A_82 : memref<1x1x8x384xf32, #tpu.memory_space<hbm>> -> memref<8x384xf32, #tpu.memory_space<hbm>>
    tpu.enqueue_dma source(%dma_start3A_83 : memref<8x384xf32, #tpu.memory_space<hbm>>) target(%dma_start3A_80 : memref<8x384xf32, #tpu.memory_space<vmem>>) target_semaphore(%arg11 : memref<!tpu.dma_semaphore, #tpu.memory_space<semaphore_mem>>)
    %add3A_84 = arith.constant 8 : i32
    %add3A_85 = arith.addi %mul3A_32, %add3A_84 : i32
    %dma_start3A_86 = arith.constant 2 : i32
    %dma_start3A_87 = arith.constant 5 : i32
    %dma_start3A_88 = arith.constant 1 : i32
    %dma_start3A_89 = arith.constant 0 : i32
    %dma_start3A_90 = arith.constant 0 : i32
    %dma_start3A_91 = tpu.memref_slice %arg6[%dma_start3A_88, %dma_start3A_89, %dma_start3A_90] : memref<2x8x384xf32, #tpu.memory_space<vmem>> -> memref<1x8x384xf32, #tpu.memory_space<vmem>>
    %dma_start3A_92 = tpu.memref_squeeze %dma_start3A_91 : memref<1x8x384xf32, #tpu.memory_space<vmem>> -> memref<8x384xf32, #tpu.memory_space<vmem>>
    %dma_start3A_93 = arith.constant 0 : i32
    %dma_start3A_94 = tpu.memref_slice %arg2[%dma_start3A_86, %select_n3A, %dma_start3A_87, %add3A_85, %dma_start3A_93] : memref<3x8x6x384x384xf32, #tpu.memory_space<hbm>> -> memref<1x1x1x8x384xf32, #tpu.memory_space<hbm>>
    %dma_start3A_95 = tpu.memref_squeeze %dma_start3A_94 : memref<1x1x1x8x384xf32, #tpu.memory_space<hbm>> -> memref<8x384xf32, #tpu.memory_space<hbm>>
    %dma_start3A_96 = arith.constant 0 : i32
    %dma_start3A_97 = arith.constant 0 : i32
    %dma_start3A_98 = tpu.memref_slice %arg6[%dma_start3A_88, %dma_start3A_96, %dma_start3A_97] : memref<2x8x384xf32, #tpu.memory_space<vmem>> -> memref<1x8x384xf32, #tpu.memory_space<vmem>>
    %dma_start3A_99 = tpu.memref_squeeze %dma_start3A_98 : memref<1x8x384xf32, #tpu.memory_space<vmem>> -> memref<8x384xf32, #tpu.memory_space<vmem>>
    %dma_start3A_100 = arith.constant 0 : i32
    %dma_start3A_101 = tpu.memref_slice %arg2[%dma_start3A_86, %select_n3A, %dma_start3A_87, %add3A_85, %dma_start3A_100] : memref<3x8x6x384x384xf32, #tpu.memory_space<hbm>> -> memref<1x1x1x8x384xf32, #tpu.memory_space<hbm>>
    %dma_start3A_102 = tpu.memref_squeeze %dma_start3A_101 : memref<1x1x1x8x384xf32, #tpu.memory_space<hbm>> -> memref<8x384xf32, #tpu.memory_space<hbm>>
    tpu.enqueue_dma source(%dma_start3A_102 : memref<8x384xf32, #tpu.memory_space<hbm>>) target(%dma_start3A_99 : memref<8x384xf32, #tpu.memory_space<vmem>>) target_semaphore(%arg12 : memref<!tpu.dma_semaphore, #tpu.memory_space<semaphore_mem>>)
    %dma_start3A_103 = arith.constant 0 : i32
    %dma_start3A_104 = arith.constant 1 : i32
    %dma_start3A_105 = arith.constant 0 : i32
    %dma_start3A_106 = arith.constant 0 : i32
    %dma_start3A_107 = tpu.memref_slice %arg7[%dma_start3A_104, %dma_start3A_105, %dma_start3A_106] : memref<2x8x384xf32, #tpu.memory_space<vmem>> -> memref<1x8x384xf32, #tpu.memory_space<vmem>>
    %dma_start3A_108 = tpu.memref_squeeze %dma_start3A_107 : memref<1x8x384xf32, #tpu.memory_space<vmem>> -> memref<8x384xf32, #tpu.memory_space<vmem>>
    %dma_start3A_109 = arith.constant 0 : i32
    %dma_start3A_110 = tpu.memref_slice %arg3[%select_n3A, %dma_start3A_103, %add3A_85, %dma_start3A_109] : memref<8x3x384x384xf32, #tpu.memory_space<hbm>> -> memref<1x1x8x384xf32, #tpu.memory_space<hbm>>
    %dma_start3A_111 = tpu.memref_squeeze %dma_start3A_110 : memref<1x1x8x384xf32, #tpu.memory_space<hbm>> -> memref<8x384xf32, #tpu.memory_space<hbm>>
    %dma_start3A_112 = arith.constant 0 : i32
    %dma_start3A_113 = arith.constant 0 : i32
    %dma_start3A_114 = tpu.memref_slice %arg7[%dma_start3A_104, %dma_start3A_112, %dma_start3A_113] : memref<2x8x384xf32, #tpu.memory_space<vmem>> -> memref<1x8x384xf32, #tpu.memory_space<vmem>>
    %dma_start3A_115 = tpu.memref_squeeze %dma_start3A_114 : memref<1x8x384xf32, #tpu.memory_space<vmem>> -> memref<8x384xf32, #tpu.memory_space<vmem>>
    %dma_start3A_116 = arith.constant 0 : i32
    %dma_start3A_117 = tpu.memref_slice %arg3[%select_n3A, %dma_start3A_103, %add3A_85, %dma_start3A_116] : memref<8x3x384x384xf32, #tpu.memory_space<hbm>> -> memref<1x1x8x384xf32, #tpu.memory_space<hbm>>
    %dma_start3A_118 = tpu.memref_squeeze %dma_start3A_117 : memref<1x1x8x384xf32, #tpu.memory_space<hbm>> -> memref<8x384xf32, #tpu.memory_space<hbm>>
    tpu.enqueue_dma source(%dma_start3A_118 : memref<8x384xf32, #tpu.memory_space<hbm>>) target(%dma_start3A_115 : memref<8x384xf32, #tpu.memory_space<vmem>>) target_semaphore(%arg12 : memref<!tpu.dma_semaphore, #tpu.memory_space<semaphore_mem>>)
    %dma_start3A_119 = arith.constant 2 : i32
    %dma_start3A_120 = arith.constant 1 : i32
    %dma_start3A_121 = arith.constant 0 : i32
    %dma_start3A_122 = arith.constant 0 : i32
    %dma_start3A_123 = tpu.memref_slice %arg8[%dma_start3A_120, %dma_start3A_121, %dma_start3A_122] : memref<2x8x384xf32, #tpu.memory_space<vmem>> -> memref<1x8x384xf32, #tpu.memory_space<vmem>>
    %dma_start3A_124 = tpu.memref_squeeze %dma_start3A_123 : memref<1x8x384xf32, #tpu.memory_space<vmem>> -> memref<8x384xf32, #tpu.memory_space<vmem>>
    %dma_start3A_125 = arith.constant 0 : i32
    %dma_start3A_126 = tpu.memref_slice %arg3[%select_n3A, %dma_start3A_119, %add3A_85, %dma_start3A_125] : memref<8x3x384x384xf32, #tpu.memory_space<hbm>> -> memref<1x1x8x384xf32, #tpu.memory_space<hbm>>
    %dma_start3A_127 = tpu.memref_squeeze %dma_start3A_126 : memref<1x1x8x384xf32, #tpu.memory_space<hbm>> -> memref<8x384xf32, #tpu.memory_space<hbm>>
    %dma_start3A_128 = arith.constant 0 : i32
    %dma_start3A_129 = arith.constant 0 : i32
    %dma_start3A_130 = tpu.memref_slice %arg8[%dma_start3A_120, %dma_start3A_128, %dma_start3A_129] : memref<2x8x384xf32, #tpu.memory_space<vmem>> -> memref<1x8x384xf32, #tpu.memory_space<vmem>>
    %dma_start3A_131 = tpu.memref_squeeze %dma_start3A_130 : memref<1x8x384xf32, #tpu.memory_space<vmem>> -> memref<8x384xf32, #tpu.memory_space<vmem>>
    %dma_start3A_132 = arith.constant 0 : i32
    %dma_start3A_133 = tpu.memref_slice %arg3[%select_n3A, %dma_start3A_119, %add3A_85, %dma_start3A_132] : memref<8x3x384x384xf32, #tpu.memory_space<hbm>> -> memref<1x1x8x384xf32, #tpu.memory_space<hbm>>
    %dma_start3A_134 = tpu.memref_squeeze %dma_start3A_133 : memref<1x1x8x384xf32, #tpu.memory_space<hbm>> -> memref<8x384xf32, #tpu.memory_space<hbm>>
    tpu.enqueue_dma source(%dma_start3A_134 : memref<8x384xf32, #tpu.memory_space<hbm>>) target(%dma_start3A_131 : memref<8x384xf32, #tpu.memory_space<vmem>>) target_semaphore(%arg12 : memref<!tpu.dma_semaphore, #tpu.memory_space<semaphore_mem>>)
    %dma_wait3A = arith.constant 2 : i32
    %dma_wait3A_135 = arith.constant 5 : i32
    %dma_wait3A_136 = arith.constant 0 : i32
    %dma_wait3A_137 = arith.constant 0 : i32
    %dma_wait3A_138 = arith.constant 0 : i32
    %dma_wait3A_139 = tpu.memref_slice %arg6[%dma_wait3A_136, %dma_wait3A_137, %dma_wait3A_138] : memref<2x8x384xf32, #tpu.memory_space<vmem>> -> memref<1x8x384xf32, #tpu.memory_space<vmem>>
    %dma_wait3A_140 = tpu.memref_squeeze %dma_wait3A_139 : memref<1x8x384xf32, #tpu.memory_space<vmem>> -> memref<8x384xf32, #tpu.memory_space<vmem>>
    %dma_wait3A_141 = arith.constant 0 : i32
    %dma_wait3A_142 = tpu.memref_slice %arg2[%dma_wait3A, %select_n3A, %dma_wait3A_135, %add3A_35, %dma_wait3A_141] : memref<3x8x6x384x384xf32, #tpu.memory_space<hbm>> -> memref<1x1x1x8x384xf32, #tpu.memory_space<hbm>>
    %dma_wait3A_143 = tpu.memref_squeeze %dma_wait3A_142 : memref<1x1x1x8x384xf32, #tpu.memory_space<hbm>> -> memref<8x384xf32, #tpu.memory_space<hbm>>
    %dma_wait3A_144 = arith.constant 0 : i32
    %dma_wait3A_145 = arith.constant 0 : i32
    %dma_wait3A_146 = tpu.memref_slice %arg6[%dma_wait3A_136, %dma_wait3A_144, %dma_wait3A_145] : memref<2x8x384xf32, #tpu.memory_space<vmem>> -> memref<1x8x384xf32, #tpu.memory_space<vmem>>
    %dma_wait3A_147 = tpu.memref_squeeze %dma_wait3A_146 : memref<1x8x384xf32, #tpu.memory_space<vmem>> -> memref<8x384xf32, #tpu.memory_space<vmem>>
    %dma_wait3A_148 = arith.constant 0 : i32
    %dma_wait3A_149 = tpu.memref_slice %arg2[%dma_wait3A, %select_n3A, %dma_wait3A_135, %add3A_35, %dma_wait3A_148] : memref<3x8x6x384x384xf32, #tpu.memory_space<hbm>> -> memref<1x1x1x8x384xf32, #tpu.memory_space<hbm>>
    %dma_wait3A_150 = tpu.memref_squeeze %dma_wait3A_149 : memref<1x1x1x8x384xf32, #tpu.memory_space<hbm>> -> memref<8x384xf32, #tpu.memory_space<hbm>>
    tpu.wait_dma2 semaphore(%arg11 : memref<!tpu.dma_semaphore, #tpu.memory_space<semaphore_mem>>) src(%dma_wait3A_150 : memref<8x384xf32, #tpu.memory_space<hbm>>) dst(%dma_wait3A_147 : memref<8x384xf32, #tpu.memory_space<vmem>>)
    %dma_wait3A_151 = arith.constant 0 : i32
    %dma_wait3A_152 = arith.constant 0 : i32
    %dma_wait3A_153 = arith.constant 0 : i32
    %dma_wait3A_154 = arith.constant 0 : i32
    %dma_wait3A_155 = tpu.memref_slice %arg7[%dma_wait3A_152, %dma_wait3A_153, %dma_wait3A_154] : memref<2x8x384xf32, #tpu.memory_space<vmem>> -> memref<1x8x384xf32, #tpu.memory_space<vmem>>
    %dma_wait3A_156 = tpu.memref_squeeze %dma_wait3A_155 : memref<1x8x384xf32, #tpu.memory_space<vmem>> -> memref<8x384xf32, #tpu.memory_space<vmem>>
    %dma_wait3A_157 = arith.constant 0 : i32
    %dma_wait3A_158 = tpu.memref_slice %arg3[%select_n3A, %dma_wait3A_151, %add3A_35, %dma_wait3A_157] : memref<8x3x384x384xf32, #tpu.memory_space<hbm>> -> memref<1x1x8x384xf32, #tpu.memory_space<hbm>>
    %dma_wait3A_159 = tpu.memref_squeeze %dma_wait3A_158 : memref<1x1x8x384xf32, #tpu.memory_space<hbm>> -> memref<8x384xf32, #tpu.memory_space<hbm>>
    %dma_wait3A_160 = arith.constant 0 : i32
    %dma_wait3A_161 = arith.constant 0 : i32
    %dma_wait3A_162 = tpu.memref_slice %arg7[%dma_wait3A_152, %dma_wait3A_160, %dma_wait3A_161] : memref<2x8x384xf32, #tpu.memory_space<vmem>> -> memref<1x8x384xf32, #tpu.memory_space<vmem>>
    %dma_wait3A_163 = tpu.memref_squeeze %dma_wait3A_162 : memref<1x8x384xf32, #tpu.memory_space<vmem>> -> memref<8x384xf32, #tpu.memory_space<vmem>>
    %dma_wait3A_164 = arith.constant 0 : i32
    %dma_wait3A_165 = tpu.memref_slice %arg3[%select_n3A, %dma_wait3A_151, %add3A_35, %dma_wait3A_164] : memref<8x3x384x384xf32, #tpu.memory_space<hbm>> -> memref<1x1x8x384xf32, #tpu.memory_space<hbm>>
    %dma_wait3A_166 = tpu.memref_squeeze %dma_wait3A_165 : memref<1x1x8x384xf32, #tpu.memory_space<hbm>> -> memref<8x384xf32, #tpu.memory_space<hbm>>
    tpu.wait_dma2 semaphore(%arg11 : memref<!tpu.dma_semaphore, #tpu.memory_space<semaphore_mem>>) src(%dma_wait3A_166 : memref<8x384xf32, #tpu.memory_space<hbm>>) dst(%dma_wait3A_163 : memref<8x384xf32, #tpu.memory_space<vmem>>)
    %dma_wait3A_167 = arith.constant 2 : i32
    %dma_wait3A_168 = arith.constant 0 : i32
    %dma_wait3A_169 = arith.constant 0 : i32
    %dma_wait3A_170 = arith.constant 0 : i32
    %dma_wait3A_171 = tpu.memref_slice %arg8[%dma_wait3A_168, %dma_wait3A_169, %dma_wait3A_170] : memref<2x8x384xf32, #tpu.memory_space<vmem>> -> memref<1x8x384xf32, #tpu.memory_space<vmem>>
    %dma_wait3A_172 = tpu.memref_squeeze %dma_wait3A_171 : memref<1x8x384xf32, #tpu.memory_space<vmem>> -> memref<8x384xf32, #tpu.memory_space<vmem>>
    %dma_wait3A_173 = arith.constant 0 : i32
    %dma_wait3A_174 = tpu.memref_slice %arg3[%select_n3A, %dma_wait3A_167, %add3A_35, %dma_wait3A_173] : memref<8x3x384x384xf32, #tpu.memory_space<hbm>> -> memref<1x1x8x384xf32, #tpu.memory_space<hbm>>
    %dma_wait3A_175 = tpu.memref_squeeze %dma_wait3A_174 : memref<1x1x8x384xf32, #tpu.memory_space<hbm>> -> memref<8x384xf32, #tpu.memory_space<hbm>>
    %dma_wait3A_176 = arith.constant 0 : i32
    %dma_wait3A_177 = arith.constant 0 : i32
    %dma_wait3A_178 = tpu.memref_slice %arg8[%dma_wait3A_168, %dma_wait3A_176, %dma_wait3A_177] : memref<2x8x384xf32, #tpu.memory_space<vmem>> -> memref<1x8x384xf32, #tpu.memory_space<vmem>>
    %dma_wait3A_179 = tpu.memref_squeeze %dma_wait3A_178 : memref<1x8x384xf32, #tpu.memory_space<vmem>> -> memref<8x384xf32, #tpu.memory_space<vmem>>
    %dma_wait3A_180 = arith.constant 0 : i32
    %dma_wait3A_181 = tpu.memref_slice %arg3[%select_n3A, %dma_wait3A_167, %add3A_35, %dma_wait3A_180] : memref<8x3x384x384xf32, #tpu.memory_space<hbm>> -> memref<1x1x8x384xf32, #tpu.memory_space<hbm>>
    %dma_wait3A_182 = tpu.memref_squeeze %dma_wait3A_181 : memref<1x1x8x384xf32, #tpu.memory_space<hbm>> -> memref<8x384xf32, #tpu.memory_space<hbm>>
    tpu.wait_dma2 semaphore(%arg11 : memref<!tpu.dma_semaphore, #tpu.memory_space<semaphore_mem>>) src(%dma_wait3A_182 : memref<8x384xf32, #tpu.memory_space<hbm>>) dst(%dma_wait3A_179 : memref<8x384xf32, #tpu.memory_space<vmem>>)
    %scan3A = arith.constant 0 : i32
    %scan3A_183 = arith.constant 8 : i32
    %scan3A_184 = arith.addi %scan3A, %scan3A_183 : i32
    %scan3A_185 = arith.constant 1 : i32
    %scan3A_186:16 = scf.for %scan3A_370 = %scan3A to %scan3A_184 step %scan3A_185 iter_args(%scan3A_371 = %broadcast_in_dim3A_33, %scan3A_372 = %broadcast_in_dim3A_33, %scan3A_373 = %broadcast_in_dim3A_33, %scan3A_374 = %broadcast_in_dim3A_33, %scan3A_375 = %broadcast_in_dim3A_33, %scan3A_376 = %broadcast_in_dim3A_33, %scan3A_377 = %broadcast_in_dim3A_33, %scan3A_378 = %broadcast_in_dim3A_33, %scan3A_379 = %broadcast_in_dim3A_33, %scan3A_380 = %broadcast_in_dim3A_33, %scan3A_381 = %broadcast_in_dim3A_33, %scan3A_382 = %broadcast_in_dim3A_33, %scan3A_383 = %broadcast_in_dim3A_33, %scan3A_384 = %broadcast_in_dim3A_33, %scan3A_385 = %broadcast_in_dim3A_33, %scan3A_386 = %broadcast_in_dim3A_33) -> (vector<16xf32>, vector<16xf32>, vector<16xf32>, vector<16xf32>, vector<16xf32>, vector<16xf32>, vector<16xf32>, vector<16xf32>, vector<16xf32>, vector<16xf32>, vector<16xf32>, vector<16xf32>, vector<16xf32>, vector<16xf32>, vector<16xf32>, vector<16xf32>)  : i32 {
      %get3A = arith.constant 0 : i32
      %get3A_387 = arith.index_cast %get3A : i32 to index
      %get3A_388 = arith.index_cast %scan3A_370 : i32 to index
      %get3A_389 = arith.constant 0 : index
      %get3A_390 = tpu.vector_load %arg6[%get3A_387, %get3A_388, %get3A_389] {strides = array<i32>} : memref<2x8x384xf32, #tpu.memory_space<vmem>>, vector<1x1x16xf32>,
      %get3A_391 = vector.shape_cast %get3A_390 : vector<1x1x16xf32> to vector<16xf32>
      %get3A_392 = arith.constant 0 : i32
      %get3A_393 = arith.index_cast %get3A_392 : i32 to index
      %get3A_394 = arith.index_cast %scan3A_370 : i32 to index
      %get3A_395 = arith.constant 0 : index
      %get3A_396 = tpu.vector_load %arg8[%get3A_393, %get3A_394, %get3A_395] {strides = array<i32>} : memref<2x8x384xf32, #tpu.memory_space<vmem>>, vector<1x1x16xf32>,
      %get3A_397 = vector.shape_cast %get3A_396 : vector<1x1x16xf32> to vector<16xf32>
      %sub3A_398 = arith.subf %get3A_391, %get3A_397 : vector<16xf32>
      %get3A_399 = arith.constant 0 : i32
      %get3A_400 = arith.index_cast %get3A_399 : i32 to index
      %get3A_401 = arith.index_cast %scan3A_370 : i32 to index
      %get3A_402 = arith.constant 0 : index
      %get3A_403 = tpu.vector_load %arg7[%get3A_400, %get3A_401, %get3A_402] {strides = array<i32>} : memref<2x8x384xf32, #tpu.memory_space<vmem>>, vector<1x1x16xf32>,
      %get3A_404 = vector.shape_cast %get3A_403 : vector<1x1x16xf32> to vector<16xf32>
      %mul3A_405 = arith.mulf %sub3A_398, %sub3A_398 : vector<16xf32>
      %mul3A_406 = arith.mulf %get3A_404, %mul3A_405 : vector<16xf32>
      %add3A_407 = arith.addf %scan3A_371, %mul3A_406 : vector<16xf32>
      %add3A_408 = arith.addf %scan3A_379, %get3A_404 : vector<16xf32>
      %get3A_409 = arith.constant 0 : i32
      %get3A_410 = arith.index_cast %get3A_409 : i32 to index
      %get3A_411 = arith.index_cast %scan3A_370 : i32 to index
      %get3A_412 = arith.constant 16 : index
      %get3A_413 = tpu.vector_load %arg6[%get3A_410, %get3A_411, %get3A_412] {strides = array<i32>} : memref<2x8x384xf32, #tpu.memory_space<vmem>>, vector<1x1x16xf32>,
      %get3A_414 = vector.shape_cast %get3A_413 : vector<1x1x16xf32> to vector<16xf32>
      %get3A_415 = arith.constant 0 : i32
      %get3A_416 = arith.index_cast %get3A_415 : i32 to index
      %get3A_417 = arith.index_cast %scan3A_370 : i32 to index
      %get3A_418 = arith.constant 16 : index
      %get3A_419 = tpu.vector_load %arg8[%get3A_416, %get3A_417, %get3A_418] {strides = array<i32>} : memref<2x8x384xf32, #tpu.memory_space<vmem>>, vector<1x1x16xf32>,
      %get3A_420 = vector.shape_cast %get3A_419 : vector<1x1x16xf32> to vector<16xf32>
      %sub3A_421 = arith.subf %get3A_414, %get3A_420 : vector<16xf32>
      %get3A_422 = arith.constant 0 : i32
      %get3A_423 = arith.index_cast %get3A_422 : i32 to index
      %get3A_424 = arith.index_cast %scan3A_370 : i32 to index
      %get3A_425 = arith.constant 16 : index
      %get3A_426 = tpu.vector_load %arg7[%get3A_423, %get3A_424, %get3A_425] {strides = array<i32>} : memref<2x8x384xf32, #tpu.memory_space<vmem>>, vector<1x1x16xf32>,
      %get3A_427 = vector.shape_cast %get3A_426 : vector<1x1x16xf32> to vector<16xf32>
      %mul3A_428 = arith.mulf %sub3A_421, %sub3A_421 : vector<16xf32>
      %mul3A_429 = arith.mulf %get3A_427, %mul3A_428 : vector<16xf32>
      %add3A_430 = arith.addf %scan3A_372, %mul3A_429 : vector<16xf32>
      %add3A_431 = arith.addf %scan3A_380, %get3A_427 : vector<16xf32>
      %get3A_432 = arith.constant 0 : i32
      %get3A_433 = arith.index_cast %get3A_432 : i32 to index
      %get3A_434 = arith.index_cast %scan3A_370 : i32 to index
      %get3A_435 = arith.constant 32 : index
      %get3A_436 = tpu.vector_load %arg6[%get3A_433, %get3A_434, %get3A_435] {strides = array<i32>} : memref<2x8x384xf32, #tpu.memory_space<vmem>>, vector<1x1x16xf32>,
      %get3A_437 = vector.shape_cast %get3A_436 : vector<1x1x16xf32> to vector<16xf32>
      %get3A_438 = arith.constant 0 : i32
      %get3A_439 = arith.index_cast %get3A_438 : i32 to index
      %get3A_440 = arith.index_cast %scan3A_370 : i32 to index
      %get3A_441 = arith.constant 32 : index
      %get3A_442 = tpu.vector_load %arg8[%get3A_439, %get3A_440, %get3A_441] {strides = array<i32>} : memref<2x8x384xf32, #tpu.memory_space<vmem>>, vector<1x1x16xf32>,
      %get3A_443 = vector.shape_cast %get3A_442 : vector<1x1x16xf32> to vector<16xf32>
      %sub3A_444 = arith.subf %get3A_437, %get3A_443 : vector<16xf32>
      %get3A_445 = arith.constant 0 : i32
      %get3A_446 = arith.index_cast %get3A_445 : i32 to index
      %get3A_447 = arith.index_cast %scan3A_370 : i32 to index
      %get3A_448 = arith.constant 32 : index
      %get3A_449 = tpu.vector_load %arg7[%get3A_446, %get3A_447, %get3A_448] {strides = array<i32>} : memref<2x8x384xf32, #tpu.memory_space<vmem>>, vector<1x1x16xf32>,
      %get3A_450 = vector.shape_cast %get3A_449 : vector<1x1x16xf32> to vector<16xf32>
      %mul3A_451 = arith.mulf %sub3A_444, %sub3A_444 : vector<16xf32>
      %mul3A_452 = arith.mulf %get3A_450, %mul3A_451 : vector<16xf32>
      %add3A_453 = arith.addf %scan3A_373, %mul3A_452 : vector<16xf32>
      %add3A_454 = arith.addf %scan3A_381, %get3A_450 : vector<16xf32>
      %get3A_455 = arith.constant 0 : i32
      %get3A_456 = arith.index_cast %get3A_455 : i32 to index
      %get3A_457 = arith.index_cast %scan3A_370 : i32 to index
      %get3A_458 = arith.constant 48 : index
      %get3A_459 = tpu.vector_load %arg6[%get3A_456, %get3A_457, %get3A_458] {strides = array<i32>} : memref<2x8x384xf32, #tpu.memory_space<vmem>>, vector<1x1x16xf32>,
      %get3A_460 = vector.shape_cast %get3A_459 : vector<1x1x16xf32> to vector<16xf32>
      %get3A_461 = arith.constant 0 : i32
      %get3A_462 = arith.index_cast %get3A_461 : i32 to index
      %get3A_463 = arith.index_cast %scan3A_370 : i32 to index
      %get3A_464 = arith.constant 48 : index
      %get3A_465 = tpu.vector_load %arg8[%get3A_462, %get3A_463, %get3A_464] {strides = array<i32>} : memref<2x8x384xf32, #tpu.memory_space<vmem>>, vector<1x1x16xf32>,
      %get3A_466 = vector.shape_cast %get3A_465 : vector<1x1x16xf32> to vector<16xf32>
      %sub3A_467 = arith.subf %get3A_460, %get3A_466 : vector<16xf32>
      %get3A_468 = arith.constant 0 : i32
      %get3A_469 = arith.index_cast %get3A_468 : i32 to index
      %get3A_470 = arith.index_cast %scan3A_370 : i32 to index
      %get3A_471 = arith.constant 48 : index
      %get3A_472 = tpu.vector_load %arg7[%get3A_469, %get3A_470, %get3A_471] {strides = array<i32>} : memref<2x8x384xf32, #tpu.memory_space<vmem>>, vector<1x1x16xf32>,
      %get3A_473 = vector.shape_cast %get3A_472 : vector<1x1x16xf32> to vector<16xf32>
      %mul3A_474 = arith.mulf %sub3A_467, %sub3A_467 : vector<16xf32>
      %mul3A_475 = arith.mulf %get3A_473, %mul3A_474 : vector<16xf32>
      %add3A_476 = arith.addf %scan3A_374, %mul3A_475 : vector<16xf32>
      %add3A_477 = arith.addf %scan3A_382, %get3A_473 : vector<16xf32>
      %get3A_478 = arith.constant 0 : i32
      %get3A_479 = arith.index_cast %get3A_478 : i32 to index
      %get3A_480 = arith.index_cast %scan3A_370 : i32 to index
      %get3A_481 = arith.constant 64 : index
      %get3A_482 = tpu.vector_load %arg6[%get3A_479, %get3A_480, %get3A_481] {strides = array<i32>} : memref<2x8x384xf32, #tpu.memory_space<vmem>>, vector<1x1x16xf32>,
      %get3A_483 = vector.shape_cast %get3A_482 : vector<1x1x16xf32> to vector<16xf32>
      %get3A_484 = arith.constant 0 : i32
      %get3A_485 = arith.index_cast %get3A_484 : i32 to index
      %get3A_486 = arith.index_cast %scan3A_370 : i32 to index
      %get3A_487 = arith.constant 64 : index
      %get3A_488 = tpu.vector_load %arg8[%get3A_485, %get3A_486, %get3A_487] {strides = array<i32>} : memref<2x8x384xf32, #tpu.memory_space<vmem>>, vector<1x1x16xf32>,
      %get3A_489 = vector.shape_cast %get3A_488 : vector<1x1x16xf32> to vector<16xf32>
      %sub3A_490 = arith.subf %get3A_483, %get3A_489 : vector<16xf32>
      %get3A_491 = arith.constant 0 : i32
      %get3A_492 = arith.index_cast %get3A_491 : i32 to index
      %get3A_493 = arith.index_cast %scan3A_370 : i32 to index
      %get3A_494 = arith.constant 64 : index
      %get3A_495 = tpu.vector_load %arg7[%get3A_492, %get3A_493, %get3A_494] {strides = array<i32>} : memref<2x8x384xf32, #tpu.memory_space<vmem>>, vector<1x1x16xf32>,
      %get3A_496 = vector.shape_cast %get3A_495 : vector<1x1x16xf32> to vector<16xf32>
      %mul3A_497 = arith.mulf %sub3A_490, %sub3A_490 : vector<16xf32>
      %mul3A_498 = arith.mulf %get3A_496, %mul3A_497 : vector<16xf32>
      %add3A_499 = arith.addf %scan3A_375, %mul3A_498 : vector<16xf32>
      %add3A_500 = arith.addf %scan3A_383, %get3A_496 : vector<16xf32>
      %get3A_501 = arith.constant 0 : i32
      %get3A_502 = arith.index_cast %get3A_501 : i32 to index
      %get3A_503 = arith.index_cast %scan3A_370 : i32 to index
      %get3A_504 = arith.constant 80 : index
      %get3A_505 = tpu.vector_load %arg6[%get3A_502, %get3A_503, %get3A_504] {strides = array<i32>} : memref<2x8x384xf32, #tpu.memory_space<vmem>>, vector<1x1x16xf32>,
      %get3A_506 = vector.shape_cast %get3A_505 : vector<1x1x16xf32> to vector<16xf32>
      %get3A_507 = arith.constant 0 : i32
      %get3A_508 = arith.index_cast %get3A_507 : i32 to index
      %get3A_509 = arith.index_cast %scan3A_370 : i32 to index
      %get3A_510 = arith.constant 80 : index
      %get3A_511 = tpu.vector_load %arg8[%get3A_508, %get3A_509, %get3A_510] {strides = array<i32>} : memref<2x8x384xf32, #tpu.memory_space<vmem>>, vector<1x1x16xf32>,
      %get3A_512 = vector.shape_cast %get3A_511 : vector<1x1x16xf32> to vector<16xf32>
      %sub3A_513 = arith.subf %get3A_506, %get3A_512 : vector<16xf32>
      %get3A_514 = arith.constant 0 : i32
      %get3A_515 = arith.index_cast %get3A_514 : i32 to index
      %get3A_516 = arith.index_cast %scan3A_370 : i32 to index
      %get3A_517 = arith.constant 80 : index
      %get3A_518 = tpu.vector_load %arg7[%get3A_515, %get3A_516, %get3A_517] {strides = array<i32>} : memref<2x8x384xf32, #tpu.memory_space<vmem>>, vector<1x1x16xf32>,
      %get3A_519 = vector.shape_cast %get3A_518 : vector<1x1x16xf32> to vector<16xf32>
      %mul3A_520 = arith.mulf %sub3A_513, %sub3A_513 : vector<16xf32>
      %mul3A_521 = arith.mulf %get3A_519, %mul3A_520 : vector<16xf32>
      %add3A_522 = arith.addf %scan3A_376, %mul3A_521 : vector<16xf32>
      %add3A_523 = arith.addf %scan3A_384, %get3A_519 : vector<16xf32>
      %get3A_524 = arith.constant 0 : i32
      %get3A_525 = arith.index_cast %get3A_524 : i32 to index
      %get3A_526 = arith.index_cast %scan3A_370 : i32 to index
      %get3A_527 = arith.constant 96 : index
      %get3A_528 = tpu.vector_load %arg6[%get3A_525, %get3A_526, %get3A_527] {strides = array<i32>} : memref<2x8x384xf32, #tpu.memory_space<vmem>>, vector<1x1x16xf32>,
      %get3A_529 = vector.shape_cast %get3A_528 : vector<1x1x16xf32> to vector<16xf32>
      %get3A_530 = arith.constant 0 : i32
      %get3A_531 = arith.index_cast %get3A_530 : i32 to index
      %get3A_532 = arith.index_cast %scan3A_370 : i32 to index
      %get3A_533 = arith.constant 96 : index
      %get3A_534 = tpu.vector_load %arg8[%get3A_531, %get3A_532, %get3A_533] {strides = array<i32>} : memref<2x8x384xf32, #tpu.memory_space<vmem>>, vector<1x1x16xf32>,
      %get3A_535 = vector.shape_cast %get3A_534 : vector<1x1x16xf32> to vector<16xf32>
      %sub3A_536 = arith.subf %get3A_529, %get3A_535 : vector<16xf32>
      %get3A_537 = arith.constant 0 : i32
      %get3A_538 = arith.index_cast %get3A_537 : i32 to index
      %get3A_539 = arith.index_cast %scan3A_370 : i32 to index
      %get3A_540 = arith.constant 96 : index
      %get3A_541 = tpu.vector_load %arg7[%get3A_538, %get3A_539, %get3A_540] {strides = array<i32>} : memref<2x8x384xf32, #tpu.memory_space<vmem>>, vector<1x1x16xf32>,
      %get3A_542 = vector.shape_cast %get3A_541 : vector<1x1x16xf32> to vector<16xf32>
      %mul3A_543 = arith.mulf %sub3A_536, %sub3A_536 : vector<16xf32>
      %mul3A_544 = arith.mulf %get3A_542, %mul3A_543 : vector<16xf32>
      %add3A_545 = arith.addf %scan3A_377, %mul3A_544 : vector<16xf32>
      %add3A_546 = arith.addf %scan3A_385, %get3A_542 : vector<16xf32>
      %get3A_547 = arith.constant 0 : i32
      %get3A_548 = arith.index_cast %get3A_547 : i32 to index
      %get3A_549 = arith.index_cast %scan3A_370 : i32 to index
      %get3A_550 = arith.constant 112 : index
      %get3A_551 = tpu.vector_load %arg6[%get3A_548, %get3A_549, %get3A_550] {strides = array<i32>} : memref<2x8x384xf32, #tpu.memory_space<vmem>>, vector<1x1x16xf32>,
      %get3A_552 = vector.shape_cast %get3A_551 : vector<1x1x16xf32> to vector<16xf32>
      %get3A_553 = arith.constant 0 : i32
      %get3A_554 = arith.index_cast %get3A_553 : i32 to index
      %get3A_555 = arith.index_cast %scan3A_370 : i32 to index
      %get3A_556 = arith.constant 112 : index
      %get3A_557 = tpu.vector_load %arg8[%get3A_554, %get3A_555, %get3A_556] {strides = array<i32>} : memref<2x8x384xf32, #tpu.memory_space<vmem>>, vector<1x1x16xf32>,
      %get3A_558 = vector.shape_cast %get3A_557 : vector<1x1x16xf32> to vector<16xf32>
      %sub3A_559 = arith.subf %get3A_552, %get3A_558 : vector<16xf32>
      %get3A_560 = arith.constant 0 : i32
      %get3A_561 = arith.index_cast %get3A_560 : i32 to index
      %get3A_562 = arith.index_cast %scan3A_370 : i32 to index
      %get3A_563 = arith.constant 112 : index
      %get3A_564 = tpu.vector_load %arg7[%get3A_561, %get3A_562, %get3A_563] {strides = array<i32>} : memref<2x8x384xf32, #tpu.memory_space<vmem>>, vector<1x1x16xf32>,
      %get3A_565 = vector.shape_cast %get3A_564 : vector<1x1x16xf32> to vector<16xf32>
      %mul3A_566 = arith.mulf %sub3A_559, %sub3A_559 : vector<16xf32>
      %mul3A_567 = arith.mulf %get3A_565, %mul3A_566 : vector<16xf32>
      %add3A_568 = arith.addf %scan3A_378, %mul3A_567 : vector<16xf32>
      %add3A_569 = arith.addf %scan3A_386, %get3A_565 : vector<16xf32>
      %get3A_570 = arith.constant 0 : i32
      %get3A_571 = arith.index_cast %get3A_570 : i32 to index
      %get3A_572 = arith.index_cast %scan3A_370 : i32 to index
      %get3A_573 = arith.constant 128 : index
      %get3A_574 = tpu.vector_load %arg6[%get3A_571, %get3A_572, %get3A_573] {strides = array<i32>} : memref<2x8x384xf32, #tpu.memory_space<vmem>>, vector<1x1x16xf32>,
      %get3A_575 = vector.shape_cast %get3A_574 : vector<1x1x16xf32> to vector<16xf32>
      %get3A_576 = arith.constant 0 : i32
      %get3A_577 = arith.index_cast %get3A_576 : i32 to index
      %get3A_578 = arith.index_cast %scan3A_370 : i32 to index
      %get3A_579 = arith.constant 128 : index
      %get3A_580 = tpu.vector_load %arg8[%get3A_577, %get3A_578, %get3A_579] {strides = array<i32>} : memref<2x8x384xf32, #tpu.memory_space<vmem>>, vector<1x1x16xf32>,
      %get3A_581 = vector.shape_cast %get3A_580 : vector<1x1x16xf32> to vector<16xf32>
      %sub3A_582 = arith.subf %get3A_575, %get3A_581 : vector<16xf32>
      %get3A_583 = arith.constant 0 : i32
      %get3A_584 = arith.index_cast %get3A_583 : i32 to index
      %get3A_585 = arith.index_cast %scan3A_370 : i32 to index
      %get3A_586 = arith.constant 128 : index
      %get3A_587 = tpu.vector_load %arg7[%get3A_584, %get3A_585, %get3A_586] {strides = array<i32>} : memref<2x8x384xf32, #tpu.memory_space<vmem>>, vector<1x1x16xf32>,
      %get3A_588 = vector.shape_cast %get3A_587 : vector<1x1x16xf32> to vector<16xf32>
      %mul3A_589 = arith.mulf %sub3A_582, %sub3A_582 : vector<16xf32>
      %mul3A_590 = arith.mulf %get3A_588, %mul3A_589 : vector<16xf32>
      %add3A_591 = arith.addf %add3A_407, %mul3A_590 : vector<16xf32>
      %add3A_592 = arith.addf %add3A_408, %get3A_588 : vector<16xf32>
      %get3A_593 = arith.constant 0 : i32
      %get3A_594 = arith.index_cast %get3A_593 : i32 to index
      %get3A_595 = arith.index_cast %scan3A_370 : i32 to index
      %get3A_596 = arith.constant 144 : index
      %get3A_597 = tpu.vector_load %arg6[%get3A_594, %get3A_595, %get3A_596] {strides = array<i32>} : memref<2x8x384xf32, #tpu.memory_space<vmem>>, vector<1x1x16xf32>,
      %get3A_598 = vector.shape_cast %get3A_597 : vector<1x1x16xf32> to vector<16xf32>
      %get3A_599 = arith.constant 0 : i32
      %get3A_600 = arith.index_cast %get3A_599 : i32 to index
      %get3A_601 = arith.index_cast %scan3A_370 : i32 to index
      %get3A_602 = arith.constant 144 : index
      %get3A_603 = tpu.vector_load %arg8[%get3A_600, %get3A_601, %get3A_602] {strides = array<i32>} : memref<2x8x384xf32, #tpu.memory_space<vmem>>, vector<1x1x16xf32>,
      %get3A_604 = vector.shape_cast %get3A_603 : vector<1x1x16xf32> to vector<16xf32>
      %sub3A_605 = arith.subf %get3A_598, %get3A_604 : vector<16xf32>
      %get3A_606 = arith.constant 0 : i32
      %get3A_607 = arith.index_cast %get3A_606 : i32 to index
      %get3A_608 = arith.index_cast %scan3A_370 : i32 to index
      %get3A_609 = arith.constant 144 : index
      %get3A_610 = tpu.vector_load %arg7[%get3A_607, %get3A_608, %get3A_609] {strides = array<i32>} : memref<2x8x384xf32, #tpu.memory_space<vmem>>, vector<1x1x16xf32>,
      %get3A_611 = vector.shape_cast %get3A_610 : vector<1x1x16xf32> to vector<16xf32>
      %mul3A_612 = arith.mulf %sub3A_605, %sub3A_605 : vector<16xf32>
      %mul3A_613 = arith.mulf %get3A_611, %mul3A_612 : vector<16xf32>
      %add3A_614 = arith.addf %add3A_430, %mul3A_613 : vector<16xf32>
      %add3A_615 = arith.addf %add3A_431, %get3A_611 : vector<16xf32>
      %get3A_616 = arith.constant 0 : i32
      %get3A_617 = arith.index_cast %get3A_616 : i32 to index
      %get3A_618 = arith.index_cast %scan3A_370 : i32 to index
      %get3A_619 = arith.constant 160 : index
      %get3A_620 = tpu.vector_load %arg6[%get3A_617, %get3A_618, %get3A_619] {strides = array<i32>} : memref<2x8x384xf32, #tpu.memory_space<vmem>>, vector<1x1x16xf32>,
      %get3A_621 = vector.shape_cast %get3A_620 : vector<1x1x16xf32> to vector<16xf32>
      %get3A_622 = arith.constant 0 : i32
      %get3A_623 = arith.index_cast %get3A_622 : i32 to index
      %get3A_624 = arith.index_cast %scan3A_370 : i32 to index
      %get3A_625 = arith.constant 160 : index
      %get3A_626 = tpu.vector_load %arg8[%get3A_623, %get3A_624, %get3A_625] {strides = array<i32>} : memref<2x8x384xf32, #tpu.memory_space<vmem>>, vector<1x1x16xf32>,
      %get3A_627 = vector.shape_cast %get3A_626 : vector<1x1x16xf32> to vector<16xf32>
      %sub3A_628 = arith.subf %get3A_621, %get3A_627 : vector<16xf32>
      %get3A_629 = arith.constant 0 : i32
      %get3A_630 = arith.index_cast %get3A_629 : i32 to index
      %get3A_631 = arith.index_cast %scan3A_370 : i32 to index
      %get3A_632 = arith.constant 160 : index
      %get3A_633 = tpu.vector_load %arg7[%get3A_630, %get3A_631, %get3A_632] {strides = array<i32>} : memref<2x8x384xf32, #tpu.memory_space<vmem>>, vector<1x1x16xf32>,
      %get3A_634 = vector.shape_cast %get3A_633 : vector<1x1x16xf32> to vector<16xf32>
      %mul3A_635 = arith.mulf %sub3A_628, %sub3A_628 : vector<16xf32>
      %mul3A_636 = arith.mulf %get3A_634, %mul3A_635 : vector<16xf32>
      %add3A_637 = arith.addf %add3A_453, %mul3A_636 : vector<16xf32>
      %add3A_638 = arith.addf %add3A_454, %get3A_634 : vector<16xf32>
      %get3A_639 = arith.constant 0 : i32
      %get3A_640 = arith.index_cast %get3A_639 : i32 to index
      %get3A_641 = arith.index_cast %scan3A_370 : i32 to index
      %get3A_642 = arith.constant 176 : index
      %get3A_643 = tpu.vector_load %arg6[%get3A_640, %get3A_641, %get3A_642] {strides = array<i32>} : memref<2x8x384xf32, #tpu.memory_space<vmem>>, vector<1x1x16xf32>,
      %get3A_644 = vector.shape_cast %get3A_643 : vector<1x1x16xf32> to vector<16xf32>
      %get3A_645 = arith.constant 0 : i32
      %get3A_646 = arith.index_cast %get3A_645 : i32 to index
      %get3A_647 = arith.index_cast %scan3A_370 : i32 to index
      %get3A_648 = arith.constant 176 : index
      %get3A_649 = tpu.vector_load %arg8[%get3A_646, %get3A_647, %get3A_648] {strides = array<i32>} : memref<2x8x384xf32, #tpu.memory_space<vmem>>, vector<1x1x16xf32>,
      %get3A_650 = vector.shape_cast %get3A_649 : vector<1x1x16xf32> to vector<16xf32>
      %sub3A_651 = arith.subf %get3A_644, %get3A_650 : vector<16xf32>
      %get3A_652 = arith.constant 0 : i32
      %get3A_653 = arith.index_cast %get3A_652 : i32 to index
      %get3A_654 = arith.index_cast %scan3A_370 : i32 to index
      %get3A_655 = arith.constant 176 : index
      %get3A_656 = tpu.vector_load %arg7[%get3A_653, %get3A_654, %get3A_655] {strides = array<i32>} : memref<2x8x384xf32, #tpu.memory_space<vmem>>, vector<1x1x16xf32>,
      %get3A_657 = vector.shape_cast %get3A_656 : vector<1x1x16xf32> to vector<16xf32>
      %mul3A_658 = arith.mulf %sub3A_651, %sub3A_651 : vector<16xf32>
      %mul3A_659 = arith.mulf %get3A_657, %mul3A_658 : vector<16xf32>
      %add3A_660 = arith.addf %add3A_476, %mul3A_659 : vector<16xf32>
      %add3A_661 = arith.addf %add3A_477, %get3A_657 : vector<16xf32>
      %get3A_662 = arith.constant 0 : i32
      %get3A_663 = arith.index_cast %get3A_662 : i32 to index
      %get3A_664 = arith.index_cast %scan3A_370 : i32 to index
      %get3A_665 = arith.constant 192 : index
      %get3A_666 = tpu.vector_load %arg6[%get3A_663, %get3A_664, %get3A_665] {strides = array<i32>} : memref<2x8x384xf32, #tpu.memory_space<vmem>>, vector<1x1x16xf32>,
      %get3A_667 = vector.shape_cast %get3A_666 : vector<1x1x16xf32> to vector<16xf32>
      %get3A_668 = arith.constant 0 : i32
      %get3A_669 = arith.index_cast %get3A_668 : i32 to index
      %get3A_670 = arith.index_cast %scan3A_370 : i32 to index
      %get3A_671 = arith.constant 192 : index
      %get3A_672 = tpu.vector_load %arg8[%get3A_669, %get3A_670, %get3A_671] {strides = array<i32>} : memref<2x8x384xf32, #tpu.memory_space<vmem>>, vector<1x1x16xf32>,
      %get3A_673 = vector.shape_cast %get3A_672 : vector<1x1x16xf32> to vector<16xf32>
      %sub3A_674 = arith.subf %get3A_667, %get3A_673 : vector<16xf32>
      %get3A_675 = arith.constant 0 : i32
      %get3A_676 = arith.index_cast %get3A_675 : i32 to index
      %get3A_677 = arith.index_cast %scan3A_370 : i32 to index
      %get3A_678 = arith.constant 192 : index
      %get3A_679 = tpu.vector_load %arg7[%get3A_676, %get3A_677, %get3A_678] {strides = array<i32>} : memref<2x8x384xf32, #tpu.memory_space<vmem>>, vector<1x1x16xf32>,
      %get3A_680 = vector.shape_cast %get3A_679 : vector<1x1x16xf32> to vector<16xf32>
      %mul3A_681 = arith.mulf %sub3A_674, %sub3A_674 : vector<16xf32>
      %mul3A_682 = arith.mulf %get3A_680, %mul3A_681 : vector<16xf32>
      %add3A_683 = arith.addf %add3A_499, %mul3A_682 : vector<16xf32>
      %add3A_684 = arith.addf %add3A_500, %get3A_680 : vector<16xf32>
      %get3A_685 = arith.constant 0 : i32
      %get3A_686 = arith.index_cast %get3A_685 : i32 to index
      %get3A_687 = arith.index_cast %scan3A_370 : i32 to index
      %get3A_688 = arith.constant 208 : index
      %get3A_689 = tpu.vector_load %arg6[%get3A_686, %get3A_687, %get3A_688] {strides = array<i32>} : memref<2x8x384xf32, #tpu.memory_space<vmem>>, vector<1x1x16xf32>,
      %get3A_690 = vector.shape_cast %get3A_689 : vector<1x1x16xf32> to vector<16xf32>
      %get3A_691 = arith.constant 0 : i32
      %get3A_692 = arith.index_cast %get3A_691 : i32 to index
      %get3A_693 = arith.index_cast %scan3A_370 : i32 to index
      %get3A_694 = arith.constant 208 : index
      %get3A_695 = tpu.vector_load %arg8[%get3A_692, %get3A_693, %get3A_694] {strides = array<i32>} : memref<2x8x384xf32, #tpu.memory_space<vmem>>, vector<1x1x16xf32>,
      %get3A_696 = vector.shape_cast %get3A_695 : vector<1x1x16xf32> to vector<16xf32>
      %sub3A_697 = arith.subf %get3A_690, %get3A_696 : vector<16xf32>
      %get3A_698 = arith.constant 0 : i32
      %get3A_699 = arith.index_cast %get3A_698 : i32 to index
      %get3A_700 = arith.index_cast %scan3A_370 : i32 to index
      %get3A_701 = arith.constant 208 : index
      %get3A_702 = tpu.vector_load %arg7[%get3A_699, %get3A_700, %get3A_701] {strides = array<i32>} : memref<2x8x384xf32, #tpu.memory_space<vmem>>, vector<1x1x16xf32>,
      %get3A_703 = vector.shape_cast %get3A_702 : vector<1x1x16xf32> to vector<16xf32>
      %mul3A_704 = arith.mulf %sub3A_697, %sub3A_697 : vector<16xf32>
      %mul3A_705 = arith.mulf %get3A_703, %mul3A_704 : vector<16xf32>
      %add3A_706 = arith.addf %add3A_522, %mul3A_705 : vector<16xf32>
      %add3A_707 = arith.addf %add3A_523, %get3A_703 : vector<16xf32>
      %get3A_708 = arith.constant 0 : i32
      %get3A_709 = arith.index_cast %get3A_708 : i32 to index
      %get3A_710 = arith.index_cast %scan3A_370 : i32 to index
      %get3A_711 = arith.constant 224 : index
      %get3A_712 = tpu.vector_load %arg6[%get3A_709, %get3A_710, %get3A_711] {strides = array<i32>} : memref<2x8x384xf32, #tpu.memory_space<vmem>>, vector<1x1x16xf32>,
      %get3A_713 = vector.shape_cast %get3A_712 : vector<1x1x16xf32> to vector<16xf32>
      %get3A_714 = arith.constant 0 : i32
      %get3A_715 = arith.index_cast %get3A_714 : i32 to index
      %get3A_716 = arith.index_cast %scan3A_370 : i32 to index
      %get3A_717 = arith.constant 224 : index
      %get3A_718 = tpu.vector_load %arg8[%get3A_715, %get3A_716, %get3A_717] {strides = array<i32>} : memref<2x8x384xf32, #tpu.memory_space<vmem>>, vector<1x1x16xf32>,
      %get3A_719 = vector.shape_cast %get3A_718 : vector<1x1x16xf32> to vector<16xf32>
      %sub3A_720 = arith.subf %get3A_713, %get3A_719 : vector<16xf32>
      %get3A_721 = arith.constant 0 : i32
      %get3A_722 = arith.index_cast %get3A_721 : i32 to index
      %get3A_723 = arith.index_cast %scan3A_370 : i32 to index
      %get3A_724 = arith.constant 224 : index
      %get3A_725 = tpu.vector_load %arg7[%get3A_722, %get3A_723, %get3A_724] {strides = array<i32>} : memref<2x8x384xf32, #tpu.memory_space<vmem>>, vector<1x1x16xf32>,
      %get3A_726 = vector.shape_cast %get3A_725 : vector<1x1x16xf32> to vector<16xf32>
      %mul3A_727 = arith.mulf %sub3A_720, %sub3A_720 : vector<16xf32>
      %mul3A_728 = arith.mulf %get3A_726, %mul3A_727 : vector<16xf32>
      %add3A_729 = arith.addf %add3A_545, %mul3A_728 : vector<16xf32>
      %add3A_730 = arith.addf %add3A_546, %get3A_726 : vector<16xf32>
      %get3A_731 = arith.constant 0 : i32
      %get3A_732 = arith.index_cast %get3A_731 : i32 to index
      %get3A_733 = arith.index_cast %scan3A_370 : i32 to index
      %get3A_734 = arith.constant 240 : index
      %get3A_735 = tpu.vector_load %arg6[%get3A_732, %get3A_733, %get3A_734] {strides = array<i32>} : memref<2x8x384xf32, #tpu.memory_space<vmem>>, vector<1x1x16xf32>,
      %get3A_736 = vector.shape_cast %get3A_735 : vector<1x1x16xf32> to vector<16xf32>
      %get3A_737 = arith.constant 0 : i32
      %get3A_738 = arith.index_cast %get3A_737 : i32 to index
      %get3A_739 = arith.index_cast %scan3A_370 : i32 to index
      %get3A_740 = arith.constant 240 : index
      %get3A_741 = tpu.vector_load %arg8[%get3A_738, %get3A_739, %get3A_740] {strides = array<i32>} : memref<2x8x384xf32, #tpu.memory_space<vmem>>, vector<1x1x16xf32>,
      %get3A_742 = vector.shape_cast %get3A_741 : vector<1x1x16xf32> to vector<16xf32>
      %sub3A_743 = arith.subf %get3A_736, %get3A_742 : vector<16xf32>
      %get3A_744 = arith.constant 0 : i32
      %get3A_745 = arith.index_cast %get3A_744 : i32 to index
      %get3A_746 = arith.index_cast %scan3A_370 : i32 to index
      %get3A_747 = arith.constant 240 : index
      %get3A_748 = tpu.vector_load %arg7[%get3A_745, %get3A_746, %get3A_747] {strides = array<i32>} : memref<2x8x384xf32, #tpu.memory_space<vmem>>, vector<1x1x16xf32>,
      %get3A_749 = vector.shape_cast %get3A_748 : vector<1x1x16xf32> to vector<16xf32>
      %mul3A_750 = arith.mulf %sub3A_743, %sub3A_743 : vector<16xf32>
      %mul3A_751 = arith.mulf %get3A_749, %mul3A_750 : vector<16xf32>
      %add3A_752 = arith.addf %add3A_568, %mul3A_751 : vector<16xf32>
      %add3A_753 = arith.addf %add3A_569, %get3A_749 : vector<16xf32>
      %get3A_754 = arith.constant 0 : i32
      %get3A_755 = arith.index_cast %get3A_754 : i32 to index
      %get3A_756 = arith.index_cast %scan3A_370 : i32 to index
      %get3A_757 = arith.constant 256 : index
      %get3A_758 = tpu.vector_load %arg6[%get3A_755, %get3A_756, %get3A_757] {strides = array<i32>} : memref<2x8x384xf32, #tpu.memory_space<vmem>>, vector<1x1x16xf32>,
      %get3A_759 = vector.shape_cast %get3A_758 : vector<1x1x16xf32> to vector<16xf32>
      %get3A_760 = arith.constant 0 : i32
      %get3A_761 = arith.index_cast %get3A_760 : i32 to index
      %get3A_762 = arith.index_cast %scan3A_370 : i32 to index
      %get3A_763 = arith.constant 256 : index
      %get3A_764 = tpu.vector_load %arg8[%get3A_761, %get3A_762, %get3A_763] {strides = array<i32>} : memref<2x8x384xf32, #tpu.memory_space<vmem>>, vector<1x1x16xf32>,
      %get3A_765 = vector.shape_cast %get3A_764 : vector<1x1x16xf32> to vector<16xf32>
      %sub3A_766 = arith.subf %get3A_759, %get3A_765 : vector<16xf32>
      %get3A_767 = arith.constant 0 : i32
      %get3A_768 = arith.index_cast %get3A_767 : i32 to index
      %get3A_769 = arith.index_cast %scan3A_370 : i32 to index
      %get3A_770 = arith.constant 256 : index
      %get3A_771 = tpu.vector_load %arg7[%get3A_768, %get3A_769, %get3A_770] {strides = array<i32>} : memref<2x8x384xf32, #tpu.memory_space<vmem>>, vector<1x1x16xf32>,
      %get3A_772 = vector.shape_cast %get3A_771 : vector<1x1x16xf32> to vector<16xf32>
      %mul3A_773 = arith.mulf %sub3A_766, %sub3A_766 : vector<16xf32>
      %mul3A_774 = arith.mulf %get3A_772, %mul3A_773 : vector<16xf32>
      %add3A_775 = arith.addf %add3A_591, %mul3A_774 : vector<16xf32>
      %add3A_776 = arith.addf %add3A_592, %get3A_772 : vector<16xf32>
      %get3A_777 = arith.constant 0 : i32
      %get3A_778 = arith.index_cast %get3A_777 : i32 to index
      %get3A_779 = arith.index_cast %scan3A_370 : i32 to index
      %get3A_780 = arith.constant 272 : index
      %get3A_781 = tpu.vector_load %arg6[%get3A_778, %get3A_779, %get3A_780] {strides = array<i32>} : memref<2x8x384xf32, #tpu.memory_space<vmem>>, vector<1x1x16xf32>,
      %get3A_782 = vector.shape_cast %get3A_781 : vector<1x1x16xf32> to vector<16xf32>
      %get3A_783 = arith.constant 0 : i32
      %get3A_784 = arith.index_cast %get3A_783 : i32 to index
      %get3A_785 = arith.index_cast %scan3A_370 : i32 to index
      %get3A_786 = arith.constant 272 : index
      %get3A_787 = tpu.vector_load %arg8[%get3A_784, %get3A_785, %get3A_786] {strides = array<i32>} : memref<2x8x384xf32, #tpu.memory_space<vmem>>, vector<1x1x16xf32>,
      %get3A_788 = vector.shape_cast %get3A_787 : vector<1x1x16xf32> to vector<16xf32>
      %sub3A_789 = arith.subf %get3A_782, %get3A_788 : vector<16xf32>
      %get3A_790 = arith.constant 0 : i32
      %get3A_791 = arith.index_cast %get3A_790 : i32 to index
      %get3A_792 = arith.index_cast %scan3A_370 : i32 to index
      %get3A_793 = arith.constant 272 : index
      %get3A_794 = tpu.vector_load %arg7[%get3A_791, %get3A_792, %get3A_793] {strides = array<i32>} : memref<2x8x384xf32, #tpu.memory_space<vmem>>, vector<1x1x16xf32>,
      %get3A_795 = vector.shape_cast %get3A_794 : vector<1x1x16xf32> to vector<16xf32>
      %mul3A_796 = arith.mulf %sub3A_789, %sub3A_789 : vector<16xf32>
      %mul3A_797 = arith.mulf %get3A_795, %mul3A_796 : vector<16xf32>
      %add3A_798 = arith.addf %add3A_614, %mul3A_797 : vector<16xf32>
      %add3A_799 = arith.addf %add3A_615, %get3A_795 : vector<16xf32>
      %get3A_800 = arith.constant 0 : i32
      %get3A_801 = arith.index_cast %get3A_800 : i32 to index
      %get3A_802 = arith.index_cast %scan3A_370 : i32 to index
      %get3A_803 = arith.constant 288 : index
      %get3A_804 = tpu.vector_load %arg6[%get3A_801, %get3A_802, %get3A_803] {strides = array<i32>} : memref<2x8x384xf32, #tpu.memory_space<vmem>>, vector<1x1x16xf32>,
      %get3A_805 = vector.shape_cast %get3A_804 : vector<1x1x16xf32> to vector<16xf32>
      %get3A_806 = arith.constant 0 : i32
      %get3A_807 = arith.index_cast %get3A_806 : i32 to index
      %get3A_808 = arith.index_cast %scan3A_370 : i32 to index
      %get3A_809 = arith.constant 288 : index
      %get3A_810 = tpu.vector_load %arg8[%get3A_807, %get3A_808, %get3A_809] {strides = array<i32>} : memref<2x8x384xf32, #tpu.memory_space<vmem>>, vector<1x1x16xf32>,
      %get3A_811 = vector.shape_cast %get3A_810 : vector<1x1x16xf32> to vector<16xf32>
      %sub3A_812 = arith.subf %get3A_805, %get3A_811 : vector<16xf32>
      %get3A_813 = arith.constant 0 : i32
      %get3A_814 = arith.index_cast %get3A_813 : i32 to index
      %get3A_815 = arith.index_cast %scan3A_370 : i32 to index
      %get3A_816 = arith.constant 288 : index
      %get3A_817 = tpu.vector_load %arg7[%get3A_814, %get3A_815, %get3A_816] {strides = array<i32>} : memref<2x8x384xf32, #tpu.memory_space<vmem>>, vector<1x1x16xf32>,
      %get3A_818 = vector.shape_cast %get3A_817 : vector<1x1x16xf32> to vector<16xf32>
      %mul3A_819 = arith.mulf %sub3A_812, %sub3A_812 : vector<16xf32>
      %mul3A_820 = arith.mulf %get3A_818, %mul3A_819 : vector<16xf32>
      %add3A_821 = arith.addf %add3A_637, %mul3A_820 : vector<16xf32>
      %add3A_822 = arith.addf %add3A_638, %get3A_818 : vector<16xf32>
      %get3A_823 = arith.constant 0 : i32
      %get3A_824 = arith.index_cast %get3A_823 : i32 to index
      %get3A_825 = arith.index_cast %scan3A_370 : i32 to index
      %get3A_826 = arith.constant 304 : index
      %get3A_827 = tpu.vector_load %arg6[%get3A_824, %get3A_825, %get3A_826] {strides = array<i32>} : memref<2x8x384xf32, #tpu.memory_space<vmem>>, vector<1x1x16xf32>,
      %get3A_828 = vector.shape_cast %get3A_827 : vector<1x1x16xf32> to vector<16xf32>
      %get3A_829 = arith.constant 0 : i32
      %get3A_830 = arith.index_cast %get3A_829 : i32 to index
      %get3A_831 = arith.index_cast %scan3A_370 : i32 to index
      %get3A_832 = arith.constant 304 : index
      %get3A_833 = tpu.vector_load %arg8[%get3A_830, %get3A_831, %get3A_832] {strides = array<i32>} : memref<2x8x384xf32, #tpu.memory_space<vmem>>, vector<1x1x16xf32>,
      %get3A_834 = vector.shape_cast %get3A_833 : vector<1x1x16xf32> to vector<16xf32>
      %sub3A_835 = arith.subf %get3A_828, %get3A_834 : vector<16xf32>
      %get3A_836 = arith.constant 0 : i32
      %get3A_837 = arith.index_cast %get3A_836 : i32 to index
      %get3A_838 = arith.index_cast %scan3A_370 : i32 to index
      %get3A_839 = arith.constant 304 : index
      %get3A_840 = tpu.vector_load %arg7[%get3A_837, %get3A_838, %get3A_839] {strides = array<i32>} : memref<2x8x384xf32, #tpu.memory_space<vmem>>, vector<1x1x16xf32>,
      %get3A_841 = vector.shape_cast %get3A_840 : vector<1x1x16xf32> to vector<16xf32>
      %mul3A_842 = arith.mulf %sub3A_835, %sub3A_835 : vector<16xf32>
      %mul3A_843 = arith.mulf %get3A_841, %mul3A_842 : vector<16xf32>
      %add3A_844 = arith.addf %add3A_660, %mul3A_843 : vector<16xf32>
      %add3A_845 = arith.addf %add3A_661, %get3A_841 : vector<16xf32>
      %get3A_846 = arith.constant 0 : i32
      %get3A_847 = arith.index_cast %get3A_846 : i32 to index
      %get3A_848 = arith.index_cast %scan3A_370 : i32 to index
      %get3A_849 = arith.constant 320 : index
      %get3A_850 = tpu.vector_load %arg6[%get3A_847, %get3A_848, %get3A_849] {strides = array<i32>} : memref<2x8x384xf32, #tpu.memory_space<vmem>>, vector<1x1x16xf32>,
      %get3A_851 = vector.shape_cast %get3A_850 : vector<1x1x16xf32> to vector<16xf32>
      %get3A_852 = arith.constant 0 : i32
      %get3A_853 = arith.index_cast %get3A_852 : i32 to index
      %get3A_854 = arith.index_cast %scan3A_370 : i32 to index
      %get3A_855 = arith.constant 320 : index
      %get3A_856 = tpu.vector_load %arg8[%get3A_853, %get3A_854, %get3A_855] {strides = array<i32>} : memref<2x8x384xf32, #tpu.memory_space<vmem>>, vector<1x1x16xf32>,
      %get3A_857 = vector.shape_cast %get3A_856 : vector<1x1x16xf32> to vector<16xf32>
      %sub3A_858 = arith.subf %get3A_851, %get3A_857 : vector<16xf32>
      %get3A_859 = arith.constant 0 : i32
      %get3A_860 = arith.index_cast %get3A_859 : i32 to index
      %get3A_861 = arith.index_cast %scan3A_370 : i32 to index
      %get3A_862 = arith.constant 320 : index
      %get3A_863 = tpu.vector_load %arg7[%get3A_860, %get3A_861, %get3A_862] {strides = array<i32>} : memref<2x8x384xf32, #tpu.memory_space<vmem>>, vector<1x1x16xf32>,
      %get3A_864 = vector.shape_cast %get3A_863 : vector<1x1x16xf32> to vector<16xf32>
      %mul3A_865 = arith.mulf %sub3A_858, %sub3A_858 : vector<16xf32>
      %mul3A_866 = arith.mulf %get3A_864, %mul3A_865 : vector<16xf32>
      %add3A_867 = arith.addf %add3A_683, %mul3A_866 : vector<16xf32>
      %add3A_868 = arith.addf %add3A_684, %get3A_864 : vector<16xf32>
      %get3A_869 = arith.constant 0 : i32
      %get3A_870 = arith.index_cast %get3A_869 : i32 to index
      %get3A_871 = arith.index_cast %scan3A_370 : i32 to index
      %get3A_872 = arith.constant 336 : index
      %get3A_873 = tpu.vector_load %arg6[%get3A_870, %get3A_871, %get3A_872] {strides = array<i32>} : memref<2x8x384xf32, #tpu.memory_space<vmem>>, vector<1x1x16xf32>,
      %get3A_874 = vector.shape_cast %get3A_873 : vector<1x1x16xf32> to vector<16xf32>
      %get3A_875 = arith.constant 0 : i32
      %get3A_876 = arith.index_cast %get3A_875 : i32 to index
      %get3A_877 = arith.index_cast %scan3A_370 : i32 to index
      %get3A_878 = arith.constant 336 : index
      %get3A_879 = tpu.vector_load %arg8[%get3A_876, %get3A_877, %get3A_878] {strides = array<i32>} : memref<2x8x384xf32, #tpu.memory_space<vmem>>, vector<1x1x16xf32>,
      %get3A_880 = vector.shape_cast %get3A_879 : vector<1x1x16xf32> to vector<16xf32>
      %sub3A_881 = arith.subf %get3A_874, %get3A_880 : vector<16xf32>
      %get3A_882 = arith.constant 0 : i32
      %get3A_883 = arith.index_cast %get3A_882 : i32 to index
      %get3A_884 = arith.index_cast %scan3A_370 : i32 to index
      %get3A_885 = arith.constant 336 : index
      %get3A_886 = tpu.vector_load %arg7[%get3A_883, %get3A_884, %get3A_885] {strides = array<i32>} : memref<2x8x384xf32, #tpu.memory_space<vmem>>, vector<1x1x16xf32>,
      %get3A_887 = vector.shape_cast %get3A_886 : vector<1x1x16xf32> to vector<16xf32>
      %mul3A_888 = arith.mulf %sub3A_881, %sub3A_881 : vector<16xf32>
      %mul3A_889 = arith.mulf %get3A_887, %mul3A_888 : vector<16xf32>
      %add3A_890 = arith.addf %add3A_706, %mul3A_889 : vector<16xf32>
      %add3A_891 = arith.addf %add3A_707, %get3A_887 : vector<16xf32>
      %get3A_892 = arith.constant 0 : i32
      %get3A_893 = arith.index_cast %get3A_892 : i32 to index
      %get3A_894 = arith.index_cast %scan3A_370 : i32 to index
      %get3A_895 = arith.constant 352 : index
      %get3A_896 = tpu.vector_load %arg6[%get3A_893, %get3A_894, %get3A_895] {strides = array<i32>} : memref<2x8x384xf32, #tpu.memory_space<vmem>>, vector<1x1x16xf32>,
      %get3A_897 = vector.shape_cast %get3A_896 : vector<1x1x16xf32> to vector<16xf32>
      %get3A_898 = arith.constant 0 : i32
      %get3A_899 = arith.index_cast %get3A_898 : i32 to index
      %get3A_900 = arith.index_cast %scan3A_370 : i32 to index
      %get3A_901 = arith.constant 352 : index
      %get3A_902 = tpu.vector_load %arg8[%get3A_899, %get3A_900, %get3A_901] {strides = array<i32>} : memref<2x8x384xf32, #tpu.memory_space<vmem>>, vector<1x1x16xf32>,
      %get3A_903 = vector.shape_cast %get3A_902 : vector<1x1x16xf32> to vector<16xf32>
      %sub3A_904 = arith.subf %get3A_897, %get3A_903 : vector<16xf32>
      %get3A_905 = arith.constant 0 : i32
      %get3A_906 = arith.index_cast %get3A_905 : i32 to index
      %get3A_907 = arith.index_cast %scan3A_370 : i32 to index
      %get3A_908 = arith.constant 352 : index
      %get3A_909 = tpu.vector_load %arg7[%get3A_906, %get3A_907, %get3A_908] {strides = array<i32>} : memref<2x8x384xf32, #tpu.memory_space<vmem>>, vector<1x1x16xf32>,
      %get3A_910 = vector.shape_cast %get3A_909 : vector<1x1x16xf32> to vector<16xf32>
      %mul3A_911 = arith.mulf %sub3A_904, %sub3A_904 : vector<16xf32>
      %mul3A_912 = arith.mulf %get3A_910, %mul3A_911 : vector<16xf32>
      %add3A_913 = arith.addf %add3A_729, %mul3A_912 : vector<16xf32>
      %add3A_914 = arith.addf %add3A_730, %get3A_910 : vector<16xf32>
      %get3A_915 = arith.constant 0 : i32
      %get3A_916 = arith.index_cast %get3A_915 : i32 to index
      %get3A_917 = arith.index_cast %scan3A_370 : i32 to index
      %get3A_918 = arith.constant 368 : index
      %get3A_919 = tpu.vector_load %arg6[%get3A_916, %get3A_917, %get3A_918] {strides = array<i32>} : memref<2x8x384xf32, #tpu.memory_space<vmem>>, vector<1x1x16xf32>,
      %get3A_920 = vector.shape_cast %get3A_919 : vector<1x1x16xf32> to vector<16xf32>
      %get3A_921 = arith.constant 0 : i32
      %get3A_922 = arith.index_cast %get3A_921 : i32 to index
      %get3A_923 = arith.index_cast %scan3A_370 : i32 to index
      %get3A_924 = arith.constant 368 : index
      %get3A_925 = tpu.vector_load %arg8[%get3A_922, %get3A_923, %get3A_924] {strides = array<i32>} : memref<2x8x384xf32, #tpu.memory_space<vmem>>, vector<1x1x16xf32>,
      %get3A_926 = vector.shape_cast %get3A_925 : vector<1x1x16xf32> to vector<16xf32>
      %sub3A_927 = arith.subf %get3A_920, %get3A_926 : vector<16xf32>
      %get3A_928 = arith.constant 0 : i32
      %get3A_929 = arith.index_cast %get3A_928 : i32 to index
      %get3A_930 = arith.index_cast %scan3A_370 : i32 to index
      %get3A_931 = arith.constant 368 : index
      %get3A_932 = tpu.vector_load %arg7[%get3A_929, %get3A_930, %get3A_931] {strides = array<i32>} : memref<2x8x384xf32, #tpu.memory_space<vmem>>, vector<1x1x16xf32>,
      %get3A_933 = vector.shape_cast %get3A_932 : vector<1x1x16xf32> to vector<16xf32>
      %mul3A_934 = arith.mulf %sub3A_927, %sub3A_927 : vector<16xf32>
      %mul3A_935 = arith.mulf %get3A_933, %mul3A_934 : vector<16xf32>
      %add3A_936 = arith.addf %add3A_752, %mul3A_935 : vector<16xf32>
      %add3A_937 = arith.addf %add3A_753, %get3A_933 : vector<16xf32>
      scf.yield %add3A_775, %add3A_798, %add3A_821, %add3A_844, %add3A_867, %add3A_890, %add3A_913, %add3A_936, %add3A_776, %add3A_799, %add3A_822, %add3A_845, %add3A_868, %add3A_891, %add3A_914, %add3A_937 : vector<16xf32>, vector<16xf32>, vector<16xf32>, vector<16xf32>, vector<16xf32>, vector<16xf32>, vector<16xf32>, vector<16xf32>, vector<16xf32>, vector<16xf32>, vector<16xf32>, vector<16xf32>, vector<16xf32>, vector<16xf32>, vector<16xf32>, vector<16xf32>
    }
    %scan3A_187 = arith.constant 8 : i32
    %add3A_188 = arith.constant 16 : i32
    %add3A_189 = arith.addi %mul3A_32, %add3A_188 : i32
    %dma_start3A_190 = arith.constant 2 : i32
    %dma_start3A_191 = arith.constant 5 : i32
    %dma_start3A_192 = arith.constant 0 : i32
    %dma_start3A_193 = arith.constant 0 : i32
    %dma_start3A_194 = arith.constant 0 : i32
    %dma_start3A_195 = tpu.memref_slice %arg6[%dma_start3A_192, %dma_start3A_193, %dma_start3A_194] : memref<2x8x384xf32, #tpu.memory_space<vmem>> -> memref<1x8x384xf32, #tpu.memory_space<vmem>>
    %dma_start3A_196 = tpu.memref_squeeze %dma_start3A_195 : memref<1x8x384xf32, #tpu.memory_space<vmem>> -> memref<8x384xf32, #tpu.memory_space<vmem>>
    %dma_start3A_197 = arith.constant 0 : i32
    %dma_start3A_198 = tpu.memref_slice %arg2[%dma_start3A_190, %select_n3A, %dma_start3A_191, %add3A_189, %dma_start3A_197] : memref<3x8x6x384x384xf32, #tpu.memory_space<hbm>> -> memref<1x1x1x8x384xf32, #tpu.memory_space<hbm>>
    %dma_start3A_199 = tpu.memref_squeeze %dma_start3A_198 : memref<1x1x1x8x384xf32, #tpu.memory_space<hbm>> -> memref<8x384xf32, #tpu.memory_space<hbm>>
    %dma_start3A_200 = arith.constant 0 : i32
    %dma_start3A_201 = arith.constant 0 : i32
    %dma_start3A_202 = tpu.memref_slice %arg6[%dma_start3A_192, %dma_start3A_200, %dma_start3A_201] : memref<2x8x384xf32, #tpu.memory_space<vmem>> -> memref<1x8x384xf32, #tpu.memory_space<vmem>>
    %dma_start3A_203 = tpu.memref_squeeze %dma_start3A_202 : memref<1x8x384xf32, #tpu.memory_space<vmem>> -> memref<8x384xf32, #tpu.memory_space<vmem>>
    %dma_start3A_204 = arith.constant 0 : i32
    %dma_start3A_205 = tpu.memref_slice %arg2[%dma_start3A_190, %select_n3A, %dma_start3A_191, %add3A_189, %dma_start3A_204] : memref<3x8x6x384x384xf32, #tpu.memory_space<hbm>> -> memref<1x1x1x8x384xf32, #tpu.memory_space<hbm>>
    %dma_start3A_206 = tpu.memref_squeeze %dma_start3A_205 : memref<1x1x1x8x384xf32, #tpu.memory_space<hbm>> -> memref<8x384xf32, #tpu.memory_space<hbm>>
    tpu.enqueue_dma source(%dma_start3A_206 : memref<8x384xf32, #tpu.memory_space<hbm>>) target(%dma_start3A_203 : memref<8x384xf32, #tpu.memory_space<vmem>>) target_semaphore(%arg11 : memref<!tpu.dma_semaphore, #tpu.memory_space<semaphore_mem>>)
    %dma_start3A_207 = arith.constant 0 : i32
    %dma_start3A_208 = arith.constant 0 : i32
    %dma_start3A_209 = arith.constant 0 : i32
    %dma_start3A_210 = arith.constant 0 : i32
    %dma_start3A_211 = tpu.memref_slice %arg7[%dma_start3A_208, %dma_start3A_209, %dma_start3A_210] : memref<2x8x384xf32, #tpu.memory_space<vmem>> -> memref<1x8x384xf32, #tpu.memory_space<vmem>>
    %dma_start3A_212 = tpu.memref_squeeze %dma_start3A_211 : memref<1x8x384xf32, #tpu.memory_space<vmem>> -> memref<8x384xf32, #tpu.memory_space<vmem>>
    %dma_start3A_213 = arith.constant 0 : i32
    %dma_start3A_214 = tpu.memref_slice %arg3[%select_n3A, %dma_start3A_207, %add3A_189, %dma_start3A_213] : memref<8x3x384x384xf32, #tpu.memory_space<hbm>> -> memref<1x1x8x384xf32, #tpu.memory_space<hbm>>
    %dma_start3A_215 = tpu.memref_squeeze %dma_start3A_214 : memref<1x1x8x384xf32, #tpu.memory_space<hbm>> -> memref<8x384xf32, #tpu.memory_space<hbm>>
    %dma_start3A_216 = arith.constant 0 : i32
    %dma_start3A_217 = arith.constant 0 : i32
    %dma_start3A_218 = tpu.memref_slice %arg7[%dma_start3A_208, %dma_start3A_216, %dma_start3A_217] : memref<2x8x384xf32, #tpu.memory_space<vmem>> -> memref<1x8x384xf32, #tpu.memory_space<vmem>>
    %dma_start3A_219 = tpu.memref_squeeze %dma_start3A_218 : memref<1x8x384xf32, #tpu.memory_space<vmem>> -> memref<8x384xf32, #tpu.memory_space<vmem>>
    %dma_start3A_220 = arith.constant 0 : i32
    %dma_start3A_221 = tpu.memref_slice %arg3[%select_n3A, %dma_start3A_207, %add3A_189, %dma_start3A_220] : memref<8x3x384x384xf32, #tpu.memory_space<hbm>> -> memref<1x1x8x384xf32, #tpu.memory_space<hbm>>
    %dma_start3A_222 = tpu.memref_squeeze %dma_start3A_221 : memref<1x1x8x384xf32, #tpu.memory_space<hbm>> -> memref<8x384xf32, #tpu.memory_space<hbm>>
    tpu.enqueue_dma source(%dma_start3A_222 : memref<8x384xf32, #tpu.memory_space<hbm>>) target(%dma_start3A_219 : memref<8x384xf32, #tpu.memory_space<vmem>>) target_semaphore(%arg11 : memref<!tpu.dma_semaphore, #tpu.memory_space<semaphore_mem>>)
    %dma_start3A_223 = arith.constant 2 : i32
    %dma_start3A_224 = arith.constant 0 : i32
    %dma_start3A_225 = arith.constant 0 : i32
    %dma_start3A_226 = arith.constant 0 : i32
    %dma_start3A_227 = tpu.memref_slice %arg8[%dma_start3A_224, %dma_start3A_225, %dma_start3A_226] : memref<2x8x384xf32, #tpu.memory_space<vmem>> -> memref<1x8x384xf32, #tpu.memory_space<vmem>>
    %dma_start3A_228 = tpu.memref_squeeze %dma_start3A_227 : memref<1x8x384xf32, #tpu.memory_space<vmem>> -> memref<8x384xf32, #tpu.memory_space<vmem>>
    %dma_start3A_229 = arith.constant 0 : i32
    %dma_start3A_230 = tpu.memref_slice %arg3[%select_n3A, %dma_start3A_223, %add3A_189, %dma_start3A_229] : memref<8x3x384x384xf32, #tpu.memory_space<hbm>> -> memref<1x1x8x384xf32, #tpu.memory_space<hbm>>
    %dma_start3A_231 = tpu.memref_squeeze %dma_start3A_230 : memref<1x1x8x384xf32, #tpu.memory_space<hbm>> -> memref<8x384xf32, #tpu.memory_space<hbm>>
    %dma_start3A_232 = arith.constant 0 : i32
    %dma_start3A_233 = arith.constant 0 : i32
    %dma_start3A_234 = tpu.memref_slice %arg8[%dma_start3A_224, %dma_start3A_232, %dma_start3A_233] : memref<2x8x384xf32, #tpu.memory_space<vmem>> -> memref<1x8x384xf32, #tpu.memory_space<vmem>>
    %dma_start3A_235 = tpu.memref_squeeze %dma_start3A_234 : memref<1x8x384xf32, #tpu.memory_space<vmem>> -> memref<8x384xf32, #tpu.memory_space<vmem>>
    %dma_start3A_236 = arith.constant 0 : i32
    %dma_start3A_237 = tpu.memref_slice %arg3[%select_n3A, %dma_start3A_223, %add3A_189, %dma_start3A_236] : memref<8x3x384x384xf32, #tpu.memory_space<hbm>> -> memref<1x1x8x384xf32, #tpu.memory_space<hbm>>
    %dma_start3A_238 = tpu.memref_squeeze %dma_start3A_237 : memref<1x1x8x384xf32, #tpu.memory_space<hbm>> -> memref<8x384xf32, #tpu.memory_space<hbm>>
    tpu.enqueue_dma source(%dma_start3A_238 : memref<8x384xf32, #tpu.memory_space<hbm>>) target(%dma_start3A_235 : memref<8x384xf32, #tpu.memory_space<vmem>>) target_semaphore(%arg11 : memref<!tpu.dma_semaphore, #tpu.memory_space<semaphore_mem>>)
    %dma_wait3A_239 = arith.constant 2 : i32
    %dma_wait3A_240 = arith.constant 5 : i32
    %dma_wait3A_241 = arith.constant 1 : i32
    %dma_wait3A_242 = arith.constant 0 : i32
    %dma_wait3A_243 = arith.constant 0 : i32
    %dma_wait3A_244 = tpu.memref_slice %arg6[%dma_wait3A_241, %dma_wait3A_242, %dma_wait3A_243] : memref<2x8x384xf32, #tpu.memory_space<vmem>> -> memref<1x8x384xf32, #tpu.memory_space<vmem>>
    %dma_wait3A_245 = tpu.memref_squeeze %dma_wait3A_244 : memref<1x8x384xf32, #tpu.memory_space<vmem>> -> memref<8x384xf32, #tpu.memory_space<vmem>>
    %dma_wait3A_246 = arith.constant 0 : i32
    %dma_wait3A_247 = tpu.memref_slice %arg2[%dma_wait3A_239, %select_n3A, %dma_wait3A_240, %add3A_85, %dma_wait3A_246] : memref<3x8x6x384x384xf32, #tpu.memory_space<hbm>> -> memref<1x1x1x8x384xf32, #tpu.memory_space<hbm>>
    %dma_wait3A_248 = tpu.memref_squeeze %dma_wait3A_247 : memref<1x1x1x8x384xf32, #tpu.memory_space<hbm>> -> memref<8x384xf32, #tpu.memory_space<hbm>>
    %dma_wait3A_249 = arith.constant 0 : i32
    %dma_wait3A_250 = arith.constant 0 : i32
    %dma_wait3A_251 = tpu.memref_slice %arg6[%dma_wait3A_241, %dma_wait3A_249, %dma_wait3A_250] : memref<2x8x384xf32, #tpu.memory_space<vmem>> -> memref<1x8x384xf32, #tpu.memory_space<vmem>>
    %dma_wait3A_252 = tpu.memref_squeeze %dma_wait3A_251 : memref<1x8x384xf32, #tpu.memory_space<vmem>> -> memref<8x384xf32, #tpu.memory_space<vmem>>
    %dma_wait3A_253 = arith.constant 0 : i32
    %dma_wait3A_254 = tpu.memref_slice %arg2[%dma_wait3A_239, %select_n3A, %dma_wait3A_240, %add3A_85, %dma_wait3A_253] : memref<3x8x6x384x384xf32, #tpu.memory_space<hbm>> -> memref<1x1x1x8x384xf32, #tpu.memory_space<hbm>>
    %dma_wait3A_255 = tpu.memref_squeeze %dma_wait3A_254 : memref<1x1x1x8x384xf32, #tpu.memory_space<hbm>> -> memref<8x384xf32, #tpu.memory_space<hbm>>
    tpu.wait_dma2 semaphore(%arg12 : memref<!tpu.dma_semaphore, #tpu.memory_space<semaphore_mem>>) src(%dma_wait3A_255 : memref<8x384xf32, #tpu.memory_space<hbm>>) dst(%dma_wait3A_252 : memref<8x384xf32, #tpu.memory_space<vmem>>)
    %dma_wait3A_256 = arith.constant 0 : i32
    %dma_wait3A_257 = arith.constant 1 : i32
    %dma_wait3A_258 = arith.constant 0 : i32
    %dma_wait3A_259 = arith.constant 0 : i32
    %dma_wait3A_260 = tpu.memref_slice %arg7[%dma_wait3A_257, %dma_wait3A_258, %dma_wait3A_259] : memref<2x8x384xf32, #tpu.memory_space<vmem>> -> memref<1x8x384xf32, #tpu.memory_space<vmem>>
    %dma_wait3A_261 = tpu.memref_squeeze %dma_wait3A_260 : memref<1x8x384xf32, #tpu.memory_space<vmem>> -> memref<8x384xf32, #tpu.memory_space<vmem>>
    %dma_wait3A_262 = arith.constant 0 : i32
    %dma_wait3A_263 = tpu.memref_slice %arg3[%select_n3A, %dma_wait3A_256, %add3A_85, %dma_wait3A_262] : memref<8x3x384x384xf32, #tpu.memory_space<hbm>> -> memref<1x1x8x384xf32, #tpu.memory_space<hbm>>
    %dma_wait3A_264 = tpu.memref_squeeze %dma_wait3A_263 : memref<1x1x8x384xf32, #tpu.memory_space<hbm>> -> memref<8x384xf32, #tpu.memory_space<hbm>>
    %dma_wait3A_265 = arith.constant 0 : i32
    %dma_wait3A_266 = arith.constant 0 : i32
    %dma_wait3A_267 = tpu.memref_slice %arg7[%dma_wait3A_257, %dma_wait3A_265, %dma_wait3A_266] : memref<2x8x384xf32, #tpu.memory_space<vmem>> -> memref<1x8x384xf32, #tpu.memory_space<vmem>>
    %dma_wait3A_268 = tpu.memref_squeeze %dma_wait3A_267 : memref<1x8x384xf32, #tpu.memory_space<vmem>> -> memref<8x384xf32, #tpu.memory_space<vmem>>
    %dma_wait3A_269 = arith.constant 0 : i32
    %dma_wait3A_270 = tpu.memref_slice %arg3[%select_n3A, %dma_wait3A_256, %add3A_85, %dma_wait3A_269] : memref<8x3x384x384xf32, #tpu.memory_space<hbm>> -> memref<1x1x8x384xf32, #tpu.memory_space<hbm>>
    %dma_wait3A_271 = tpu.memref_squeeze %dma_wait3A_270 : memref<1x1x8x384xf32, #tpu.memory_space<hbm>> -> memref<8x384xf32, #tpu.memory_space<hbm>>
    tpu.wait_dma2 semaphore(%arg12 : memref<!tpu.dma_semaphore, #tpu.memory_space<semaphore_mem>>) src(%dma_wait3A_271 : memref<8x384xf32, #tpu.memory_space<hbm>>) dst(%dma_wait3A_268 : memref<8x384xf32, #tpu.memory_space<vmem>>)
    %dma_wait3A_272 = arith.constant 2 : i32
    %dma_wait3A_273 = arith.constant 1 : i32
    %dma_wait3A_274 = arith.constant 0 : i32
    %dma_wait3A_275 = arith.constant 0 : i32
    %dma_wait3A_276 = tpu.memref_slice %arg8[%dma_wait3A_273, %dma_wait3A_274, %dma_wait3A_275] : memref<2x8x384xf32, #tpu.memory_space<vmem>> -> memref<1x8x384xf32, #tpu.memory_space<vmem>>
    %dma_wait3A_277 = tpu.memref_squeeze %dma_wait3A_276 : memref<1x8x384xf32, #tpu.memory_space<vmem>> -> memref<8x384xf32, #tpu.memory_space<vmem>>
    %dma_wait3A_278 = arith.constant 0 : i32
    %dma_wait3A_279 = tpu.memref_slice %arg3[%select_n3A, %dma_wait3A_272, %add3A_85, %dma_wait3A_278] : memref<8x3x384x384xf32, #tpu.memory_space<hbm>> -> memref<1x1x8x384xf32, #tpu.memory_space<hbm>>
    %dma_wait3A_280 = tpu.memref_squeeze %dma_wait3A_279 : memref<1x1x8x384xf32, #tpu.memory_space<hbm>> -> memref<8x384xf32, #tpu.memory_space<hbm>>
    %dma_wait3A_281 = arith.constant 0 : i32
    %dma_wait3A_282 = arith.constant 0 : i32
    %dma_wait3A_283 = tpu.memref_slice %arg8[%dma_wait3A_273, %dma_wait3A_281, %dma_wait3A_282] : memref<2x8x384xf32, #tpu.memory_space<vmem>> -> memref<1x8x384xf32, #tpu.memory_space<vmem>>
    %dma_wait3A_284 = tpu.memref_squeeze %dma_wait3A_283 : memref<1x8x384xf32, #tpu.memory_space<vmem>> -> memref<8x384xf32, #tpu.memory_space<vmem>>
    %dma_wait3A_285 = arith.constant 0 : i32
    %dma_wait3A_286 = tpu.memref_slice %arg3[%select_n3A, %dma_wait3A_272, %add3A_85, %dma_wait3A_285] : memref<8x3x384x384xf32, #tpu.memory_space<hbm>> -> memref<1x1x8x384xf32, #tpu.memory_space<hbm>>
    %dma_wait3A_287 = tpu.memref_squeeze %dma_wait3A_286 : memref<1x1x8x384xf32, #tpu.memory_space<hbm>> -> memref<8x384xf32, #tpu.memory_space<hbm>>
    tpu.wait_dma2 semaphore(%arg12 : memref<!tpu.dma_semaphore, #tpu.memory_space<semaphore_mem>>) src(%dma_wait3A_287 : memref<8x384xf32, #tpu.memory_space<hbm>>) dst(%dma_wait3A_284 : memref<8x384xf32, #tpu.memory_space<vmem>>)
    %scan3A_288 = arith.constant 0 : i32
    %scan3A_289 = arith.constant 8 : i32
    %scan3A_290 = arith.addi %scan3A_288, %scan3A_289 : i32
    %scan3A_291 = arith.constant 1 : i32
    %scan3A_292:16 = scf.for %scan3A_370 = %scan3A_288 to %scan3A_290 step %scan3A_291 iter_args(%scan3A_371 = %scan3A_186#0, %scan3A_372 = %scan3A_186#1, %scan3A_373 = %scan3A_186#2, %scan3A_374 = %scan3A_186#3, %scan3A_375 = %scan3A_186#4, %scan3A_376 = %scan3A_186#5, %scan3A_377 = %scan3A_186#6, %scan3A_378 = %scan3A_186#7, %scan3A_379 = %scan3A_186#8, %scan3A_380 = %scan3A_186#9, %scan3A_381 = %scan3A_186#10, %scan3A_382 = %scan3A_186#11, %scan3A_383 = %scan3A_186#12, %scan3A_384 = %scan3A_186#13, %scan3A_385 = %scan3A_186#14, %scan3A_386 = %scan3A_186#15) -> (vector<16xf32>, vector<16xf32>, vector<16xf32>, vector<16xf32>, vector<16xf32>, vector<16xf32>, vector<16xf32>, vector<16xf32>, vector<16xf32>, vector<16xf32>, vector<16xf32>, vector<16xf32>, vector<16xf32>, vector<16xf32>, vector<16xf32>, vector<16xf32>)  : i32 {
      %get3A = arith.constant 1 : i32
      %get3A_387 = arith.index_cast %get3A : i32 to index
      %get3A_388 = arith.index_cast %scan3A_370 : i32 to index
      %get3A_389 = arith.constant 0 : index
      %get3A_390 = tpu.vector_load %arg6[%get3A_387, %get3A_388, %get3A_389] {strides = array<i32>} : memref<2x8x384xf32, #tpu.memory_space<vmem>>, vector<1x1x16xf32>,
      %get3A_391 = vector.shape_cast %get3A_390 : vector<1x1x16xf32> to vector<16xf32>
      %get3A_392 = arith.constant 1 : i32
      %get3A_393 = arith.index_cast %get3A_392 : i32 to index
      %get3A_394 = arith.index_cast %scan3A_370 : i32 to index
      %get3A_395 = arith.constant 0 : index
      %get3A_396 = tpu.vector_load %arg8[%get3A_393, %get3A_394, %get3A_395] {strides = array<i32>} : memref<2x8x384xf32, #tpu.memory_space<vmem>>, vector<1x1x16xf32>,
      %get3A_397 = vector.shape_cast %get3A_396 : vector<1x1x16xf32> to vector<16xf32>
      %sub3A_398 = arith.subf %get3A_391, %get3A_397 : vector<16xf32>
      %get3A_399 = arith.constant 1 : i32
      %get3A_400 = arith.index_cast %get3A_399 : i32 to index
      %get3A_401 = arith.index_cast %scan3A_370 : i32 to index
      %get3A_402 = arith.constant 0 : index
      %get3A_403 = tpu.vector_load %arg7[%get3A_400, %get3A_401, %get3A_402] {strides = array<i32>} : memref<2x8x384xf32, #tpu.memory_space<vmem>>, vector<1x1x16xf32>,
      %get3A_404 = vector.shape_cast %get3A_403 : vector<1x1x16xf32> to vector<16xf32>
      %mul3A_405 = arith.mulf %sub3A_398, %sub3A_398 : vector<16xf32>
      %mul3A_406 = arith.mulf %get3A_404, %mul3A_405 : vector<16xf32>
      %add3A_407 = arith.addf %scan3A_371, %mul3A_406 : vector<16xf32>
      %add3A_408 = arith.addf %scan3A_379, %get3A_404 : vector<16xf32>
      %get3A_409 = arith.constant 1 : i32
      %get3A_410 = arith.index_cast %get3A_409 : i32 to index
      %get3A_411 = arith.index_cast %scan3A_370 : i32 to index
      %get3A_412 = arith.constant 16 : index
      %get3A_413 = tpu.vector_load %arg6[%get3A_410, %get3A_411, %get3A_412] {strides = array<i32>} : memref<2x8x384xf32, #tpu.memory_space<vmem>>, vector<1x1x16xf32>,
      %get3A_414 = vector.shape_cast %get3A_413 : vector<1x1x16xf32> to vector<16xf32>
      %get3A_415 = arith.constant 1 : i32
      %get3A_416 = arith.index_cast %get3A_415 : i32 to index
      %get3A_417 = arith.index_cast %scan3A_370 : i32 to index
      %get3A_418 = arith.constant 16 : index
      %get3A_419 = tpu.vector_load %arg8[%get3A_416, %get3A_417, %get3A_418] {strides = array<i32>} : memref<2x8x384xf32, #tpu.memory_space<vmem>>, vector<1x1x16xf32>,
      %get3A_420 = vector.shape_cast %get3A_419 : vector<1x1x16xf32> to vector<16xf32>
      %sub3A_421 = arith.subf %get3A_414, %get3A_420 : vector<16xf32>
      %get3A_422 = arith.constant 1 : i32
      %get3A_423 = arith.index_cast %get3A_422 : i32 to index
      %get3A_424 = arith.index_cast %scan3A_370 : i32 to index
      %get3A_425 = arith.constant 16 : index
      %get3A_426 = tpu.vector_load %arg7[%get3A_423, %get3A_424, %get3A_425] {strides = array<i32>} : memref<2x8x384xf32, #tpu.memory_space<vmem>>, vector<1x1x16xf32>,
      %get3A_427 = vector.shape_cast %get3A_426 : vector<1x1x16xf32> to vector<16xf32>
      %mul3A_428 = arith.mulf %sub3A_421, %sub3A_421 : vector<16xf32>
      %mul3A_429 = arith.mulf %get3A_427, %mul3A_428 : vector<16xf32>
      %add3A_430 = arith.addf %scan3A_372, %mul3A_429 : vector<16xf32>
      %add3A_431 = arith.addf %scan3A_380, %get3A_427 : vector<16xf32>
      %get3A_432 = arith.constant 1 : i32
      %get3A_433 = arith.index_cast %get3A_432 : i32 to index
      %get3A_434 = arith.index_cast %scan3A_370 : i32 to index
      %get3A_435 = arith.constant 32 : index
      %get3A_436 = tpu.vector_load %arg6[%get3A_433, %get3A_434, %get3A_435] {strides = array<i32>} : memref<2x8x384xf32, #tpu.memory_space<vmem>>, vector<1x1x16xf32>,
      %get3A_437 = vector.shape_cast %get3A_436 : vector<1x1x16xf32> to vector<16xf32>
      %get3A_438 = arith.constant 1 : i32
      %get3A_439 = arith.index_cast %get3A_438 : i32 to index
      %get3A_440 = arith.index_cast %scan3A_370 : i32 to index
      %get3A_441 = arith.constant 32 : index
      %get3A_442 = tpu.vector_load %arg8[%get3A_439, %get3A_440, %get3A_441] {strides = array<i32>} : memref<2x8x384xf32, #tpu.memory_space<vmem>>, vector<1x1x16xf32>,
      %get3A_443 = vector.shape_cast %get3A_442 : vector<1x1x16xf32> to vector<16xf32>
      %sub3A_444 = arith.subf %get3A_437, %get3A_443 : vector<16xf32>
      %get3A_445 = arith.constant 1 : i32
      %get3A_446 = arith.index_cast %get3A_445 : i32 to index
      %get3A_447 = arith.index_cast %scan3A_370 : i32 to index
      %get3A_448 = arith.constant 32 : index
      %get3A_449 = tpu.vector_load %arg7[%get3A_446, %get3A_447, %get3A_448] {strides = array<i32>} : memref<2x8x384xf32, #tpu.memory_space<vmem>>, vector<1x1x16xf32>,
      %get3A_450 = vector.shape_cast %get3A_449 : vector<1x1x16xf32> to vector<16xf32>
      %mul3A_451 = arith.mulf %sub3A_444, %sub3A_444 : vector<16xf32>
      %mul3A_452 = arith.mulf %get3A_450, %mul3A_451 : vector<16xf32>
      %add3A_453 = arith.addf %scan3A_373, %mul3A_452 : vector<16xf32>
      %add3A_454 = arith.addf %scan3A_381, %get3A_450 : vector<16xf32>
      %get3A_455 = arith.constant 1 : i32
      %get3A_456 = arith.index_cast %get3A_455 : i32 to index
      %get3A_457 = arith.index_cast %scan3A_370 : i32 to index
      %get3A_458 = arith.constant 48 : index
      %get3A_459 = tpu.vector_load %arg6[%get3A_456, %get3A_457, %get3A_458] {strides = array<i32>} : memref<2x8x384xf32, #tpu.memory_space<vmem>>, vector<1x1x16xf32>,
      %get3A_460 = vector.shape_cast %get3A_459 : vector<1x1x16xf32> to vector<16xf32>
      %get3A_461 = arith.constant 1 : i32
      %get3A_462 = arith.index_cast %get3A_461 : i32 to index
      %get3A_463 = arith.index_cast %scan3A_370 : i32 to index
      %get3A_464 = arith.constant 48 : index
      %get3A_465 = tpu.vector_load %arg8[%get3A_462, %get3A_463, %get3A_464] {strides = array<i32>} : memref<2x8x384xf32, #tpu.memory_space<vmem>>, vector<1x1x16xf32>,
      %get3A_466 = vector.shape_cast %get3A_465 : vector<1x1x16xf32> to vector<16xf32>
      %sub3A_467 = arith.subf %get3A_460, %get3A_466 : vector<16xf32>
      %get3A_468 = arith.constant 1 : i32
      %get3A_469 = arith.index_cast %get3A_468 : i32 to index
      %get3A_470 = arith.index_cast %scan3A_370 : i32 to index
      %get3A_471 = arith.constant 48 : index
      %get3A_472 = tpu.vector_load %arg7[%get3A_469, %get3A_470, %get3A_471] {strides = array<i32>} : memref<2x8x384xf32, #tpu.memory_space<vmem>>, vector<1x1x16xf32>,
      %get3A_473 = vector.shape_cast %get3A_472 : vector<1x1x16xf32> to vector<16xf32>
      %mul3A_474 = arith.mulf %sub3A_467, %sub3A_467 : vector<16xf32>
      %mul3A_475 = arith.mulf %get3A_473, %mul3A_474 : vector<16xf32>
      %add3A_476 = arith.addf %scan3A_374, %mul3A_475 : vector<16xf32>
      %add3A_477 = arith.addf %scan3A_382, %get3A_473 : vector<16xf32>
      %get3A_478 = arith.constant 1 : i32
      %get3A_479 = arith.index_cast %get3A_478 : i32 to index
      %get3A_480 = arith.index_cast %scan3A_370 : i32 to index
      %get3A_481 = arith.constant 64 : index
      %get3A_482 = tpu.vector_load %arg6[%get3A_479, %get3A_480, %get3A_481] {strides = array<i32>} : memref<2x8x384xf32, #tpu.memory_space<vmem>>, vector<1x1x16xf32>,
      %get3A_483 = vector.shape_cast %get3A_482 : vector<1x1x16xf32> to vector<16xf32>
      %get3A_484 = arith.constant 1 : i32
      %get3A_485 = arith.index_cast %get3A_484 : i32 to index
      %get3A_486 = arith.index_cast %scan3A_370 : i32 to index
      %get3A_487 = arith.constant 64 : index
      %get3A_488 = tpu.vector_load %arg8[%get3A_485, %get3A_486, %get3A_487] {strides = array<i32>} : memref<2x8x384xf32, #tpu.memory_space<vmem>>, vector<1x1x16xf32>,
      %get3A_489 = vector.shape_cast %get3A_488 : vector<1x1x16xf32> to vector<16xf32>
      %sub3A_490 = arith.subf %get3A_483, %get3A_489 : vector<16xf32>
      %get3A_491 = arith.constant 1 : i32
      %get3A_492 = arith.index_cast %get3A_491 : i32 to index
      %get3A_493 = arith.index_cast %scan3A_370 : i32 to index
      %get3A_494 = arith.constant 64 : index
      %get3A_495 = tpu.vector_load %arg7[%get3A_492, %get3A_493, %get3A_494] {strides = array<i32>} : memref<2x8x384xf32, #tpu.memory_space<vmem>>, vector<1x1x16xf32>,
      %get3A_496 = vector.shape_cast %get3A_495 : vector<1x1x16xf32> to vector<16xf32>
      %mul3A_497 = arith.mulf %sub3A_490, %sub3A_490 : vector<16xf32>
      %mul3A_498 = arith.mulf %get3A_496, %mul3A_497 : vector<16xf32>
      %add3A_499 = arith.addf %scan3A_375, %mul3A_498 : vector<16xf32>
      %add3A_500 = arith.addf %scan3A_383, %get3A_496 : vector<16xf32>
      %get3A_501 = arith.constant 1 : i32
      %get3A_502 = arith.index_cast %get3A_501 : i32 to index
      %get3A_503 = arith.index_cast %scan3A_370 : i32 to index
      %get3A_504 = arith.constant 80 : index
      %get3A_505 = tpu.vector_load %arg6[%get3A_502, %get3A_503, %get3A_504] {strides = array<i32>} : memref<2x8x384xf32, #tpu.memory_space<vmem>>, vector<1x1x16xf32>,
      %get3A_506 = vector.shape_cast %get3A_505 : vector<1x1x16xf32> to vector<16xf32>
      %get3A_507 = arith.constant 1 : i32
      %get3A_508 = arith.index_cast %get3A_507 : i32 to index
      %get3A_509 = arith.index_cast %scan3A_370 : i32 to index
      %get3A_510 = arith.constant 80 : index
      %get3A_511 = tpu.vector_load %arg8[%get3A_508, %get3A_509, %get3A_510] {strides = array<i32>} : memref<2x8x384xf32, #tpu.memory_space<vmem>>, vector<1x1x16xf32>,
      %get3A_512 = vector.shape_cast %get3A_511 : vector<1x1x16xf32> to vector<16xf32>
      %sub3A_513 = arith.subf %get3A_506, %get3A_512 : vector<16xf32>
      %get3A_514 = arith.constant 1 : i32
      %get3A_515 = arith.index_cast %get3A_514 : i32 to index
      %get3A_516 = arith.index_cast %scan3A_370 : i32 to index
      %get3A_517 = arith.constant 80 : index
      %get3A_518 = tpu.vector_load %arg7[%get3A_515, %get3A_516, %get3A_517] {strides = array<i32>} : memref<2x8x384xf32, #tpu.memory_space<vmem>>, vector<1x1x16xf32>,
      %get3A_519 = vector.shape_cast %get3A_518 : vector<1x1x16xf32> to vector<16xf32>
      %mul3A_520 = arith.mulf %sub3A_513, %sub3A_513 : vector<16xf32>
      %mul3A_521 = arith.mulf %get3A_519, %mul3A_520 : vector<16xf32>
      %add3A_522 = arith.addf %scan3A_376, %mul3A_521 : vector<16xf32>
      %add3A_523 = arith.addf %scan3A_384, %get3A_519 : vector<16xf32>
      %get3A_524 = arith.constant 1 : i32
      %get3A_525 = arith.index_cast %get3A_524 : i32 to index
      %get3A_526 = arith.index_cast %scan3A_370 : i32 to index
      %get3A_527 = arith.constant 96 : index
      %get3A_528 = tpu.vector_load %arg6[%get3A_525, %get3A_526, %get3A_527] {strides = array<i32>} : memref<2x8x384xf32, #tpu.memory_space<vmem>>, vector<1x1x16xf32>,
      %get3A_529 = vector.shape_cast %get3A_528 : vector<1x1x16xf32> to vector<16xf32>
      %get3A_530 = arith.constant 1 : i32
      %get3A_531 = arith.index_cast %get3A_530 : i32 to index
      %get3A_532 = arith.index_cast %scan3A_370 : i32 to index
      %get3A_533 = arith.constant 96 : index
      %get3A_534 = tpu.vector_load %arg8[%get3A_531, %get3A_532, %get3A_533] {strides = array<i32>} : memref<2x8x384xf32, #tpu.memory_space<vmem>>, vector<1x1x16xf32>,
      %get3A_535 = vector.shape_cast %get3A_534 : vector<1x1x16xf32> to vector<16xf32>
      %sub3A_536 = arith.subf %get3A_529, %get3A_535 : vector<16xf32>
      %get3A_537 = arith.constant 1 : i32
      %get3A_538 = arith.index_cast %get3A_537 : i32 to index
      %get3A_539 = arith.index_cast %scan3A_370 : i32 to index
      %get3A_540 = arith.constant 96 : index
      %get3A_541 = tpu.vector_load %arg7[%get3A_538, %get3A_539, %get3A_540] {strides = array<i32>} : memref<2x8x384xf32, #tpu.memory_space<vmem>>, vector<1x1x16xf32>,
      %get3A_542 = vector.shape_cast %get3A_541 : vector<1x1x16xf32> to vector<16xf32>
      %mul3A_543 = arith.mulf %sub3A_536, %sub3A_536 : vector<16xf32>
      %mul3A_544 = arith.mulf %get3A_542, %mul3A_543 : vector<16xf32>
      %add3A_545 = arith.addf %scan3A_377, %mul3A_544 : vector<16xf32>
      %add3A_546 = arith.addf %scan3A_385, %get3A_542 : vector<16xf32>
      %get3A_547 = arith.constant 1 : i32
      %get3A_548 = arith.index_cast %get3A_547 : i32 to index
      %get3A_549 = arith.index_cast %scan3A_370 : i32 to index
      %get3A_550 = arith.constant 112 : index
      %get3A_551 = tpu.vector_load %arg6[%get3A_548, %get3A_549, %get3A_550] {strides = array<i32>} : memref<2x8x384xf32, #tpu.memory_space<vmem>>, vector<1x1x16xf32>,
      %get3A_552 = vector.shape_cast %get3A_551 : vector<1x1x16xf32> to vector<16xf32>
      %get3A_553 = arith.constant 1 : i32
      %get3A_554 = arith.index_cast %get3A_553 : i32 to index
      %get3A_555 = arith.index_cast %scan3A_370 : i32 to index
      %get3A_556 = arith.constant 112 : index
      %get3A_557 = tpu.vector_load %arg8[%get3A_554, %get3A_555, %get3A_556] {strides = array<i32>} : memref<2x8x384xf32, #tpu.memory_space<vmem>>, vector<1x1x16xf32>,
      %get3A_558 = vector.shape_cast %get3A_557 : vector<1x1x16xf32> to vector<16xf32>
      %sub3A_559 = arith.subf %get3A_552, %get3A_558 : vector<16xf32>
      %get3A_560 = arith.constant 1 : i32
      %get3A_561 = arith.index_cast %get3A_560 : i32 to index
      %get3A_562 = arith.index_cast %scan3A_370 : i32 to index
      %get3A_563 = arith.constant 112 : index
      %get3A_564 = tpu.vector_load %arg7[%get3A_561, %get3A_562, %get3A_563] {strides = array<i32>} : memref<2x8x384xf32, #tpu.memory_space<vmem>>, vector<1x1x16xf32>,
      %get3A_565 = vector.shape_cast %get3A_564 : vector<1x1x16xf32> to vector<16xf32>
      %mul3A_566 = arith.mulf %sub3A_559, %sub3A_559 : vector<16xf32>
      %mul3A_567 = arith.mulf %get3A_565, %mul3A_566 : vector<16xf32>
      %add3A_568 = arith.addf %scan3A_378, %mul3A_567 : vector<16xf32>
      %add3A_569 = arith.addf %scan3A_386, %get3A_565 : vector<16xf32>
      %get3A_570 = arith.constant 1 : i32
      %get3A_571 = arith.index_cast %get3A_570 : i32 to index
      %get3A_572 = arith.index_cast %scan3A_370 : i32 to index
      %get3A_573 = arith.constant 128 : index
      %get3A_574 = tpu.vector_load %arg6[%get3A_571, %get3A_572, %get3A_573] {strides = array<i32>} : memref<2x8x384xf32, #tpu.memory_space<vmem>>, vector<1x1x16xf32>,
      %get3A_575 = vector.shape_cast %get3A_574 : vector<1x1x16xf32> to vector<16xf32>
      %get3A_576 = arith.constant 1 : i32
      %get3A_577 = arith.index_cast %get3A_576 : i32 to index
      %get3A_578 = arith.index_cast %scan3A_370 : i32 to index
      %get3A_579 = arith.constant 128 : index
      %get3A_580 = tpu.vector_load %arg8[%get3A_577, %get3A_578, %get3A_579] {strides = array<i32>} : memref<2x8x384xf32, #tpu.memory_space<vmem>>, vector<1x1x16xf32>,
      %get3A_581 = vector.shape_cast %get3A_580 : vector<1x1x16xf32> to vector<16xf32>
      %sub3A_582 = arith.subf %get3A_575, %get3A_581 : vector<16xf32>
      %get3A_583 = arith.constant 1 : i32
      %get3A_584 = arith.index_cast %get3A_583 : i32 to index
      %get3A_585 = arith.index_cast %scan3A_370 : i32 to index
      %get3A_586 = arith.constant 128 : index
      %get3A_587 = tpu.vector_load %arg7[%get3A_584, %get3A_585, %get3A_586] {strides = array<i32>} : memref<2x8x384xf32, #tpu.memory_space<vmem>>, vector<1x1x16xf32>,
      %get3A_588 = vector.shape_cast %get3A_587 : vector<1x1x16xf32> to vector<16xf32>
      %mul3A_589 = arith.mulf %sub3A_582, %sub3A_582 : vector<16xf32>
      %mul3A_590 = arith.mulf %get3A_588, %mul3A_589 : vector<16xf32>
      %add3A_591 = arith.addf %add3A_407, %mul3A_590 : vector<16xf32>
      %add3A_592 = arith.addf %add3A_408, %get3A_588 : vector<16xf32>
      %get3A_593 = arith.constant 1 : i32
      %get3A_594 = arith.index_cast %get3A_593 : i32 to index
      %get3A_595 = arith.index_cast %scan3A_370 : i32 to index
      %get3A_596 = arith.constant 144 : index
      %get3A_597 = tpu.vector_load %arg6[%get3A_594, %get3A_595, %get3A_596] {strides = array<i32>} : memref<2x8x384xf32, #tpu.memory_space<vmem>>, vector<1x1x16xf32>,
      %get3A_598 = vector.shape_cast %get3A_597 : vector<1x1x16xf32> to vector<16xf32>
      %get3A_599 = arith.constant 1 : i32
      %get3A_600 = arith.index_cast %get3A_599 : i32 to index
      %get3A_601 = arith.index_cast %scan3A_370 : i32 to index
      %get3A_602 = arith.constant 144 : index
      %get3A_603 = tpu.vector_load %arg8[%get3A_600, %get3A_601, %get3A_602] {strides = array<i32>} : memref<2x8x384xf32, #tpu.memory_space<vmem>>, vector<1x1x16xf32>,
      %get3A_604 = vector.shape_cast %get3A_603 : vector<1x1x16xf32> to vector<16xf32>
      %sub3A_605 = arith.subf %get3A_598, %get3A_604 : vector<16xf32>
      %get3A_606 = arith.constant 1 : i32
      %get3A_607 = arith.index_cast %get3A_606 : i32 to index
      %get3A_608 = arith.index_cast %scan3A_370 : i32 to index
      %get3A_609 = arith.constant 144 : index
      %get3A_610 = tpu.vector_load %arg7[%get3A_607, %get3A_608, %get3A_609] {strides = array<i32>} : memref<2x8x384xf32, #tpu.memory_space<vmem>>, vector<1x1x16xf32>,
      %get3A_611 = vector.shape_cast %get3A_610 : vector<1x1x16xf32> to vector<16xf32>
      %mul3A_612 = arith.mulf %sub3A_605, %sub3A_605 : vector<16xf32>
      %mul3A_613 = arith.mulf %get3A_611, %mul3A_612 : vector<16xf32>
      %add3A_614 = arith.addf %add3A_430, %mul3A_613 : vector<16xf32>
      %add3A_615 = arith.addf %add3A_431, %get3A_611 : vector<16xf32>
      %get3A_616 = arith.constant 1 : i32
      %get3A_617 = arith.index_cast %get3A_616 : i32 to index
      %get3A_618 = arith.index_cast %scan3A_370 : i32 to index
      %get3A_619 = arith.constant 160 : index
      %get3A_620 = tpu.vector_load %arg6[%get3A_617, %get3A_618, %get3A_619] {strides = array<i32>} : memref<2x8x384xf32, #tpu.memory_space<vmem>>, vector<1x1x16xf32>,
      %get3A_621 = vector.shape_cast %get3A_620 : vector<1x1x16xf32> to vector<16xf32>
      %get3A_622 = arith.constant 1 : i32
      %get3A_623 = arith.index_cast %get3A_622 : i32 to index
      %get3A_624 = arith.index_cast %scan3A_370 : i32 to index
      %get3A_625 = arith.constant 160 : index
      %get3A_626 = tpu.vector_load %arg8[%get3A_623, %get3A_624, %get3A_625] {strides = array<i32>} : memref<2x8x384xf32, #tpu.memory_space<vmem>>, vector<1x1x16xf32>,
      %get3A_627 = vector.shape_cast %get3A_626 : vector<1x1x16xf32> to vector<16xf32>
      %sub3A_628 = arith.subf %get3A_621, %get3A_627 : vector<16xf32>
      %get3A_629 = arith.constant 1 : i32
      %get3A_630 = arith.index_cast %get3A_629 : i32 to index
      %get3A_631 = arith.index_cast %scan3A_370 : i32 to index
      %get3A_632 = arith.constant 160 : index
      %get3A_633 = tpu.vector_load %arg7[%get3A_630, %get3A_631, %get3A_632] {strides = array<i32>} : memref<2x8x384xf32, #tpu.memory_space<vmem>>, vector<1x1x16xf32>,
      %get3A_634 = vector.shape_cast %get3A_633 : vector<1x1x16xf32> to vector<16xf32>
      %mul3A_635 = arith.mulf %sub3A_628, %sub3A_628 : vector<16xf32>
      %mul3A_636 = arith.mulf %get3A_634, %mul3A_635 : vector<16xf32>
      %add3A_637 = arith.addf %add3A_453, %mul3A_636 : vector<16xf32>
      %add3A_638 = arith.addf %add3A_454, %get3A_634 : vector<16xf32>
      %get3A_639 = arith.constant 1 : i32
      %get3A_640 = arith.index_cast %get3A_639 : i32 to index
      %get3A_641 = arith.index_cast %scan3A_370 : i32 to index
      %get3A_642 = arith.constant 176 : index
      %get3A_643 = tpu.vector_load %arg6[%get3A_640, %get3A_641, %get3A_642] {strides = array<i32>} : memref<2x8x384xf32, #tpu.memory_space<vmem>>, vector<1x1x16xf32>,
      %get3A_644 = vector.shape_cast %get3A_643 : vector<1x1x16xf32> to vector<16xf32>
      %get3A_645 = arith.constant 1 : i32
      %get3A_646 = arith.index_cast %get3A_645 : i32 to index
      %get3A_647 = arith.index_cast %scan3A_370 : i32 to index
      %get3A_648 = arith.constant 176 : index
      %get3A_649 = tpu.vector_load %arg8[%get3A_646, %get3A_647, %get3A_648] {strides = array<i32>} : memref<2x8x384xf32, #tpu.memory_space<vmem>>, vector<1x1x16xf32>,
      %get3A_650 = vector.shape_cast %get3A_649 : vector<1x1x16xf32> to vector<16xf32>
      %sub3A_651 = arith.subf %get3A_644, %get3A_650 : vector<16xf32>
      %get3A_652 = arith.constant 1 : i32
      %get3A_653 = arith.index_cast %get3A_652 : i32 to index
      %get3A_654 = arith.index_cast %scan3A_370 : i32 to index
      %get3A_655 = arith.constant 176 : index
      %get3A_656 = tpu.vector_load %arg7[%get3A_653, %get3A_654, %get3A_655] {strides = array<i32>} : memref<2x8x384xf32, #tpu.memory_space<vmem>>, vector<1x1x16xf32>,
      %get3A_657 = vector.shape_cast %get3A_656 : vector<1x1x16xf32> to vector<16xf32>
      %mul3A_658 = arith.mulf %sub3A_651, %sub3A_651 : vector<16xf32>
      %mul3A_659 = arith.mulf %get3A_657, %mul3A_658 : vector<16xf32>
      %add3A_660 = arith.addf %add3A_476, %mul3A_659 : vector<16xf32>
      %add3A_661 = arith.addf %add3A_477, %get3A_657 : vector<16xf32>
      %get3A_662 = arith.constant 1 : i32
      %get3A_663 = arith.index_cast %get3A_662 : i32 to index
      %get3A_664 = arith.index_cast %scan3A_370 : i32 to index
      %get3A_665 = arith.constant 192 : index
      %get3A_666 = tpu.vector_load %arg6[%get3A_663, %get3A_664, %get3A_665] {strides = array<i32>} : memref<2x8x384xf32, #tpu.memory_space<vmem>>, vector<1x1x16xf32>,
      %get3A_667 = vector.shape_cast %get3A_666 : vector<1x1x16xf32> to vector<16xf32>
      %get3A_668 = arith.constant 1 : i32
      %get3A_669 = arith.index_cast %get3A_668 : i32 to index
      %get3A_670 = arith.index_cast %scan3A_370 : i32 to index
      %get3A_671 = arith.constant 192 : index
      %get3A_672 = tpu.vector_load %arg8[%get3A_669, %get3A_670, %get3A_671] {strides = array<i32>} : memref<2x8x384xf32, #tpu.memory_space<vmem>>, vector<1x1x16xf32>,
      %get3A_673 = vector.shape_cast %get3A_672 : vector<1x1x16xf32> to vector<16xf32>
      %sub3A_674 = arith.subf %get3A_667, %get3A_673 : vector<16xf32>
      %get3A_675 = arith.constant 1 : i32
      %get3A_676 = arith.index_cast %get3A_675 : i32 to index
      %get3A_677 = arith.index_cast %scan3A_370 : i32 to index
      %get3A_678 = arith.constant 192 : index
      %get3A_679 = tpu.vector_load %arg7[%get3A_676, %get3A_677, %get3A_678] {strides = array<i32>} : memref<2x8x384xf32, #tpu.memory_space<vmem>>, vector<1x1x16xf32>,
      %get3A_680 = vector.shape_cast %get3A_679 : vector<1x1x16xf32> to vector<16xf32>
      %mul3A_681 = arith.mulf %sub3A_674, %sub3A_674 : vector<16xf32>
      %mul3A_682 = arith.mulf %get3A_680, %mul3A_681 : vector<16xf32>
      %add3A_683 = arith.addf %add3A_499, %mul3A_682 : vector<16xf32>
      %add3A_684 = arith.addf %add3A_500, %get3A_680 : vector<16xf32>
      %get3A_685 = arith.constant 1 : i32
      %get3A_686 = arith.index_cast %get3A_685 : i32 to index
      %get3A_687 = arith.index_cast %scan3A_370 : i32 to index
      %get3A_688 = arith.constant 208 : index
      %get3A_689 = tpu.vector_load %arg6[%get3A_686, %get3A_687, %get3A_688] {strides = array<i32>} : memref<2x8x384xf32, #tpu.memory_space<vmem>>, vector<1x1x16xf32>,
      %get3A_690 = vector.shape_cast %get3A_689 : vector<1x1x16xf32> to vector<16xf32>
      %get3A_691 = arith.constant 1 : i32
      %get3A_692 = arith.index_cast %get3A_691 : i32 to index
      %get3A_693 = arith.index_cast %scan3A_370 : i32 to index
      %get3A_694 = arith.constant 208 : index
      %get3A_695 = tpu.vector_load %arg8[%get3A_692, %get3A_693, %get3A_694] {strides = array<i32>} : memref<2x8x384xf32, #tpu.memory_space<vmem>>, vector<1x1x16xf32>,
      %get3A_696 = vector.shape_cast %get3A_695 : vector<1x1x16xf32> to vector<16xf32>
      %sub3A_697 = arith.subf %get3A_690, %get3A_696 : vector<16xf32>
      %get3A_698 = arith.constant 1 : i32
      %get3A_699 = arith.index_cast %get3A_698 : i32 to index
      %get3A_700 = arith.index_cast %scan3A_370 : i32 to index
      %get3A_701 = arith.constant 208 : index
      %get3A_702 = tpu.vector_load %arg7[%get3A_699, %get3A_700, %get3A_701] {strides = array<i32>} : memref<2x8x384xf32, #tpu.memory_space<vmem>>, vector<1x1x16xf32>,
      %get3A_703 = vector.shape_cast %get3A_702 : vector<1x1x16xf32> to vector<16xf32>
      %mul3A_704 = arith.mulf %sub3A_697, %sub3A_697 : vector<16xf32>
      %mul3A_705 = arith.mulf %get3A_703, %mul3A_704 : vector<16xf32>
      %add3A_706 = arith.addf %add3A_522, %mul3A_705 : vector<16xf32>
      %add3A_707 = arith.addf %add3A_523, %get3A_703 : vector<16xf32>
      %get3A_708 = arith.constant 1 : i32
      %get3A_709 = arith.index_cast %get3A_708 : i32 to index
      %get3A_710 = arith.index_cast %scan3A_370 : i32 to index
      %get3A_711 = arith.constant 224 : index
      %get3A_712 = tpu.vector_load %arg6[%get3A_709, %get3A_710, %get3A_711] {strides = array<i32>} : memref<2x8x384xf32, #tpu.memory_space<vmem>>, vector<1x1x16xf32>,
      %get3A_713 = vector.shape_cast %get3A_712 : vector<1x1x16xf32> to vector<16xf32>
      %get3A_714 = arith.constant 1 : i32
      %get3A_715 = arith.index_cast %get3A_714 : i32 to index
      %get3A_716 = arith.index_cast %scan3A_370 : i32 to index
      %get3A_717 = arith.constant 224 : index
      %get3A_718 = tpu.vector_load %arg8[%get3A_715, %get3A_716, %get3A_717] {strides = array<i32>} : memref<2x8x384xf32, #tpu.memory_space<vmem>>, vector<1x1x16xf32>,
      %get3A_719 = vector.shape_cast %get3A_718 : vector<1x1x16xf32> to vector<16xf32>
      %sub3A_720 = arith.subf %get3A_713, %get3A_719 : vector<16xf32>
      %get3A_721 = arith.constant 1 : i32
      %get3A_722 = arith.index_cast %get3A_721 : i32 to index
      %get3A_723 = arith.index_cast %scan3A_370 : i32 to index
      %get3A_724 = arith.constant 224 : index
      %get3A_725 = tpu.vector_load %arg7[%get3A_722, %get3A_723, %get3A_724] {strides = array<i32>} : memref<2x8x384xf32, #tpu.memory_space<vmem>>, vector<1x1x16xf32>,
      %get3A_726 = vector.shape_cast %get3A_725 : vector<1x1x16xf32> to vector<16xf32>
      %mul3A_727 = arith.mulf %sub3A_720, %sub3A_720 : vector<16xf32>
      %mul3A_728 = arith.mulf %get3A_726, %mul3A_727 : vector<16xf32>
      %add3A_729 = arith.addf %add3A_545, %mul3A_728 : vector<16xf32>
      %add3A_730 = arith.addf %add3A_546, %get3A_726 : vector<16xf32>
      %get3A_731 = arith.constant 1 : i32
      %get3A_732 = arith.index_cast %get3A_731 : i32 to index
      %get3A_733 = arith.index_cast %scan3A_370 : i32 to index
      %get3A_734 = arith.constant 240 : index
      %get3A_735 = tpu.vector_load %arg6[%get3A_732, %get3A_733, %get3A_734] {strides = array<i32>} : memref<2x8x384xf32, #tpu.memory_space<vmem>>, vector<1x1x16xf32>,
      %get3A_736 = vector.shape_cast %get3A_735 : vector<1x1x16xf32> to vector<16xf32>
      %get3A_737 = arith.constant 1 : i32
      %get3A_738 = arith.index_cast %get3A_737 : i32 to index
      %get3A_739 = arith.index_cast %scan3A_370 : i32 to index
      %get3A_740 = arith.constant 240 : index
      %get3A_741 = tpu.vector_load %arg8[%get3A_738, %get3A_739, %get3A_740] {strides = array<i32>} : memref<2x8x384xf32, #tpu.memory_space<vmem>>, vector<1x1x16xf32>,
      %get3A_742 = vector.shape_cast %get3A_741 : vector<1x1x16xf32> to vector<16xf32>
      %sub3A_743 = arith.subf %get3A_736, %get3A_742 : vector<16xf32>
      %get3A_744 = arith.constant 1 : i32
      %get3A_745 = arith.index_cast %get3A_744 : i32 to index
      %get3A_746 = arith.index_cast %scan3A_370 : i32 to index
      %get3A_747 = arith.constant 240 : index
      %get3A_748 = tpu.vector_load %arg7[%get3A_745, %get3A_746, %get3A_747] {strides = array<i32>} : memref<2x8x384xf32, #tpu.memory_space<vmem>>, vector<1x1x16xf32>,
      %get3A_749 = vector.shape_cast %get3A_748 : vector<1x1x16xf32> to vector<16xf32>
      %mul3A_750 = arith.mulf %sub3A_743, %sub3A_743 : vector<16xf32>
      %mul3A_751 = arith.mulf %get3A_749, %mul3A_750 : vector<16xf32>
      %add3A_752 = arith.addf %add3A_568, %mul3A_751 : vector<16xf32>
      %add3A_753 = arith.addf %add3A_569, %get3A_749 : vector<16xf32>
      %get3A_754 = arith.constant 1 : i32
      %get3A_755 = arith.index_cast %get3A_754 : i32 to index
      %get3A_756 = arith.index_cast %scan3A_370 : i32 to index
      %get3A_757 = arith.constant 256 : index
      %get3A_758 = tpu.vector_load %arg6[%get3A_755, %get3A_756, %get3A_757] {strides = array<i32>} : memref<2x8x384xf32, #tpu.memory_space<vmem>>, vector<1x1x16xf32>,
      %get3A_759 = vector.shape_cast %get3A_758 : vector<1x1x16xf32> to vector<16xf32>
      %get3A_760 = arith.constant 1 : i32
      %get3A_761 = arith.index_cast %get3A_760 : i32 to index
      %get3A_762 = arith.index_cast %scan3A_370 : i32 to index
      %get3A_763 = arith.constant 256 : index
      %get3A_764 = tpu.vector_load %arg8[%get3A_761, %get3A_762, %get3A_763] {strides = array<i32>} : memref<2x8x384xf32, #tpu.memory_space<vmem>>, vector<1x1x16xf32>,
      %get3A_765 = vector.shape_cast %get3A_764 : vector<1x1x16xf32> to vector<16xf32>
      %sub3A_766 = arith.subf %get3A_759, %get3A_765 : vector<16xf32>
      %get3A_767 = arith.constant 1 : i32
      %get3A_768 = arith.index_cast %get3A_767 : i32 to index
      %get3A_769 = arith.index_cast %scan3A_370 : i32 to index
      %get3A_770 = arith.constant 256 : index
      %get3A_771 = tpu.vector_load %arg7[%get3A_768, %get3A_769, %get3A_770] {strides = array<i32>} : memref<2x8x384xf32, #tpu.memory_space<vmem>>, vector<1x1x16xf32>,
      %get3A_772 = vector.shape_cast %get3A_771 : vector<1x1x16xf32> to vector<16xf32>
      %mul3A_773 = arith.mulf %sub3A_766, %sub3A_766 : vector<16xf32>
      %mul3A_774 = arith.mulf %get3A_772, %mul3A_773 : vector<16xf32>
      %add3A_775 = arith.addf %add3A_591, %mul3A_774 : vector<16xf32>
      %add3A_776 = arith.addf %add3A_592, %get3A_772 : vector<16xf32>
      %get3A_777 = arith.constant 1 : i32
      %get3A_778 = arith.index_cast %get3A_777 : i32 to index
      %get3A_779 = arith.index_cast %scan3A_370 : i32 to index
      %get3A_780 = arith.constant 272 : index
      %get3A_781 = tpu.vector_load %arg6[%get3A_778, %get3A_779, %get3A_780] {strides = array<i32>} : memref<2x8x384xf32, #tpu.memory_space<vmem>>, vector<1x1x16xf32>,
      %get3A_782 = vector.shape_cast %get3A_781 : vector<1x1x16xf32> to vector<16xf32>
      %get3A_783 = arith.constant 1 : i32
      %get3A_784 = arith.index_cast %get3A_783 : i32 to index
      %get3A_785 = arith.index_cast %scan3A_370 : i32 to index
      %get3A_786 = arith.constant 272 : index
      %get3A_787 = tpu.vector_load %arg8[%get3A_784, %get3A_785, %get3A_786] {strides = array<i32>} : memref<2x8x384xf32, #tpu.memory_space<vmem>>, vector<1x1x16xf32>,
      %get3A_788 = vector.shape_cast %get3A_787 : vector<1x1x16xf32> to vector<16xf32>
      %sub3A_789 = arith.subf %get3A_782, %get3A_788 : vector<16xf32>
      %get3A_790 = arith.constant 1 : i32
      %get3A_791 = arith.index_cast %get3A_790 : i32 to index
      %get3A_792 = arith.index_cast %scan3A_370 : i32 to index
      %get3A_793 = arith.constant 272 : index
      %get3A_794 = tpu.vector_load %arg7[%get3A_791, %get3A_792, %get3A_793] {strides = array<i32>} : memref<2x8x384xf32, #tpu.memory_space<vmem>>, vector<1x1x16xf32>,
      %get3A_795 = vector.shape_cast %get3A_794 : vector<1x1x16xf32> to vector<16xf32>
      %mul3A_796 = arith.mulf %sub3A_789, %sub3A_789 : vector<16xf32>
      %mul3A_797 = arith.mulf %get3A_795, %mul3A_796 : vector<16xf32>
      %add3A_798 = arith.addf %add3A_614, %mul3A_797 : vector<16xf32>
      %add3A_799 = arith.addf %add3A_615, %get3A_795 : vector<16xf32>
      %get3A_800 = arith.constant 1 : i32
      %get3A_801 = arith.index_cast %get3A_800 : i32 to index
      %get3A_802 = arith.index_cast %scan3A_370 : i32 to index
      %get3A_803 = arith.constant 288 : index
      %get3A_804 = tpu.vector_load %arg6[%get3A_801, %get3A_802, %get3A_803] {strides = array<i32>} : memref<2x8x384xf32, #tpu.memory_space<vmem>>, vector<1x1x16xf32>,
      %get3A_805 = vector.shape_cast %get3A_804 : vector<1x1x16xf32> to vector<16xf32>
      %get3A_806 = arith.constant 1 : i32
      %get3A_807 = arith.index_cast %get3A_806 : i32 to index
      %get3A_808 = arith.index_cast %scan3A_370 : i32 to index
      %get3A_809 = arith.constant 288 : index
      %get3A_810 = tpu.vector_load %arg8[%get3A_807, %get3A_808, %get3A_809] {strides = array<i32>} : memref<2x8x384xf32, #tpu.memory_space<vmem>>, vector<1x1x16xf32>,
      %get3A_811 = vector.shape_cast %get3A_810 : vector<1x1x16xf32> to vector<16xf32>
      %sub3A_812 = arith.subf %get3A_805, %get3A_811 : vector<16xf32>
      %get3A_813 = arith.constant 1 : i32
      %get3A_814 = arith.index_cast %get3A_813 : i32 to index
      %get3A_815 = arith.index_cast %scan3A_370 : i32 to index
      %get3A_816 = arith.constant 288 : index
      %get3A_817 = tpu.vector_load %arg7[%get3A_814, %get3A_815, %get3A_816] {strides = array<i32>} : memref<2x8x384xf32, #tpu.memory_space<vmem>>, vector<1x1x16xf32>,
      %get3A_818 = vector.shape_cast %get3A_817 : vector<1x1x16xf32> to vector<16xf32>
      %mul3A_819 = arith.mulf %sub3A_812, %sub3A_812 : vector<16xf32>
      %mul3A_820 = arith.mulf %get3A_818, %mul3A_819 : vector<16xf32>
      %add3A_821 = arith.addf %add3A_637, %mul3A_820 : vector<16xf32>
      %add3A_822 = arith.addf %add3A_638, %get3A_818 : vector<16xf32>
      %get3A_823 = arith.constant 1 : i32
      %get3A_824 = arith.index_cast %get3A_823 : i32 to index
      %get3A_825 = arith.index_cast %scan3A_370 : i32 to index
      %get3A_826 = arith.constant 304 : index
      %get3A_827 = tpu.vector_load %arg6[%get3A_824, %get3A_825, %get3A_826] {strides = array<i32>} : memref<2x8x384xf32, #tpu.memory_space<vmem>>, vector<1x1x16xf32>,
      %get3A_828 = vector.shape_cast %get3A_827 : vector<1x1x16xf32> to vector<16xf32>
      %get3A_829 = arith.constant 1 : i32
      %get3A_830 = arith.index_cast %get3A_829 : i32 to index
      %get3A_831 = arith.index_cast %scan3A_370 : i32 to index
      %get3A_832 = arith.constant 304 : index
      %get3A_833 = tpu.vector_load %arg8[%get3A_830, %get3A_831, %get3A_832] {strides = array<i32>} : memref<2x8x384xf32, #tpu.memory_space<vmem>>, vector<1x1x16xf32>,
      %get3A_834 = vector.shape_cast %get3A_833 : vector<1x1x16xf32> to vector<16xf32>
      %sub3A_835 = arith.subf %get3A_828, %get3A_834 : vector<16xf32>
      %get3A_836 = arith.constant 1 : i32
      %get3A_837 = arith.index_cast %get3A_836 : i32 to index
      %get3A_838 = arith.index_cast %scan3A_370 : i32 to index
      %get3A_839 = arith.constant 304 : index
      %get3A_840 = tpu.vector_load %arg7[%get3A_837, %get3A_838, %get3A_839] {strides = array<i32>} : memref<2x8x384xf32, #tpu.memory_space<vmem>>, vector<1x1x16xf32>,
      %get3A_841 = vector.shape_cast %get3A_840 : vector<1x1x16xf32> to vector<16xf32>
      %mul3A_842 = arith.mulf %sub3A_835, %sub3A_835 : vector<16xf32>
      %mul3A_843 = arith.mulf %get3A_841, %mul3A_842 : vector<16xf32>
      %add3A_844 = arith.addf %add3A_660, %mul3A_843 : vector<16xf32>
      %add3A_845 = arith.addf %add3A_661, %get3A_841 : vector<16xf32>
      %get3A_846 = arith.constant 1 : i32
      %get3A_847 = arith.index_cast %get3A_846 : i32 to index
      %get3A_848 = arith.index_cast %scan3A_370 : i32 to index
      %get3A_849 = arith.constant 320 : index
      %get3A_850 = tpu.vector_load %arg6[%get3A_847, %get3A_848, %get3A_849] {strides = array<i32>} : memref<2x8x384xf32, #tpu.memory_space<vmem>>, vector<1x1x16xf32>,
      %get3A_851 = vector.shape_cast %get3A_850 : vector<1x1x16xf32> to vector<16xf32>
      %get3A_852 = arith.constant 1 : i32
      %get3A_853 = arith.index_cast %get3A_852 : i32 to index
      %get3A_854 = arith.index_cast %scan3A_370 : i32 to index
      %get3A_855 = arith.constant 320 : index
      %get3A_856 = tpu.vector_load %arg8[%get3A_853, %get3A_854, %get3A_855] {strides = array<i32>} : memref<2x8x384xf32, #tpu.memory_space<vmem>>, vector<1x1x16xf32>,
      %get3A_857 = vector.shape_cast %get3A_856 : vector<1x1x16xf32> to vector<16xf32>
      %sub3A_858 = arith.subf %get3A_851, %get3A_857 : vector<16xf32>
      %get3A_859 = arith.constant 1 : i32
      %get3A_860 = arith.index_cast %get3A_859 : i32 to index
      %get3A_861 = arith.index_cast %scan3A_370 : i32 to index
      %get3A_862 = arith.constant 320 : index
      %get3A_863 = tpu.vector_load %arg7[%get3A_860, %get3A_861, %get3A_862] {strides = array<i32>} : memref<2x8x384xf32, #tpu.memory_space<vmem>>, vector<1x1x16xf32>,
      %get3A_864 = vector.shape_cast %get3A_863 : vector<1x1x16xf32> to vector<16xf32>
      %mul3A_865 = arith.mulf %sub3A_858, %sub3A_858 : vector<16xf32>
      %mul3A_866 = arith.mulf %get3A_864, %mul3A_865 : vector<16xf32>
      %add3A_867 = arith.addf %add3A_683, %mul3A_866 : vector<16xf32>
      %add3A_868 = arith.addf %add3A_684, %get3A_864 : vector<16xf32>
      %get3A_869 = arith.constant 1 : i32
      %get3A_870 = arith.index_cast %get3A_869 : i32 to index
      %get3A_871 = arith.index_cast %scan3A_370 : i32 to index
      %get3A_872 = arith.constant 336 : index
      %get3A_873 = tpu.vector_load %arg6[%get3A_870, %get3A_871, %get3A_872] {strides = array<i32>} : memref<2x8x384xf32, #tpu.memory_space<vmem>>, vector<1x1x16xf32>,
      %get3A_874 = vector.shape_cast %get3A_873 : vector<1x1x16xf32> to vector<16xf32>
      %get3A_875 = arith.constant 1 : i32
      %get3A_876 = arith.index_cast %get3A_875 : i32 to index
      %get3A_877 = arith.index_cast %scan3A_370 : i32 to index
      %get3A_878 = arith.constant 336 : index
      %get3A_879 = tpu.vector_load %arg8[%get3A_876, %get3A_877, %get3A_878] {strides = array<i32>} : memref<2x8x384xf32, #tpu.memory_space<vmem>>, vector<1x1x16xf32>,
      %get3A_880 = vector.shape_cast %get3A_879 : vector<1x1x16xf32> to vector<16xf32>
      %sub3A_881 = arith.subf %get3A_874, %get3A_880 : vector<16xf32>
      %get3A_882 = arith.constant 1 : i32
      %get3A_883 = arith.index_cast %get3A_882 : i32 to index
      %get3A_884 = arith.index_cast %scan3A_370 : i32 to index
      %get3A_885 = arith.constant 336 : index
      %get3A_886 = tpu.vector_load %arg7[%get3A_883, %get3A_884, %get3A_885] {strides = array<i32>} : memref<2x8x384xf32, #tpu.memory_space<vmem>>, vector<1x1x16xf32>,
      %get3A_887 = vector.shape_cast %get3A_886 : vector<1x1x16xf32> to vector<16xf32>
      %mul3A_888 = arith.mulf %sub3A_881, %sub3A_881 : vector<16xf32>
      %mul3A_889 = arith.mulf %get3A_887, %mul3A_888 : vector<16xf32>
      %add3A_890 = arith.addf %add3A_706, %mul3A_889 : vector<16xf32>
      %add3A_891 = arith.addf %add3A_707, %get3A_887 : vector<16xf32>
      %get3A_892 = arith.constant 1 : i32
      %get3A_893 = arith.index_cast %get3A_892 : i32 to index
      %get3A_894 = arith.index_cast %scan3A_370 : i32 to index
      %get3A_895 = arith.constant 352 : index
      %get3A_896 = tpu.vector_load %arg6[%get3A_893, %get3A_894, %get3A_895] {strides = array<i32>} : memref<2x8x384xf32, #tpu.memory_space<vmem>>, vector<1x1x16xf32>,
      %get3A_897 = vector.shape_cast %get3A_896 : vector<1x1x16xf32> to vector<16xf32>
      %get3A_898 = arith.constant 1 : i32
      %get3A_899 = arith.index_cast %get3A_898 : i32 to index
      %get3A_900 = arith.index_cast %scan3A_370 : i32 to index
      %get3A_901 = arith.constant 352 : index
      %get3A_902 = tpu.vector_load %arg8[%get3A_899, %get3A_900, %get3A_901] {strides = array<i32>} : memref<2x8x384xf32, #tpu.memory_space<vmem>>, vector<1x1x16xf32>,
      %get3A_903 = vector.shape_cast %get3A_902 : vector<1x1x16xf32> to vector<16xf32>
      %sub3A_904 = arith.subf %get3A_897, %get3A_903 : vector<16xf32>
      %get3A_905 = arith.constant 1 : i32
      %get3A_906 = arith.index_cast %get3A_905 : i32 to index
      %get3A_907 = arith.index_cast %scan3A_370 : i32 to index
      %get3A_908 = arith.constant 352 : index
      %get3A_909 = tpu.vector_load %arg7[%get3A_906, %get3A_907, %get3A_908] {strides = array<i32>} : memref<2x8x384xf32, #tpu.memory_space<vmem>>, vector<1x1x16xf32>,
      %get3A_910 = vector.shape_cast %get3A_909 : vector<1x1x16xf32> to vector<16xf32>
      %mul3A_911 = arith.mulf %sub3A_904, %sub3A_904 : vector<16xf32>
      %mul3A_912 = arith.mulf %get3A_910, %mul3A_911 : vector<16xf32>
      %add3A_913 = arith.addf %add3A_729, %mul3A_912 : vector<16xf32>
      %add3A_914 = arith.addf %add3A_730, %get3A_910 : vector<16xf32>
      %get3A_915 = arith.constant 1 : i32
      %get3A_916 = arith.index_cast %get3A_915 : i32 to index
      %get3A_917 = arith.index_cast %scan3A_370 : i32 to index
      %get3A_918 = arith.constant 368 : index
      %get3A_919 = tpu.vector_load %arg6[%get3A_916, %get3A_917, %get3A_918] {strides = array<i32>} : memref<2x8x384xf32, #tpu.memory_space<vmem>>, vector<1x1x16xf32>,
      %get3A_920 = vector.shape_cast %get3A_919 : vector<1x1x16xf32> to vector<16xf32>
      %get3A_921 = arith.constant 1 : i32
      %get3A_922 = arith.index_cast %get3A_921 : i32 to index
      %get3A_923 = arith.index_cast %scan3A_370 : i32 to index
      %get3A_924 = arith.constant 368 : index
      %get3A_925 = tpu.vector_load %arg8[%get3A_922, %get3A_923, %get3A_924] {strides = array<i32>} : memref<2x8x384xf32, #tpu.memory_space<vmem>>, vector<1x1x16xf32>,
      %get3A_926 = vector.shape_cast %get3A_925 : vector<1x1x16xf32> to vector<16xf32>
      %sub3A_927 = arith.subf %get3A_920, %get3A_926 : vector<16xf32>
      %get3A_928 = arith.constant 1 : i32
      %get3A_929 = arith.index_cast %get3A_928 : i32 to index
      %get3A_930 = arith.index_cast %scan3A_370 : i32 to index
      %get3A_931 = arith.constant 368 : index
      %get3A_932 = tpu.vector_load %arg7[%get3A_929, %get3A_930, %get3A_931] {strides = array<i32>} : memref<2x8x384xf32, #tpu.memory_space<vmem>>, vector<1x1x16xf32>,
      %get3A_933 = vector.shape_cast %get3A_932 : vector<1x1x16xf32> to vector<16xf32>
      %mul3A_934 = arith.mulf %sub3A_927, %sub3A_927 : vector<16xf32>
      %mul3A_935 = arith.mulf %get3A_933, %mul3A_934 : vector<16xf32>
      %add3A_936 = arith.addf %add3A_752, %mul3A_935 : vector<16xf32>
      %add3A_937 = arith.addf %add3A_753, %get3A_933 : vector<16xf32>
      scf.yield %add3A_775, %add3A_798, %add3A_821, %add3A_844, %add3A_867, %add3A_890, %add3A_913, %add3A_936, %add3A_776, %add3A_799, %add3A_822, %add3A_845, %add3A_868, %add3A_891, %add3A_914, %add3A_937 : vector<16xf32>, vector<16xf32>, vector<16xf32>, vector<16xf32>, vector<16xf32>, vector<16xf32>, vector<16xf32>, vector<16xf32>, vector<16xf32>, vector<16xf32>, vector<16xf32>, vector<16xf32>, vector<16xf32>, vector<16xf32>, vector<16xf32>, vector<16xf32>
    }
    %scan3A_293 = arith.constant 8 : i32
    %dma_wait3A_294 = arith.constant 2 : i32
    %dma_wait3A_295 = arith.constant 5 : i32
    %dma_wait3A_296 = arith.constant 0 : i32
    %dma_wait3A_297 = arith.constant 0 : i32
    %dma_wait3A_298 = arith.constant 0 : i32
    %dma_wait3A_299 = tpu.memref_slice %arg6[%dma_wait3A_296, %dma_wait3A_297, %dma_wait3A_298] : memref<2x8x384xf32, #tpu.memory_space<vmem>> -> memref<1x8x384xf32, #tpu.memory_space<vmem>>
    %dma_wait3A_300 = tpu.memref_squeeze %dma_wait3A_299 : memref<1x8x384xf32, #tpu.memory_space<vmem>> -> memref<8x384xf32, #tpu.memory_space<vmem>>
    %dma_wait3A_301 = arith.constant 0 : i32
    %dma_wait3A_302 = tpu.memref_slice %arg2[%dma_wait3A_294, %select_n3A, %dma_wait3A_295, %add3A_189, %dma_wait3A_301] : memref<3x8x6x384x384xf32, #tpu.memory_space<hbm>> -> memref<1x1x1x8x384xf32, #tpu.memory_space<hbm>>
    %dma_wait3A_303 = tpu.memref_squeeze %dma_wait3A_302 : memref<1x1x1x8x384xf32, #tpu.memory_space<hbm>> -> memref<8x384xf32, #tpu.memory_space<hbm>>
    %dma_wait3A_304 = arith.constant 0 : i32
    %dma_wait3A_305 = arith.constant 0 : i32
    %dma_wait3A_306 = tpu.memref_slice %arg6[%dma_wait3A_296, %dma_wait3A_304, %dma_wait3A_305] : memref<2x8x384xf32, #tpu.memory_space<vmem>> -> memref<1x8x384xf32, #tpu.memory_space<vmem>>
    %dma_wait3A_307 = tpu.memref_squeeze %dma_wait3A_306 : memref<1x8x384xf32, #tpu.memory_space<vmem>> -> memref<8x384xf32, #tpu.memory_space<vmem>>
    %dma_wait3A_308 = arith.constant 0 : i32
    %dma_wait3A_309 = tpu.memref_slice %arg2[%dma_wait3A_294, %select_n3A, %dma_wait3A_295, %add3A_189, %dma_wait3A_308] : memref<3x8x6x384x384xf32, #tpu.memory_space<hbm>> -> memref<1x1x1x8x384xf32, #tpu.memory_space<hbm>>
    %dma_wait3A_310 = tpu.memref_squeeze %dma_wait3A_309 : memref<1x1x1x8x384xf32, #tpu.memory_space<hbm>> -> memref<8x384xf32, #tpu.memory_space<hbm>>
    tpu.wait_dma2 semaphore(%arg11 : memref<!tpu.dma_semaphore, #tpu.memory_space<semaphore_mem>>) src(%dma_wait3A_310 : memref<8x384xf32, #tpu.memory_space<hbm>>) dst(%dma_wait3A_307 : memref<8x384xf32, #tpu.memory_space<vmem>>)
    %dma_wait3A_311 = arith.constant 0 : i32
    %dma_wait3A_312 = arith.constant 0 : i32
    %dma_wait3A_313 = arith.constant 0 : i32
    %dma_wait3A_314 = arith.constant 0 : i32
    %dma_wait3A_315 = tpu.memref_slice %arg7[%dma_wait3A_312, %dma_wait3A_313, %dma_wait3A_314] : memref<2x8x384xf32, #tpu.memory_space<vmem>> -> memref<1x8x384xf32, #tpu.memory_space<vmem>>
    %dma_wait3A_316 = tpu.memref_squeeze %dma_wait3A_315 : memref<1x8x384xf32, #tpu.memory_space<vmem>> -> memref<8x384xf32, #tpu.memory_space<vmem>>
    %dma_wait3A_317 = arith.constant 0 : i32
    %dma_wait3A_318 = tpu.memref_slice %arg3[%select_n3A, %dma_wait3A_311, %add3A_189, %dma_wait3A_317] : memref<8x3x384x384xf32, #tpu.memory_space<hbm>> -> memref<1x1x8x384xf32, #tpu.memory_space<hbm>>
    %dma_wait3A_319 = tpu.memref_squeeze %dma_wait3A_318 : memref<1x1x8x384xf32, #tpu.memory_space<hbm>> -> memref<8x384xf32, #tpu.memory_space<hbm>>
    %dma_wait3A_320 = arith.constant 0 : i32
    %dma_wait3A_321 = arith.constant 0 : i32
    %dma_wait3A_322 = tpu.memref_slice %arg7[%dma_wait3A_312, %dma_wait3A_320, %dma_wait3A_321] : memref<2x8x384xf32, #tpu.memory_space<vmem>> -> memref<1x8x384xf32, #tpu.memory_space<vmem>>
    %dma_wait3A_323 = tpu.memref_squeeze %dma_wait3A_322 : memref<1x8x384xf32, #tpu.memory_space<vmem>> -> memref<8x384xf32, #tpu.memory_space<vmem>>
    %dma_wait3A_324 = arith.constant 0 : i32
    %dma_wait3A_325 = tpu.memref_slice %arg3[%select_n3A, %dma_wait3A_311, %add3A_189, %dma_wait3A_324] : memref<8x3x384x384xf32, #tpu.memory_space<hbm>> -> memref<1x1x8x384xf32, #tpu.memory_space<hbm>>
    %dma_wait3A_326 = tpu.memref_squeeze %dma_wait3A_325 : memref<1x1x8x384xf32, #tpu.memory_space<hbm>> -> memref<8x384xf32, #tpu.memory_space<hbm>>
    tpu.wait_dma2 semaphore(%arg11 : memref<!tpu.dma_semaphore, #tpu.memory_space<semaphore_mem>>) src(%dma_wait3A_326 : memref<8x384xf32, #tpu.memory_space<hbm>>) dst(%dma_wait3A_323 : memref<8x384xf32, #tpu.memory_space<vmem>>)
    %dma_wait3A_327 = arith.constant 2 : i32
    %dma_wait3A_328 = arith.constant 0 : i32
    %dma_wait3A_329 = arith.constant 0 : i32
    %dma_wait3A_330 = arith.constant 0 : i32
    %dma_wait3A_331 = tpu.memref_slice %arg8[%dma_wait3A_328, %dma_wait3A_329, %dma_wait3A_330] : memref<2x8x384xf32, #tpu.memory_space<vmem>> -> memref<1x8x384xf32, #tpu.memory_space<vmem>>
    %dma_wait3A_332 = tpu.memref_squeeze %dma_wait3A_331 : memref<1x8x384xf32, #tpu.memory_space<vmem>> -> memref<8x384xf32, #tpu.memory_space<vmem>>
    %dma_wait3A_333 = arith.constant 0 : i32
    %dma_wait3A_334 = tpu.memref_slice %arg3[%select_n3A, %dma_wait3A_327, %add3A_189, %dma_wait3A_333] : memref<8x3x384x384xf32, #tpu.memory_space<hbm>> -> memref<1x1x8x384xf32, #tpu.memory_space<hbm>>
    %dma_wait3A_335 = tpu.memref_squeeze %dma_wait3A_334 : memref<1x1x8x384xf32, #tpu.memory_space<hbm>> -> memref<8x384xf32, #tpu.memory_space<hbm>>
    %dma_wait3A_336 = arith.constant 0 : i32
    %dma_wait3A_337 = arith.constant 0 : i32
    %dma_wait3A_338 = tpu.memref_slice %arg8[%dma_wait3A_328, %dma_wait3A_336, %dma_wait3A_337] : memref<2x8x384xf32, #tpu.memory_space<vmem>> -> memref<1x8x384xf32, #tpu.memory_space<vmem>>
    %dma_wait3A_339 = tpu.memref_squeeze %dma_wait3A_338 : memref<1x8x384xf32, #tpu.memory_space<vmem>> -> memref<8x384xf32, #tpu.memory_space<vmem>>
    %dma_wait3A_340 = arith.constant 0 : i32
    %dma_wait3A_341 = tpu.memref_slice %arg3[%select_n3A, %dma_wait3A_327, %add3A_189, %dma_wait3A_340] : memref<8x3x384x384xf32, #tpu.memory_space<hbm>> -> memref<1x1x8x384xf32, #tpu.memory_space<hbm>>
    %dma_wait3A_342 = tpu.memref_squeeze %dma_wait3A_341 : memref<1x1x8x384xf32, #tpu.memory_space<hbm>> -> memref<8x384xf32, #tpu.memory_space<hbm>>
    tpu.wait_dma2 semaphore(%arg11 : memref<!tpu.dma_semaphore, #tpu.memory_space<semaphore_mem>>) src(%dma_wait3A_342 : memref<8x384xf32, #tpu.memory_space<hbm>>) dst(%dma_wait3A_339 : memref<8x384xf32, #tpu.memory_space<vmem>>)
    %scan3A_343 = arith.constant 0 : i32
    %scan3A_344 = arith.constant 8 : i32
    %scan3A_345 = arith.addi %scan3A_343, %scan3A_344 : i32
    %scan3A_346 = arith.constant 1 : i32
    %scan3A_347:16 = scf.for %scan3A_370 = %scan3A_343 to %scan3A_345 step %scan3A_346 iter_args(%scan3A_371 = %scan3A_292#0, %scan3A_372 = %scan3A_292#1, %scan3A_373 = %scan3A_292#2, %scan3A_374 = %scan3A_292#3, %scan3A_375 = %scan3A_292#4, %scan3A_376 = %scan3A_292#5, %scan3A_377 = %scan3A_292#6, %scan3A_378 = %scan3A_292#7, %scan3A_379 = %scan3A_292#8, %scan3A_380 = %scan3A_292#9, %scan3A_381 = %scan3A_292#10, %scan3A_382 = %scan3A_292#11, %scan3A_383 = %scan3A_292#12, %scan3A_384 = %scan3A_292#13, %scan3A_385 = %scan3A_292#14, %scan3A_386 = %scan3A_292#15) -> (vector<16xf32>, vector<16xf32>, vector<16xf32>, vector<16xf32>, vector<16xf32>, vector<16xf32>, vector<16xf32>, vector<16xf32>, vector<16xf32>, vector<16xf32>, vector<16xf32>, vector<16xf32>, vector<16xf32>, vector<16xf32>, vector<16xf32>, vector<16xf32>)  : i32 {
      %get3A = arith.constant 0 : i32
      %get3A_387 = arith.index_cast %get3A : i32 to index
      %get3A_388 = arith.index_cast %scan3A_370 : i32 to index
      %get3A_389 = arith.constant 0 : index
      %get3A_390 = tpu.vector_load %arg6[%get3A_387, %get3A_388, %get3A_389] {strides = array<i32>} : memref<2x8x384xf32, #tpu.memory_space<vmem>>, vector<1x1x16xf32>,
      %get3A_391 = vector.shape_cast %get3A_390 : vector<1x1x16xf32> to vector<16xf32>
      %get3A_392 = arith.constant 0 : i32
      %get3A_393 = arith.index_cast %get3A_392 : i32 to index
      %get3A_394 = arith.index_cast %scan3A_370 : i32 to index
      %get3A_395 = arith.constant 0 : index
      %get3A_396 = tpu.vector_load %arg8[%get3A_393, %get3A_394, %get3A_395] {strides = array<i32>} : memref<2x8x384xf32, #tpu.memory_space<vmem>>, vector<1x1x16xf32>,
      %get3A_397 = vector.shape_cast %get3A_396 : vector<1x1x16xf32> to vector<16xf32>
      %sub3A_398 = arith.subf %get3A_391, %get3A_397 : vector<16xf32>
      %get3A_399 = arith.constant 0 : i32
      %get3A_400 = arith.index_cast %get3A_399 : i32 to index
      %get3A_401 = arith.index_cast %scan3A_370 : i32 to index
      %get3A_402 = arith.constant 0 : index
      %get3A_403 = tpu.vector_load %arg7[%get3A_400, %get3A_401, %get3A_402] {strides = array<i32>} : memref<2x8x384xf32, #tpu.memory_space<vmem>>, vector<1x1x16xf32>,
      %get3A_404 = vector.shape_cast %get3A_403 : vector<1x1x16xf32> to vector<16xf32>
      %mul3A_405 = arith.mulf %sub3A_398, %sub3A_398 : vector<16xf32>
      %mul3A_406 = arith.mulf %get3A_404, %mul3A_405 : vector<16xf32>
      %add3A_407 = arith.addf %scan3A_371, %mul3A_406 : vector<16xf32>
      %add3A_408 = arith.addf %scan3A_379, %get3A_404 : vector<16xf32>
      %get3A_409 = arith.constant 0 : i32
      %get3A_410 = arith.index_cast %get3A_409 : i32 to index
      %get3A_411 = arith.index_cast %scan3A_370 : i32 to index
      %get3A_412 = arith.constant 16 : index
      %get3A_413 = tpu.vector_load %arg6[%get3A_410, %get3A_411, %get3A_412] {strides = array<i32>} : memref<2x8x384xf32, #tpu.memory_space<vmem>>, vector<1x1x16xf32>,
      %get3A_414 = vector.shape_cast %get3A_413 : vector<1x1x16xf32> to vector<16xf32>
      %get3A_415 = arith.constant 0 : i32
      %get3A_416 = arith.index_cast %get3A_415 : i32 to index
      %get3A_417 = arith.index_cast %scan3A_370 : i32 to index
      %get3A_418 = arith.constant 16 : index
      %get3A_419 = tpu.vector_load %arg8[%get3A_416, %get3A_417, %get3A_418] {strides = array<i32>} : memref<2x8x384xf32, #tpu.memory_space<vmem>>, vector<1x1x16xf32>,
      %get3A_420 = vector.shape_cast %get3A_419 : vector<1x1x16xf32> to vector<16xf32>
      %sub3A_421 = arith.subf %get3A_414, %get3A_420 : vector<16xf32>
      %get3A_422 = arith.constant 0 : i32
      %get3A_423 = arith.index_cast %get3A_422 : i32 to index
      %get3A_424 = arith.index_cast %scan3A_370 : i32 to index
      %get3A_425 = arith.constant 16 : index
      %get3A_426 = tpu.vector_load %arg7[%get3A_423, %get3A_424, %get3A_425] {strides = array<i32>} : memref<2x8x384xf32, #tpu.memory_space<vmem>>, vector<1x1x16xf32>,
      %get3A_427 = vector.shape_cast %get3A_426 : vector<1x1x16xf32> to vector<16xf32>
      %mul3A_428 = arith.mulf %sub3A_421, %sub3A_421 : vector<16xf32>
      %mul3A_429 = arith.mulf %get3A_427, %mul3A_428 : vector<16xf32>
      %add3A_430 = arith.addf %scan3A_372, %mul3A_429 : vector<16xf32>
      %add3A_431 = arith.addf %scan3A_380, %get3A_427 : vector<16xf32>
      %get3A_432 = arith.constant 0 : i32
      %get3A_433 = arith.index_cast %get3A_432 : i32 to index
      %get3A_434 = arith.index_cast %scan3A_370 : i32 to index
      %get3A_435 = arith.constant 32 : index
      %get3A_436 = tpu.vector_load %arg6[%get3A_433, %get3A_434, %get3A_435] {strides = array<i32>} : memref<2x8x384xf32, #tpu.memory_space<vmem>>, vector<1x1x16xf32>,
      %get3A_437 = vector.shape_cast %get3A_436 : vector<1x1x16xf32> to vector<16xf32>
      %get3A_438 = arith.constant 0 : i32
      %get3A_439 = arith.index_cast %get3A_438 : i32 to index
      %get3A_440 = arith.index_cast %scan3A_370 : i32 to index
      %get3A_441 = arith.constant 32 : index
      %get3A_442 = tpu.vector_load %arg8[%get3A_439, %get3A_440, %get3A_441] {strides = array<i32>} : memref<2x8x384xf32, #tpu.memory_space<vmem>>, vector<1x1x16xf32>,
      %get3A_443 = vector.shape_cast %get3A_442 : vector<1x1x16xf32> to vector<16xf32>
      %sub3A_444 = arith.subf %get3A_437, %get3A_443 : vector<16xf32>
      %get3A_445 = arith.constant 0 : i32
      %get3A_446 = arith.index_cast %get3A_445 : i32 to index
      %get3A_447 = arith.index_cast %scan3A_370 : i32 to index
      %get3A_448 = arith.constant 32 : index
      %get3A_449 = tpu.vector_load %arg7[%get3A_446, %get3A_447, %get3A_448] {strides = array<i32>} : memref<2x8x384xf32, #tpu.memory_space<vmem>>, vector<1x1x16xf32>,
      %get3A_450 = vector.shape_cast %get3A_449 : vector<1x1x16xf32> to vector<16xf32>
      %mul3A_451 = arith.mulf %sub3A_444, %sub3A_444 : vector<16xf32>
      %mul3A_452 = arith.mulf %get3A_450, %mul3A_451 : vector<16xf32>
      %add3A_453 = arith.addf %scan3A_373, %mul3A_452 : vector<16xf32>
      %add3A_454 = arith.addf %scan3A_381, %get3A_450 : vector<16xf32>
      %get3A_455 = arith.constant 0 : i32
      %get3A_456 = arith.index_cast %get3A_455 : i32 to index
      %get3A_457 = arith.index_cast %scan3A_370 : i32 to index
      %get3A_458 = arith.constant 48 : index
      %get3A_459 = tpu.vector_load %arg6[%get3A_456, %get3A_457, %get3A_458] {strides = array<i32>} : memref<2x8x384xf32, #tpu.memory_space<vmem>>, vector<1x1x16xf32>,
      %get3A_460 = vector.shape_cast %get3A_459 : vector<1x1x16xf32> to vector<16xf32>
      %get3A_461 = arith.constant 0 : i32
      %get3A_462 = arith.index_cast %get3A_461 : i32 to index
      %get3A_463 = arith.index_cast %scan3A_370 : i32 to index
      %get3A_464 = arith.constant 48 : index
      %get3A_465 = tpu.vector_load %arg8[%get3A_462, %get3A_463, %get3A_464] {strides = array<i32>} : memref<2x8x384xf32, #tpu.memory_space<vmem>>, vector<1x1x16xf32>,
      %get3A_466 = vector.shape_cast %get3A_465 : vector<1x1x16xf32> to vector<16xf32>
      %sub3A_467 = arith.subf %get3A_460, %get3A_466 : vector<16xf32>
      %get3A_468 = arith.constant 0 : i32
      %get3A_469 = arith.index_cast %get3A_468 : i32 to index
      %get3A_470 = arith.index_cast %scan3A_370 : i32 to index
      %get3A_471 = arith.constant 48 : index
      %get3A_472 = tpu.vector_load %arg7[%get3A_469, %get3A_470, %get3A_471] {strides = array<i32>} : memref<2x8x384xf32, #tpu.memory_space<vmem>>, vector<1x1x16xf32>,
      %get3A_473 = vector.shape_cast %get3A_472 : vector<1x1x16xf32> to vector<16xf32>
      %mul3A_474 = arith.mulf %sub3A_467, %sub3A_467 : vector<16xf32>
      %mul3A_475 = arith.mulf %get3A_473, %mul3A_474 : vector<16xf32>
      %add3A_476 = arith.addf %scan3A_374, %mul3A_475 : vector<16xf32>
      %add3A_477 = arith.addf %scan3A_382, %get3A_473 : vector<16xf32>
      %get3A_478 = arith.constant 0 : i32
      %get3A_479 = arith.index_cast %get3A_478 : i32 to index
      %get3A_480 = arith.index_cast %scan3A_370 : i32 to index
      %get3A_481 = arith.constant 64 : index
      %get3A_482 = tpu.vector_load %arg6[%get3A_479, %get3A_480, %get3A_481] {strides = array<i32>} : memref<2x8x384xf32, #tpu.memory_space<vmem>>, vector<1x1x16xf32>,
      %get3A_483 = vector.shape_cast %get3A_482 : vector<1x1x16xf32> to vector<16xf32>
      %get3A_484 = arith.constant 0 : i32
      %get3A_485 = arith.index_cast %get3A_484 : i32 to index
      %get3A_486 = arith.index_cast %scan3A_370 : i32 to index
      %get3A_487 = arith.constant 64 : index
      %get3A_488 = tpu.vector_load %arg8[%get3A_485, %get3A_486, %get3A_487] {strides = array<i32>} : memref<2x8x384xf32, #tpu.memory_space<vmem>>, vector<1x1x16xf32>,
      %get3A_489 = vector.shape_cast %get3A_488 : vector<1x1x16xf32> to vector<16xf32>
      %sub3A_490 = arith.subf %get3A_483, %get3A_489 : vector<16xf32>
      %get3A_491 = arith.constant 0 : i32
      %get3A_492 = arith.index_cast %get3A_491 : i32 to index
      %get3A_493 = arith.index_cast %scan3A_370 : i32 to index
      %get3A_494 = arith.constant 64 : index
      %get3A_495 = tpu.vector_load %arg7[%get3A_492, %get3A_493, %get3A_494] {strides = array<i32>} : memref<2x8x384xf32, #tpu.memory_space<vmem>>, vector<1x1x16xf32>,
      %get3A_496 = vector.shape_cast %get3A_495 : vector<1x1x16xf32> to vector<16xf32>
      %mul3A_497 = arith.mulf %sub3A_490, %sub3A_490 : vector<16xf32>
      %mul3A_498 = arith.mulf %get3A_496, %mul3A_497 : vector<16xf32>
      %add3A_499 = arith.addf %scan3A_375, %mul3A_498 : vector<16xf32>
      %add3A_500 = arith.addf %scan3A_383, %get3A_496 : vector<16xf32>
      %get3A_501 = arith.constant 0 : i32
      %get3A_502 = arith.index_cast %get3A_501 : i32 to index
      %get3A_503 = arith.index_cast %scan3A_370 : i32 to index
      %get3A_504 = arith.constant 80 : index
      %get3A_505 = tpu.vector_load %arg6[%get3A_502, %get3A_503, %get3A_504] {strides = array<i32>} : memref<2x8x384xf32, #tpu.memory_space<vmem>>, vector<1x1x16xf32>,
      %get3A_506 = vector.shape_cast %get3A_505 : vector<1x1x16xf32> to vector<16xf32>
      %get3A_507 = arith.constant 0 : i32
      %get3A_508 = arith.index_cast %get3A_507 : i32 to index
      %get3A_509 = arith.index_cast %scan3A_370 : i32 to index
      %get3A_510 = arith.constant 80 : index
      %get3A_511 = tpu.vector_load %arg8[%get3A_508, %get3A_509, %get3A_510] {strides = array<i32>} : memref<2x8x384xf32, #tpu.memory_space<vmem>>, vector<1x1x16xf32>,
      %get3A_512 = vector.shape_cast %get3A_511 : vector<1x1x16xf32> to vector<16xf32>
      %sub3A_513 = arith.subf %get3A_506, %get3A_512 : vector<16xf32>
      %get3A_514 = arith.constant 0 : i32
      %get3A_515 = arith.index_cast %get3A_514 : i32 to index
      %get3A_516 = arith.index_cast %scan3A_370 : i32 to index
      %get3A_517 = arith.constant 80 : index
      %get3A_518 = tpu.vector_load %arg7[%get3A_515, %get3A_516, %get3A_517] {strides = array<i32>} : memref<2x8x384xf32, #tpu.memory_space<vmem>>, vector<1x1x16xf32>,
      %get3A_519 = vector.shape_cast %get3A_518 : vector<1x1x16xf32> to vector<16xf32>
      %mul3A_520 = arith.mulf %sub3A_513, %sub3A_513 : vector<16xf32>
      %mul3A_521 = arith.mulf %get3A_519, %mul3A_520 : vector<16xf32>
      %add3A_522 = arith.addf %scan3A_376, %mul3A_521 : vector<16xf32>
      %add3A_523 = arith.addf %scan3A_384, %get3A_519 : vector<16xf32>
      %get3A_524 = arith.constant 0 : i32
      %get3A_525 = arith.index_cast %get3A_524 : i32 to index
      %get3A_526 = arith.index_cast %scan3A_370 : i32 to index
      %get3A_527 = arith.constant 96 : index
      %get3A_528 = tpu.vector_load %arg6[%get3A_525, %get3A_526, %get3A_527] {strides = array<i32>} : memref<2x8x384xf32, #tpu.memory_space<vmem>>, vector<1x1x16xf32>,
      %get3A_529 = vector.shape_cast %get3A_528 : vector<1x1x16xf32> to vector<16xf32>
      %get3A_530 = arith.constant 0 : i32
      %get3A_531 = arith.index_cast %get3A_530 : i32 to index
      %get3A_532 = arith.index_cast %scan3A_370 : i32 to index
      %get3A_533 = arith.constant 96 : index
      %get3A_534 = tpu.vector_load %arg8[%get3A_531, %get3A_532, %get3A_533] {strides = array<i32>} : memref<2x8x384xf32, #tpu.memory_space<vmem>>, vector<1x1x16xf32>,
      %get3A_535 = vector.shape_cast %get3A_534 : vector<1x1x16xf32> to vector<16xf32>
      %sub3A_536 = arith.subf %get3A_529, %get3A_535 : vector<16xf32>
      %get3A_537 = arith.constant 0 : i32
      %get3A_538 = arith.index_cast %get3A_537 : i32 to index
      %get3A_539 = arith.index_cast %scan3A_370 : i32 to index
      %get3A_540 = arith.constant 96 : index
      %get3A_541 = tpu.vector_load %arg7[%get3A_538, %get3A_539, %get3A_540] {strides = array<i32>} : memref<2x8x384xf32, #tpu.memory_space<vmem>>, vector<1x1x16xf32>,
      %get3A_542 = vector.shape_cast %get3A_541 : vector<1x1x16xf32> to vector<16xf32>
      %mul3A_543 = arith.mulf %sub3A_536, %sub3A_536 : vector<16xf32>
      %mul3A_544 = arith.mulf %get3A_542, %mul3A_543 : vector<16xf32>
      %add3A_545 = arith.addf %scan3A_377, %mul3A_544 : vector<16xf32>
      %add3A_546 = arith.addf %scan3A_385, %get3A_542 : vector<16xf32>
      %get3A_547 = arith.constant 0 : i32
      %get3A_548 = arith.index_cast %get3A_547 : i32 to index
      %get3A_549 = arith.index_cast %scan3A_370 : i32 to index
      %get3A_550 = arith.constant 112 : index
      %get3A_551 = tpu.vector_load %arg6[%get3A_548, %get3A_549, %get3A_550] {strides = array<i32>} : memref<2x8x384xf32, #tpu.memory_space<vmem>>, vector<1x1x16xf32>,
      %get3A_552 = vector.shape_cast %get3A_551 : vector<1x1x16xf32> to vector<16xf32>
      %get3A_553 = arith.constant 0 : i32
      %get3A_554 = arith.index_cast %get3A_553 : i32 to index
      %get3A_555 = arith.index_cast %scan3A_370 : i32 to index
      %get3A_556 = arith.constant 112 : index
      %get3A_557 = tpu.vector_load %arg8[%get3A_554, %get3A_555, %get3A_556] {strides = array<i32>} : memref<2x8x384xf32, #tpu.memory_space<vmem>>, vector<1x1x16xf32>,
      %get3A_558 = vector.shape_cast %get3A_557 : vector<1x1x16xf32> to vector<16xf32>
      %sub3A_559 = arith.subf %get3A_552, %get3A_558 : vector<16xf32>
      %get3A_560 = arith.constant 0 : i32
      %get3A_561 = arith.index_cast %get3A_560 : i32 to index
      %get3A_562 = arith.index_cast %scan3A_370 : i32 to index
      %get3A_563 = arith.constant 112 : index
      %get3A_564 = tpu.vector_load %arg7[%get3A_561, %get3A_562, %get3A_563] {strides = array<i32>} : memref<2x8x384xf32, #tpu.memory_space<vmem>>, vector<1x1x16xf32>,
      %get3A_565 = vector.shape_cast %get3A_564 : vector<1x1x16xf32> to vector<16xf32>
      %mul3A_566 = arith.mulf %sub3A_559, %sub3A_559 : vector<16xf32>
      %mul3A_567 = arith.mulf %get3A_565, %mul3A_566 : vector<16xf32>
      %add3A_568 = arith.addf %scan3A_378, %mul3A_567 : vector<16xf32>
      %add3A_569 = arith.addf %scan3A_386, %get3A_565 : vector<16xf32>
      %get3A_570 = arith.constant 0 : i32
      %get3A_571 = arith.index_cast %get3A_570 : i32 to index
      %get3A_572 = arith.index_cast %scan3A_370 : i32 to index
      %get3A_573 = arith.constant 128 : index
      %get3A_574 = tpu.vector_load %arg6[%get3A_571, %get3A_572, %get3A_573] {strides = array<i32>} : memref<2x8x384xf32, #tpu.memory_space<vmem>>, vector<1x1x16xf32>,
      %get3A_575 = vector.shape_cast %get3A_574 : vector<1x1x16xf32> to vector<16xf32>
      %get3A_576 = arith.constant 0 : i32
      %get3A_577 = arith.index_cast %get3A_576 : i32 to index
      %get3A_578 = arith.index_cast %scan3A_370 : i32 to index
      %get3A_579 = arith.constant 128 : index
      %get3A_580 = tpu.vector_load %arg8[%get3A_577, %get3A_578, %get3A_579] {strides = array<i32>} : memref<2x8x384xf32, #tpu.memory_space<vmem>>, vector<1x1x16xf32>,
      %get3A_581 = vector.shape_cast %get3A_580 : vector<1x1x16xf32> to vector<16xf32>
      %sub3A_582 = arith.subf %get3A_575, %get3A_581 : vector<16xf32>
      %get3A_583 = arith.constant 0 : i32
      %get3A_584 = arith.index_cast %get3A_583 : i32 to index
      %get3A_585 = arith.index_cast %scan3A_370 : i32 to index
      %get3A_586 = arith.constant 128 : index
      %get3A_587 = tpu.vector_load %arg7[%get3A_584, %get3A_585, %get3A_586] {strides = array<i32>} : memref<2x8x384xf32, #tpu.memory_space<vmem>>, vector<1x1x16xf32>,
      %get3A_588 = vector.shape_cast %get3A_587 : vector<1x1x16xf32> to vector<16xf32>
      %mul3A_589 = arith.mulf %sub3A_582, %sub3A_582 : vector<16xf32>
      %mul3A_590 = arith.mulf %get3A_588, %mul3A_589 : vector<16xf32>
      %add3A_591 = arith.addf %add3A_407, %mul3A_590 : vector<16xf32>
      %add3A_592 = arith.addf %add3A_408, %get3A_588 : vector<16xf32>
      %get3A_593 = arith.constant 0 : i32
      %get3A_594 = arith.index_cast %get3A_593 : i32 to index
      %get3A_595 = arith.index_cast %scan3A_370 : i32 to index
      %get3A_596 = arith.constant 144 : index
      %get3A_597 = tpu.vector_load %arg6[%get3A_594, %get3A_595, %get3A_596] {strides = array<i32>} : memref<2x8x384xf32, #tpu.memory_space<vmem>>, vector<1x1x16xf32>,
      %get3A_598 = vector.shape_cast %get3A_597 : vector<1x1x16xf32> to vector<16xf32>
      %get3A_599 = arith.constant 0 : i32
      %get3A_600 = arith.index_cast %get3A_599 : i32 to index
      %get3A_601 = arith.index_cast %scan3A_370 : i32 to index
      %get3A_602 = arith.constant 144 : index
      %get3A_603 = tpu.vector_load %arg8[%get3A_600, %get3A_601, %get3A_602] {strides = array<i32>} : memref<2x8x384xf32, #tpu.memory_space<vmem>>, vector<1x1x16xf32>,
      %get3A_604 = vector.shape_cast %get3A_603 : vector<1x1x16xf32> to vector<16xf32>
      %sub3A_605 = arith.subf %get3A_598, %get3A_604 : vector<16xf32>
      %get3A_606 = arith.constant 0 : i32
      %get3A_607 = arith.index_cast %get3A_606 : i32 to index
      %get3A_608 = arith.index_cast %scan3A_370 : i32 to index
      %get3A_609 = arith.constant 144 : index
      %get3A_610 = tpu.vector_load %arg7[%get3A_607, %get3A_608, %get3A_609] {strides = array<i32>} : memref<2x8x384xf32, #tpu.memory_space<vmem>>, vector<1x1x16xf32>,
      %get3A_611 = vector.shape_cast %get3A_610 : vector<1x1x16xf32> to vector<16xf32>
      %mul3A_612 = arith.mulf %sub3A_605, %sub3A_605 : vector<16xf32>
      %mul3A_613 = arith.mulf %get3A_611, %mul3A_612 : vector<16xf32>
      %add3A_614 = arith.addf %add3A_430, %mul3A_613 : vector<16xf32>
      %add3A_615 = arith.addf %add3A_431, %get3A_611 : vector<16xf32>
      %get3A_616 = arith.constant 0 : i32
      %get3A_617 = arith.index_cast %get3A_616 : i32 to index
      %get3A_618 = arith.index_cast %scan3A_370 : i32 to index
      %get3A_619 = arith.constant 160 : index
      %get3A_620 = tpu.vector_load %arg6[%get3A_617, %get3A_618, %get3A_619] {strides = array<i32>} : memref<2x8x384xf32, #tpu.memory_space<vmem>>, vector<1x1x16xf32>,
      %get3A_621 = vector.shape_cast %get3A_620 : vector<1x1x16xf32> to vector<16xf32>
      %get3A_622 = arith.constant 0 : i32
      %get3A_623 = arith.index_cast %get3A_622 : i32 to index
      %get3A_624 = arith.index_cast %scan3A_370 : i32 to index
      %get3A_625 = arith.constant 160 : index
      %get3A_626 = tpu.vector_load %arg8[%get3A_623, %get3A_624, %get3A_625] {strides = array<i32>} : memref<2x8x384xf32, #tpu.memory_space<vmem>>, vector<1x1x16xf32>,
      %get3A_627 = vector.shape_cast %get3A_626 : vector<1x1x16xf32> to vector<16xf32>
      %sub3A_628 = arith.subf %get3A_621, %get3A_627 : vector<16xf32>
      %get3A_629 = arith.constant 0 : i32
      %get3A_630 = arith.index_cast %get3A_629 : i32 to index
      %get3A_631 = arith.index_cast %scan3A_370 : i32 to index
      %get3A_632 = arith.constant 160 : index
      %get3A_633 = tpu.vector_load %arg7[%get3A_630, %get3A_631, %get3A_632] {strides = array<i32>} : memref<2x8x384xf32, #tpu.memory_space<vmem>>, vector<1x1x16xf32>,
      %get3A_634 = vector.shape_cast %get3A_633 : vector<1x1x16xf32> to vector<16xf32>
      %mul3A_635 = arith.mulf %sub3A_628, %sub3A_628 : vector<16xf32>
      %mul3A_636 = arith.mulf %get3A_634, %mul3A_635 : vector<16xf32>
      %add3A_637 = arith.addf %add3A_453, %mul3A_636 : vector<16xf32>
      %add3A_638 = arith.addf %add3A_454, %get3A_634 : vector<16xf32>
      %get3A_639 = arith.constant 0 : i32
      %get3A_640 = arith.index_cast %get3A_639 : i32 to index
      %get3A_641 = arith.index_cast %scan3A_370 : i32 to index
      %get3A_642 = arith.constant 176 : index
      %get3A_643 = tpu.vector_load %arg6[%get3A_640, %get3A_641, %get3A_642] {strides = array<i32>} : memref<2x8x384xf32, #tpu.memory_space<vmem>>, vector<1x1x16xf32>,
      %get3A_644 = vector.shape_cast %get3A_643 : vector<1x1x16xf32> to vector<16xf32>
      %get3A_645 = arith.constant 0 : i32
      %get3A_646 = arith.index_cast %get3A_645 : i32 to index
      %get3A_647 = arith.index_cast %scan3A_370 : i32 to index
      %get3A_648 = arith.constant 176 : index
      %get3A_649 = tpu.vector_load %arg8[%get3A_646, %get3A_647, %get3A_648] {strides = array<i32>} : memref<2x8x384xf32, #tpu.memory_space<vmem>>, vector<1x1x16xf32>,
      %get3A_650 = vector.shape_cast %get3A_649 : vector<1x1x16xf32> to vector<16xf32>
      %sub3A_651 = arith.subf %get3A_644, %get3A_650 : vector<16xf32>
      %get3A_652 = arith.constant 0 : i32
      %get3A_653 = arith.index_cast %get3A_652 : i32 to index
      %get3A_654 = arith.index_cast %scan3A_370 : i32 to index
      %get3A_655 = arith.constant 176 : index
      %get3A_656 = tpu.vector_load %arg7[%get3A_653, %get3A_654, %get3A_655] {strides = array<i32>} : memref<2x8x384xf32, #tpu.memory_space<vmem>>, vector<1x1x16xf32>,
      %get3A_657 = vector.shape_cast %get3A_656 : vector<1x1x16xf32> to vector<16xf32>
      %mul3A_658 = arith.mulf %sub3A_651, %sub3A_651 : vector<16xf32>
      %mul3A_659 = arith.mulf %get3A_657, %mul3A_658 : vector<16xf32>
      %add3A_660 = arith.addf %add3A_476, %mul3A_659 : vector<16xf32>
      %add3A_661 = arith.addf %add3A_477, %get3A_657 : vector<16xf32>
      %get3A_662 = arith.constant 0 : i32
      %get3A_663 = arith.index_cast %get3A_662 : i32 to index
      %get3A_664 = arith.index_cast %scan3A_370 : i32 to index
      %get3A_665 = arith.constant 192 : index
      %get3A_666 = tpu.vector_load %arg6[%get3A_663, %get3A_664, %get3A_665] {strides = array<i32>} : memref<2x8x384xf32, #tpu.memory_space<vmem>>, vector<1x1x16xf32>,
      %get3A_667 = vector.shape_cast %get3A_666 : vector<1x1x16xf32> to vector<16xf32>
      %get3A_668 = arith.constant 0 : i32
      %get3A_669 = arith.index_cast %get3A_668 : i32 to index
      %get3A_670 = arith.index_cast %scan3A_370 : i32 to index
      %get3A_671 = arith.constant 192 : index
      %get3A_672 = tpu.vector_load %arg8[%get3A_669, %get3A_670, %get3A_671] {strides = array<i32>} : memref<2x8x384xf32, #tpu.memory_space<vmem>>, vector<1x1x16xf32>,
      %get3A_673 = vector.shape_cast %get3A_672 : vector<1x1x16xf32> to vector<16xf32>
      %sub3A_674 = arith.subf %get3A_667, %get3A_673 : vector<16xf32>
      %get3A_675 = arith.constant 0 : i32
      %get3A_676 = arith.index_cast %get3A_675 : i32 to index
      %get3A_677 = arith.index_cast %scan3A_370 : i32 to index
      %get3A_678 = arith.constant 192 : index
      %get3A_679 = tpu.vector_load %arg7[%get3A_676, %get3A_677, %get3A_678] {strides = array<i32>} : memref<2x8x384xf32, #tpu.memory_space<vmem>>, vector<1x1x16xf32>,
      %get3A_680 = vector.shape_cast %get3A_679 : vector<1x1x16xf32> to vector<16xf32>
      %mul3A_681 = arith.mulf %sub3A_674, %sub3A_674 : vector<16xf32>
      %mul3A_682 = arith.mulf %get3A_680, %mul3A_681 : vector<16xf32>
      %add3A_683 = arith.addf %add3A_499, %mul3A_682 : vector<16xf32>
      %add3A_684 = arith.addf %add3A_500, %get3A_680 : vector<16xf32>
      %get3A_685 = arith.constant 0 : i32
      %get3A_686 = arith.index_cast %get3A_685 : i32 to index
      %get3A_687 = arith.index_cast %scan3A_370 : i32 to index
      %get3A_688 = arith.constant 208 : index
      %get3A_689 = tpu.vector_load %arg6[%get3A_686, %get3A_687, %get3A_688] {strides = array<i32>} : memref<2x8x384xf32, #tpu.memory_space<vmem>>, vector<1x1x16xf32>,
      %get3A_690 = vector.shape_cast %get3A_689 : vector<1x1x16xf32> to vector<16xf32>
      %get3A_691 = arith.constant 0 : i32
      %get3A_692 = arith.index_cast %get3A_691 : i32 to index
      %get3A_693 = arith.index_cast %scan3A_370 : i32 to index
      %get3A_694 = arith.constant 208 : index
      %get3A_695 = tpu.vector_load %arg8[%get3A_692, %get3A_693, %get3A_694] {strides = array<i32>} : memref<2x8x384xf32, #tpu.memory_space<vmem>>, vector<1x1x16xf32>,
      %get3A_696 = vector.shape_cast %get3A_695 : vector<1x1x16xf32> to vector<16xf32>
      %sub3A_697 = arith.subf %get3A_690, %get3A_696 : vector<16xf32>
      %get3A_698 = arith.constant 0 : i32
      %get3A_699 = arith.index_cast %get3A_698 : i32 to index
      %get3A_700 = arith.index_cast %scan3A_370 : i32 to index
      %get3A_701 = arith.constant 208 : index
      %get3A_702 = tpu.vector_load %arg7[%get3A_699, %get3A_700, %get3A_701] {strides = array<i32>} : memref<2x8x384xf32, #tpu.memory_space<vmem>>, vector<1x1x16xf32>,
      %get3A_703 = vector.shape_cast %get3A_702 : vector<1x1x16xf32> to vector<16xf32>
      %mul3A_704 = arith.mulf %sub3A_697, %sub3A_697 : vector<16xf32>
      %mul3A_705 = arith.mulf %get3A_703, %mul3A_704 : vector<16xf32>
      %add3A_706 = arith.addf %add3A_522, %mul3A_705 : vector<16xf32>
      %add3A_707 = arith.addf %add3A_523, %get3A_703 : vector<16xf32>
      %get3A_708 = arith.constant 0 : i32
      %get3A_709 = arith.index_cast %get3A_708 : i32 to index
      %get3A_710 = arith.index_cast %scan3A_370 : i32 to index
      %get3A_711 = arith.constant 224 : index
      %get3A_712 = tpu.vector_load %arg6[%get3A_709, %get3A_710, %get3A_711] {strides = array<i32>} : memref<2x8x384xf32, #tpu.memory_space<vmem>>, vector<1x1x16xf32>,
      %get3A_713 = vector.shape_cast %get3A_712 : vector<1x1x16xf32> to vector<16xf32>
      %get3A_714 = arith.constant 0 : i32
      %get3A_715 = arith.index_cast %get3A_714 : i32 to index
      %get3A_716 = arith.index_cast %scan3A_370 : i32 to index
      %get3A_717 = arith.constant 224 : index
      %get3A_718 = tpu.vector_load %arg8[%get3A_715, %get3A_716, %get3A_717] {strides = array<i32>} : memref<2x8x384xf32, #tpu.memory_space<vmem>>, vector<1x1x16xf32>,
      %get3A_719 = vector.shape_cast %get3A_718 : vector<1x1x16xf32> to vector<16xf32>
      %sub3A_720 = arith.subf %get3A_713, %get3A_719 : vector<16xf32>
      %get3A_721 = arith.constant 0 : i32
      %get3A_722 = arith.index_cast %get3A_721 : i32 to index
      %get3A_723 = arith.index_cast %scan3A_370 : i32 to index
      %get3A_724 = arith.constant 224 : index
      %get3A_725 = tpu.vector_load %arg7[%get3A_722, %get3A_723, %get3A_724] {strides = array<i32>} : memref<2x8x384xf32, #tpu.memory_space<vmem>>, vector<1x1x16xf32>,
      %get3A_726 = vector.shape_cast %get3A_725 : vector<1x1x16xf32> to vector<16xf32>
      %mul3A_727 = arith.mulf %sub3A_720, %sub3A_720 : vector<16xf32>
      %mul3A_728 = arith.mulf %get3A_726, %mul3A_727 : vector<16xf32>
      %add3A_729 = arith.addf %add3A_545, %mul3A_728 : vector<16xf32>
      %add3A_730 = arith.addf %add3A_546, %get3A_726 : vector<16xf32>
      %get3A_731 = arith.constant 0 : i32
      %get3A_732 = arith.index_cast %get3A_731 : i32 to index
      %get3A_733 = arith.index_cast %scan3A_370 : i32 to index
      %get3A_734 = arith.constant 240 : index
      %get3A_735 = tpu.vector_load %arg6[%get3A_732, %get3A_733, %get3A_734] {strides = array<i32>} : memref<2x8x384xf32, #tpu.memory_space<vmem>>, vector<1x1x16xf32>,
      %get3A_736 = vector.shape_cast %get3A_735 : vector<1x1x16xf32> to vector<16xf32>
      %get3A_737 = arith.constant 0 : i32
      %get3A_738 = arith.index_cast %get3A_737 : i32 to index
      %get3A_739 = arith.index_cast %scan3A_370 : i32 to index
      %get3A_740 = arith.constant 240 : index
      %get3A_741 = tpu.vector_load %arg8[%get3A_738, %get3A_739, %get3A_740] {strides = array<i32>} : memref<2x8x384xf32, #tpu.memory_space<vmem>>, vector<1x1x16xf32>,
      %get3A_742 = vector.shape_cast %get3A_741 : vector<1x1x16xf32> to vector<16xf32>
      %sub3A_743 = arith.subf %get3A_736, %get3A_742 : vector<16xf32>
      %get3A_744 = arith.constant 0 : i32
      %get3A_745 = arith.index_cast %get3A_744 : i32 to index
      %get3A_746 = arith.index_cast %scan3A_370 : i32 to index
      %get3A_747 = arith.constant 240 : index
      %get3A_748 = tpu.vector_load %arg7[%get3A_745, %get3A_746, %get3A_747] {strides = array<i32>} : memref<2x8x384xf32, #tpu.memory_space<vmem>>, vector<1x1x16xf32>,
      %get3A_749 = vector.shape_cast %get3A_748 : vector<1x1x16xf32> to vector<16xf32>
      %mul3A_750 = arith.mulf %sub3A_743, %sub3A_743 : vector<16xf32>
      %mul3A_751 = arith.mulf %get3A_749, %mul3A_750 : vector<16xf32>
      %add3A_752 = arith.addf %add3A_568, %mul3A_751 : vector<16xf32>
      %add3A_753 = arith.addf %add3A_569, %get3A_749 : vector<16xf32>
      %get3A_754 = arith.constant 0 : i32
      %get3A_755 = arith.index_cast %get3A_754 : i32 to index
      %get3A_756 = arith.index_cast %scan3A_370 : i32 to index
      %get3A_757 = arith.constant 256 : index
      %get3A_758 = tpu.vector_load %arg6[%get3A_755, %get3A_756, %get3A_757] {strides = array<i32>} : memref<2x8x384xf32, #tpu.memory_space<vmem>>, vector<1x1x16xf32>,
      %get3A_759 = vector.shape_cast %get3A_758 : vector<1x1x16xf32> to vector<16xf32>
      %get3A_760 = arith.constant 0 : i32
      %get3A_761 = arith.index_cast %get3A_760 : i32 to index
      %get3A_762 = arith.index_cast %scan3A_370 : i32 to index
      %get3A_763 = arith.constant 256 : index
      %get3A_764 = tpu.vector_load %arg8[%get3A_761, %get3A_762, %get3A_763] {strides = array<i32>} : memref<2x8x384xf32, #tpu.memory_space<vmem>>, vector<1x1x16xf32>,
      %get3A_765 = vector.shape_cast %get3A_764 : vector<1x1x16xf32> to vector<16xf32>
      %sub3A_766 = arith.subf %get3A_759, %get3A_765 : vector<16xf32>
      %get3A_767 = arith.constant 0 : i32
      %get3A_768 = arith.index_cast %get3A_767 : i32 to index
      %get3A_769 = arith.index_cast %scan3A_370 : i32 to index
      %get3A_770 = arith.constant 256 : index
      %get3A_771 = tpu.vector_load %arg7[%get3A_768, %get3A_769, %get3A_770] {strides = array<i32>} : memref<2x8x384xf32, #tpu.memory_space<vmem>>, vector<1x1x16xf32>,
      %get3A_772 = vector.shape_cast %get3A_771 : vector<1x1x16xf32> to vector<16xf32>
      %mul3A_773 = arith.mulf %sub3A_766, %sub3A_766 : vector<16xf32>
      %mul3A_774 = arith.mulf %get3A_772, %mul3A_773 : vector<16xf32>
      %add3A_775 = arith.addf %add3A_591, %mul3A_774 : vector<16xf32>
      %add3A_776 = arith.addf %add3A_592, %get3A_772 : vector<16xf32>
      %get3A_777 = arith.constant 0 : i32
      %get3A_778 = arith.index_cast %get3A_777 : i32 to index
      %get3A_779 = arith.index_cast %scan3A_370 : i32 to index
      %get3A_780 = arith.constant 272 : index
      %get3A_781 = tpu.vector_load %arg6[%get3A_778, %get3A_779, %get3A_780] {strides = array<i32>} : memref<2x8x384xf32, #tpu.memory_space<vmem>>, vector<1x1x16xf32>,
      %get3A_782 = vector.shape_cast %get3A_781 : vector<1x1x16xf32> to vector<16xf32>
      %get3A_783 = arith.constant 0 : i32
      %get3A_784 = arith.index_cast %get3A_783 : i32 to index
      %get3A_785 = arith.index_cast %scan3A_370 : i32 to index
      %get3A_786 = arith.constant 272 : index
      %get3A_787 = tpu.vector_load %arg8[%get3A_784, %get3A_785, %get3A_786] {strides = array<i32>} : memref<2x8x384xf32, #tpu.memory_space<vmem>>, vector<1x1x16xf32>,
      %get3A_788 = vector.shape_cast %get3A_787 : vector<1x1x16xf32> to vector<16xf32>
      %sub3A_789 = arith.subf %get3A_782, %get3A_788 : vector<16xf32>
      %get3A_790 = arith.constant 0 : i32
      %get3A_791 = arith.index_cast %get3A_790 : i32 to index
      %get3A_792 = arith.index_cast %scan3A_370 : i32 to index
      %get3A_793 = arith.constant 272 : index
      %get3A_794 = tpu.vector_load %arg7[%get3A_791, %get3A_792, %get3A_793] {strides = array<i32>} : memref<2x8x384xf32, #tpu.memory_space<vmem>>, vector<1x1x16xf32>,
      %get3A_795 = vector.shape_cast %get3A_794 : vector<1x1x16xf32> to vector<16xf32>
      %mul3A_796 = arith.mulf %sub3A_789, %sub3A_789 : vector<16xf32>
      %mul3A_797 = arith.mulf %get3A_795, %mul3A_796 : vector<16xf32>
      %add3A_798 = arith.addf %add3A_614, %mul3A_797 : vector<16xf32>
      %add3A_799 = arith.addf %add3A_615, %get3A_795 : vector<16xf32>
      %get3A_800 = arith.constant 0 : i32
      %get3A_801 = arith.index_cast %get3A_800 : i32 to index
      %get3A_802 = arith.index_cast %scan3A_370 : i32 to index
      %get3A_803 = arith.constant 288 : index
      %get3A_804 = tpu.vector_load %arg6[%get3A_801, %get3A_802, %get3A_803] {strides = array<i32>} : memref<2x8x384xf32, #tpu.memory_space<vmem>>, vector<1x1x16xf32>,
      %get3A_805 = vector.shape_cast %get3A_804 : vector<1x1x16xf32> to vector<16xf32>
      %get3A_806 = arith.constant 0 : i32
      %get3A_807 = arith.index_cast %get3A_806 : i32 to index
      %get3A_808 = arith.index_cast %scan3A_370 : i32 to index
      %get3A_809 = arith.constant 288 : index
      %get3A_810 = tpu.vector_load %arg8[%get3A_807, %get3A_808, %get3A_809] {strides = array<i32>} : memref<2x8x384xf32, #tpu.memory_space<vmem>>, vector<1x1x16xf32>,
      %get3A_811 = vector.shape_cast %get3A_810 : vector<1x1x16xf32> to vector<16xf32>
      %sub3A_812 = arith.subf %get3A_805, %get3A_811 : vector<16xf32>
      %get3A_813 = arith.constant 0 : i32
      %get3A_814 = arith.index_cast %get3A_813 : i32 to index
      %get3A_815 = arith.index_cast %scan3A_370 : i32 to index
      %get3A_816 = arith.constant 288 : index
      %get3A_817 = tpu.vector_load %arg7[%get3A_814, %get3A_815, %get3A_816] {strides = array<i32>} : memref<2x8x384xf32, #tpu.memory_space<vmem>>, vector<1x1x16xf32>,
      %get3A_818 = vector.shape_cast %get3A_817 : vector<1x1x16xf32> to vector<16xf32>
      %mul3A_819 = arith.mulf %sub3A_812, %sub3A_812 : vector<16xf32>
      %mul3A_820 = arith.mulf %get3A_818, %mul3A_819 : vector<16xf32>
      %add3A_821 = arith.addf %add3A_637, %mul3A_820 : vector<16xf32>
      %add3A_822 = arith.addf %add3A_638, %get3A_818 : vector<16xf32>
      %get3A_823 = arith.constant 0 : i32
      %get3A_824 = arith.index_cast %get3A_823 : i32 to index
      %get3A_825 = arith.index_cast %scan3A_370 : i32 to index
      %get3A_826 = arith.constant 304 : index
      %get3A_827 = tpu.vector_load %arg6[%get3A_824, %get3A_825, %get3A_826] {strides = array<i32>} : memref<2x8x384xf32, #tpu.memory_space<vmem>>, vector<1x1x16xf32>,
      %get3A_828 = vector.shape_cast %get3A_827 : vector<1x1x16xf32> to vector<16xf32>
      %get3A_829 = arith.constant 0 : i32
      %get3A_830 = arith.index_cast %get3A_829 : i32 to index
      %get3A_831 = arith.index_cast %scan3A_370 : i32 to index
      %get3A_832 = arith.constant 304 : index
      %get3A_833 = tpu.vector_load %arg8[%get3A_830, %get3A_831, %get3A_832] {strides = array<i32>} : memref<2x8x384xf32, #tpu.memory_space<vmem>>, vector<1x1x16xf32>,
      %get3A_834 = vector.shape_cast %get3A_833 : vector<1x1x16xf32> to vector<16xf32>
      %sub3A_835 = arith.subf %get3A_828, %get3A_834 : vector<16xf32>
      %get3A_836 = arith.constant 0 : i32
      %get3A_837 = arith.index_cast %get3A_836 : i32 to index
      %get3A_838 = arith.index_cast %scan3A_370 : i32 to index
      %get3A_839 = arith.constant 304 : index
      %get3A_840 = tpu.vector_load %arg7[%get3A_837, %get3A_838, %get3A_839] {strides = array<i32>} : memref<2x8x384xf32, #tpu.memory_space<vmem>>, vector<1x1x16xf32>,
      %get3A_841 = vector.shape_cast %get3A_840 : vector<1x1x16xf32> to vector<16xf32>
      %mul3A_842 = arith.mulf %sub3A_835, %sub3A_835 : vector<16xf32>
      %mul3A_843 = arith.mulf %get3A_841, %mul3A_842 : vector<16xf32>
      %add3A_844 = arith.addf %add3A_660, %mul3A_843 : vector<16xf32>
      %add3A_845 = arith.addf %add3A_661, %get3A_841 : vector<16xf32>
      %get3A_846 = arith.constant 0 : i32
      %get3A_847 = arith.index_cast %get3A_846 : i32 to index
      %get3A_848 = arith.index_cast %scan3A_370 : i32 to index
      %get3A_849 = arith.constant 320 : index
      %get3A_850 = tpu.vector_load %arg6[%get3A_847, %get3A_848, %get3A_849] {strides = array<i32>} : memref<2x8x384xf32, #tpu.memory_space<vmem>>, vector<1x1x16xf32>,
      %get3A_851 = vector.shape_cast %get3A_850 : vector<1x1x16xf32> to vector<16xf32>
      %get3A_852 = arith.constant 0 : i32
      %get3A_853 = arith.index_cast %get3A_852 : i32 to index
      %get3A_854 = arith.index_cast %scan3A_370 : i32 to index
      %get3A_855 = arith.constant 320 : index
      %get3A_856 = tpu.vector_load %arg8[%get3A_853, %get3A_854, %get3A_855] {strides = array<i32>} : memref<2x8x384xf32, #tpu.memory_space<vmem>>, vector<1x1x16xf32>,
      %get3A_857 = vector.shape_cast %get3A_856 : vector<1x1x16xf32> to vector<16xf32>
      %sub3A_858 = arith.subf %get3A_851, %get3A_857 : vector<16xf32>
      %get3A_859 = arith.constant 0 : i32
      %get3A_860 = arith.index_cast %get3A_859 : i32 to index
      %get3A_861 = arith.index_cast %scan3A_370 : i32 to index
      %get3A_862 = arith.constant 320 : index
      %get3A_863 = tpu.vector_load %arg7[%get3A_860, %get3A_861, %get3A_862] {strides = array<i32>} : memref<2x8x384xf32, #tpu.memory_space<vmem>>, vector<1x1x16xf32>,
      %get3A_864 = vector.shape_cast %get3A_863 : vector<1x1x16xf32> to vector<16xf32>
      %mul3A_865 = arith.mulf %sub3A_858, %sub3A_858 : vector<16xf32>
      %mul3A_866 = arith.mulf %get3A_864, %mul3A_865 : vector<16xf32>
      %add3A_867 = arith.addf %add3A_683, %mul3A_866 : vector<16xf32>
      %add3A_868 = arith.addf %add3A_684, %get3A_864 : vector<16xf32>
      %get3A_869 = arith.constant 0 : i32
      %get3A_870 = arith.index_cast %get3A_869 : i32 to index
      %get3A_871 = arith.index_cast %scan3A_370 : i32 to index
      %get3A_872 = arith.constant 336 : index
      %get3A_873 = tpu.vector_load %arg6[%get3A_870, %get3A_871, %get3A_872] {strides = array<i32>} : memref<2x8x384xf32, #tpu.memory_space<vmem>>, vector<1x1x16xf32>,
      %get3A_874 = vector.shape_cast %get3A_873 : vector<1x1x16xf32> to vector<16xf32>
      %get3A_875 = arith.constant 0 : i32
      %get3A_876 = arith.index_cast %get3A_875 : i32 to index
      %get3A_877 = arith.index_cast %scan3A_370 : i32 to index
      %get3A_878 = arith.constant 336 : index
      %get3A_879 = tpu.vector_load %arg8[%get3A_876, %get3A_877, %get3A_878] {strides = array<i32>} : memref<2x8x384xf32, #tpu.memory_space<vmem>>, vector<1x1x16xf32>,
      %get3A_880 = vector.shape_cast %get3A_879 : vector<1x1x16xf32> to vector<16xf32>
      %sub3A_881 = arith.subf %get3A_874, %get3A_880 : vector<16xf32>
      %get3A_882 = arith.constant 0 : i32
      %get3A_883 = arith.index_cast %get3A_882 : i32 to index
      %get3A_884 = arith.index_cast %scan3A_370 : i32 to index
      %get3A_885 = arith.constant 336 : index
      %get3A_886 = tpu.vector_load %arg7[%get3A_883, %get3A_884, %get3A_885] {strides = array<i32>} : memref<2x8x384xf32, #tpu.memory_space<vmem>>, vector<1x1x16xf32>,
      %get3A_887 = vector.shape_cast %get3A_886 : vector<1x1x16xf32> to vector<16xf32>
      %mul3A_888 = arith.mulf %sub3A_881, %sub3A_881 : vector<16xf32>
      %mul3A_889 = arith.mulf %get3A_887, %mul3A_888 : vector<16xf32>
      %add3A_890 = arith.addf %add3A_706, %mul3A_889 : vector<16xf32>
      %add3A_891 = arith.addf %add3A_707, %get3A_887 : vector<16xf32>
      %get3A_892 = arith.constant 0 : i32
      %get3A_893 = arith.index_cast %get3A_892 : i32 to index
      %get3A_894 = arith.index_cast %scan3A_370 : i32 to index
      %get3A_895 = arith.constant 352 : index
      %get3A_896 = tpu.vector_load %arg6[%get3A_893, %get3A_894, %get3A_895] {strides = array<i32>} : memref<2x8x384xf32, #tpu.memory_space<vmem>>, vector<1x1x16xf32>,
      %get3A_897 = vector.shape_cast %get3A_896 : vector<1x1x16xf32> to vector<16xf32>
      %get3A_898 = arith.constant 0 : i32
      %get3A_899 = arith.index_cast %get3A_898 : i32 to index
      %get3A_900 = arith.index_cast %scan3A_370 : i32 to index
      %get3A_901 = arith.constant 352 : index
      %get3A_902 = tpu.vector_load %arg8[%get3A_899, %get3A_900, %get3A_901] {strides = array<i32>} : memref<2x8x384xf32, #tpu.memory_space<vmem>>, vector<1x1x16xf32>,
      %get3A_903 = vector.shape_cast %get3A_902 : vector<1x1x16xf32> to vector<16xf32>
      %sub3A_904 = arith.subf %get3A_897, %get3A_903 : vector<16xf32>
      %get3A_905 = arith.constant 0 : i32
      %get3A_906 = arith.index_cast %get3A_905 : i32 to index
      %get3A_907 = arith.index_cast %scan3A_370 : i32 to index
      %get3A_908 = arith.constant 352 : index
      %get3A_909 = tpu.vector_load %arg7[%get3A_906, %get3A_907, %get3A_908] {strides = array<i32>} : memref<2x8x384xf32, #tpu.memory_space<vmem>>, vector<1x1x16xf32>,
      %get3A_910 = vector.shape_cast %get3A_909 : vector<1x1x16xf32> to vector<16xf32>
      %mul3A_911 = arith.mulf %sub3A_904, %sub3A_904 : vector<16xf32>
      %mul3A_912 = arith.mulf %get3A_910, %mul3A_911 : vector<16xf32>
      %add3A_913 = arith.addf %add3A_729, %mul3A_912 : vector<16xf32>
      %add3A_914 = arith.addf %add3A_730, %get3A_910 : vector<16xf32>
      %get3A_915 = arith.constant 0 : i32
      %get3A_916 = arith.index_cast %get3A_915 : i32 to index
      %get3A_917 = arith.index_cast %scan3A_370 : i32 to index
      %get3A_918 = arith.constant 368 : index
      %get3A_919 = tpu.vector_load %arg6[%get3A_916, %get3A_917, %get3A_918] {strides = array<i32>} : memref<2x8x384xf32, #tpu.memory_space<vmem>>, vector<1x1x16xf32>,
      %get3A_920 = vector.shape_cast %get3A_919 : vector<1x1x16xf32> to vector<16xf32>
      %get3A_921 = arith.constant 0 : i32
      %get3A_922 = arith.index_cast %get3A_921 : i32 to index
      %get3A_923 = arith.index_cast %scan3A_370 : i32 to index
      %get3A_924 = arith.constant 368 : index
      %get3A_925 = tpu.vector_load %arg8[%get3A_922, %get3A_923, %get3A_924] {strides = array<i32>} : memref<2x8x384xf32, #tpu.memory_space<vmem>>, vector<1x1x16xf32>,
      %get3A_926 = vector.shape_cast %get3A_925 : vector<1x1x16xf32> to vector<16xf32>
      %sub3A_927 = arith.subf %get3A_920, %get3A_926 : vector<16xf32>
      %get3A_928 = arith.constant 0 : i32
      %get3A_929 = arith.index_cast %get3A_928 : i32 to index
      %get3A_930 = arith.index_cast %scan3A_370 : i32 to index
      %get3A_931 = arith.constant 368 : index
      %get3A_932 = tpu.vector_load %arg7[%get3A_929, %get3A_930, %get3A_931] {strides = array<i32>} : memref<2x8x384xf32, #tpu.memory_space<vmem>>, vector<1x1x16xf32>,
      %get3A_933 = vector.shape_cast %get3A_932 : vector<1x1x16xf32> to vector<16xf32>
      %mul3A_934 = arith.mulf %sub3A_927, %sub3A_927 : vector<16xf32>
      %mul3A_935 = arith.mulf %get3A_933, %mul3A_934 : vector<16xf32>
      %add3A_936 = arith.addf %add3A_752, %mul3A_935 : vector<16xf32>
      %add3A_937 = arith.addf %add3A_753, %get3A_933 : vector<16xf32>
      scf.yield %add3A_775, %add3A_798, %add3A_821, %add3A_844, %add3A_867, %add3A_890, %add3A_913, %add3A_936, %add3A_776, %add3A_799, %add3A_822, %add3A_845, %add3A_868, %add3A_891, %add3A_914, %add3A_937 : vector<16xf32>, vector<16xf32>, vector<16xf32>, vector<16xf32>, vector<16xf32>, vector<16xf32>, vector<16xf32>, vector<16xf32>, vector<16xf32>, vector<16xf32>, vector<16xf32>, vector<16xf32>, vector<16xf32>, vector<16xf32>, vector<16xf32>, vector<16xf32>
    }
    %scan3A_348 = arith.constant 8 : i32
    %add3A_349 = arith.addf %scan3A_347#0, %scan3A_347#1 : vector<16xf32>
    %add3A_350 = arith.addf %scan3A_347#8, %scan3A_347#9 : vector<16xf32>
    %add3A_351 = arith.addf %add3A_349, %scan3A_347#2 : vector<16xf32>
    %add3A_352 = arith.addf %add3A_350, %scan3A_347#10 : vector<16xf32>
    %add3A_353 = arith.addf %add3A_351, %scan3A_347#3 : vector<16xf32>
    %add3A_354 = arith.addf %add3A_352, %scan3A_347#11 : vector<16xf32>
    %add3A_355 = arith.addf %add3A_353, %scan3A_347#4 : vector<16xf32>
    %add3A_356 = arith.addf %add3A_354, %scan3A_347#12 : vector<16xf32>
    %add3A_357 = arith.addf %add3A_355, %scan3A_347#5 : vector<16xf32>
    %add3A_358 = arith.addf %add3A_356, %scan3A_347#13 : vector<16xf32>
    %add3A_359 = arith.addf %add3A_357, %scan3A_347#6 : vector<16xf32>
    %add3A_360 = arith.addf %add3A_358, %scan3A_347#14 : vector<16xf32>
    %add3A_361 = arith.addf %add3A_359, %scan3A_347#7 : vector<16xf32>
    %add3A_362 = arith.addf %add3A_360, %scan3A_347#15 : vector<16xf32>
    %swap3A = arith.constant 0 : index
    %swap3A_363 = tpu.vector_load %arg9[%swap3A] {strides = array<i32>} : memref<16xf32, #tpu.memory_space<vmem>>, vector<16xf32>,
    %swap3A_364 = vector.shape_cast %swap3A_363 : vector<16xf32> to vector<16xf32>
    %swap3A_365 = vector.shape_cast %add3A_361 : vector<16xf32> to vector<16xf32>
    tpu.vector_store %arg9[%swap3A], %swap3A_365 {strides = array<i32>} : memref<16xf32, #tpu.memory_space<vmem>>, vector<16xf32>,
    %swap3A_366 = arith.constant 0 : index
    %swap3A_367 = tpu.vector_load %arg10[%swap3A_366] {strides = array<i32>} : memref<16xf32, #tpu.memory_space<vmem>>, vector<16xf32>,
    %swap3A_368 = vector.shape_cast %swap3A_367 : vector<16xf32> to vector<16xf32>
    %swap3A_369 = vector.shape_cast %add3A_362 : vector<16xf32> to vector<16xf32>
    tpu.vector_store %arg10[%swap3A_366], %swap3A_369 {strides = array<i32>} : memref<16xf32, #tpu.memory_space<vmem>>, vector<16xf32>,
    "tpu.region"() ({
      %run_scoped3A = tpu.sem_alloc : memref<!tpu.dma_semaphore, #tpu.memory_space<semaphore_mem>>
      %dma_start3A_370 = arith.constant 0 : i32
      %dma_start3A_371 = tpu.memref_slice %arg4[%add3A, %dma_start3A_370] : memref<32x16xf32, #tpu.memory_space<hbm>> -> memref<1x16xf32, #tpu.memory_space<hbm>>
      %dma_start3A_372 = tpu.memref_squeeze %dma_start3A_371 : memref<1x16xf32, #tpu.memory_space<hbm>> -> memref<16xf32, #tpu.memory_space<hbm>>
      %dma_start3A_373 = arith.constant 0 : i32
      %dma_start3A_374 = tpu.memref_slice %arg4[%add3A, %dma_start3A_373] : memref<32x16xf32, #tpu.memory_space<hbm>> -> memref<1x16xf32, #tpu.memory_space<hbm>>
      %dma_start3A_375 = tpu.memref_squeeze %dma_start3A_374 : memref<1x16xf32, #tpu.memory_space<hbm>> -> memref<16xf32, #tpu.memory_space<hbm>>
      tpu.enqueue_dma source(%arg9 : memref<16xf32, #tpu.memory_space<vmem>>) target(%dma_start3A_375 : memref<16xf32, #tpu.memory_space<hbm>>) target_semaphore(%run_scoped3A : memref<!tpu.dma_semaphore, #tpu.memory_space<semaphore_mem>>)
      %dma_wait3A_376 = arith.constant 0 : i32
      %dma_wait3A_377 = tpu.memref_slice %arg4[%add3A, %dma_wait3A_376] : memref<32x16xf32, #tpu.memory_space<hbm>> -> memref<1x16xf32, #tpu.memory_space<hbm>>
      %dma_wait3A_378 = tpu.memref_squeeze %dma_wait3A_377 : memref<1x16xf32, #tpu.memory_space<hbm>> -> memref<16xf32, #tpu.memory_space<hbm>>
      %dma_wait3A_379 = arith.constant 0 : i32
      %dma_wait3A_380 = tpu.memref_slice %arg4[%add3A, %dma_wait3A_379] : memref<32x16xf32, #tpu.memory_space<hbm>> -> memref<1x16xf32, #tpu.memory_space<hbm>>
      %dma_wait3A_381 = tpu.memref_squeeze %dma_wait3A_380 : memref<1x16xf32, #tpu.memory_space<hbm>> -> memref<16xf32, #tpu.memory_space<hbm>>
      tpu.wait_dma2 semaphore(%run_scoped3A : memref<!tpu.dma_semaphore, #tpu.memory_space<semaphore_mem>>) src(%arg9 : memref<16xf32, #tpu.memory_space<vmem>>) dst(%dma_wait3A_381 : memref<16xf32, #tpu.memory_space<hbm>>)
      tpu.yield
    }) : () -> ()
    "tpu.region"() ({
      %run_scoped3A = tpu.sem_alloc : memref<!tpu.dma_semaphore, #tpu.memory_space<semaphore_mem>>
      %dma_start3A_370 = arith.constant 0 : i32
      %dma_start3A_371 = tpu.memref_slice %arg5[%add3A, %dma_start3A_370] : memref<32x16xf32, #tpu.memory_space<hbm>> -> memref<1x16xf32, #tpu.memory_space<hbm>>
      %dma_start3A_372 = tpu.memref_squeeze %dma_start3A_371 : memref<1x16xf32, #tpu.memory_space<hbm>> -> memref<16xf32, #tpu.memory_space<hbm>>
      %dma_start3A_373 = arith.constant 0 : i32
      %dma_start3A_374 = tpu.memref_slice %arg5[%add3A, %dma_start3A_373] : memref<32x16xf32, #tpu.memory_space<hbm>> -> memref<1x16xf32, #tpu.memory_space<hbm>>
      %dma_start3A_375 = tpu.memref_squeeze %dma_start3A_374 : memref<1x16xf32, #tpu.memory_space<hbm>> -> memref<16xf32, #tpu.memory_space<hbm>>
      tpu.enqueue_dma source(%arg10 : memref<16xf32, #tpu.memory_space<vmem>>) target(%dma_start3A_375 : memref<16xf32, #tpu.memory_space<hbm>>) target_semaphore(%run_scoped3A : memref<!tpu.dma_semaphore, #tpu.memory_space<semaphore_mem>>)
      %dma_wait3A_376 = arith.constant 0 : i32
      %dma_wait3A_377 = tpu.memref_slice %arg5[%add3A, %dma_wait3A_376] : memref<32x16xf32, #tpu.memory_space<hbm>> -> memref<1x16xf32, #tpu.memory_space<hbm>>
      %dma_wait3A_378 = tpu.memref_squeeze %dma_wait3A_377 : memref<1x16xf32, #tpu.memory_space<hbm>> -> memref<16xf32, #tpu.memory_space<hbm>>
      %dma_wait3A_379 = arith.constant 0 : i32
      %dma_wait3A_380 = tpu.memref_slice %arg5[%add3A, %dma_wait3A_379] : memref<32x16xf32, #tpu.memory_space<hbm>> -> memref<1x16xf32, #tpu.memory_space<hbm>>
      %dma_wait3A_381 = tpu.memref_squeeze %dma_wait3A_380 : memref<1x16xf32, #tpu.memory_space<hbm>> -> memref<16xf32, #tpu.memory_space<hbm>>
      tpu.wait_dma2 semaphore(%run_scoped3A : memref<!tpu.dma_semaphore, #tpu.memory_space<semaphore_mem>>) src(%arg10 : memref<16xf32, #tpu.memory_space<vmem>>) dst(%dma_wait3A_381 : memref<16xf32, #tpu.memory_space<hbm>>)
      tpu.yield
    }) : () -> ()
    return
  }
}

module attributes {stable_mosaic.version = 14 : i64} {
  func.func @_tc_body(%arg0: i32, %arg1: memref<1x1x1x384x384xf32, #tpu.memory_space<vmem>>, %arg2: memref<1x1x384x384xf32, #tpu.memory_space<vmem>>, %arg3: memref<1x1x384x384xf32, #tpu.memory_space<vmem>>, %arg4: memref<1x1xf32, #tpu.memory_space<smem>>, %arg5: memref<1x1xf32, #tpu.memory_space<smem>>) attributes {dimension_semantics = [#tpu.dimension_semantics<arbitrary>], iteration_bounds = array<i64: 6>, scalar_prefetch = 0 : i64, scratch_operands = 0 : i64, tpu.core_type = #tpu.core_type<tc>, window_params = [{transform_indices = @transform_0, window_bounds = array<i64: 1, 1, 1, 384, 384>}, {transform_indices = @transform_1, window_bounds = array<i64: 1, 1, 384, 384>}, {transform_indices = @transform_2, window_bounds = array<i64: 1, 1, 384, 384>}, {transform_indices = @transform_3, window_bounds = array<i64: 1, 1>}, {transform_indices = @transform_4, window_bounds = array<i64: 1, 1>}]} {
    %eq3A = arith.constant 0 : i32
    %eq3A_0 = arith.cmpi eq, %arg0, %eq3A : i32
    %convert_element_type3A = arith.extui %eq3A_0 : i1 to i32
    %cond3A = arith.constant 0 : i32
    %cond3A_1 = arith.cmpi ne, %convert_element_type3A, %cond3A : i32
    scf.if %cond3A_1 {
      %swap3A_42 = arith.constant 0.000000e+00 : f32
      %swap3A_43 = arith.constant 0 : index
      %swap3A_44 = arith.constant 0 : index
      %swap3A_45 = memref.load %arg4[%swap3A_43, %swap3A_44] : memref<1x1xf32, #tpu.memory_space<smem>>
      memref.store %swap3A_42, %arg4[%swap3A_43, %swap3A_44] : memref<1x1xf32, #tpu.memory_space<smem>>
      %swap3A_46 = arith.constant 0.000000e+00 : f32
      %swap3A_47 = arith.constant 0 : index
      %swap3A_48 = arith.constant 0 : index
      %swap3A_49 = memref.load %arg5[%swap3A_47, %swap3A_48] : memref<1x1xf32, #tpu.memory_space<smem>>
      memref.store %swap3A_46, %arg5[%swap3A_47, %swap3A_48] : memref<1x1xf32, #tpu.memory_space<smem>>
    } else {
    }
    %get3A = arith.constant 0 : index
    %get3A_2 = arith.constant 0 : index
    %get3A_3 = arith.constant 0 : index
    %get3A_4 = arith.constant 0 : index
    %get3A_5 = arith.constant 0 : index
    %get3A_6 = vector.load %arg1[%get3A, %get3A_2, %get3A_3, %get3A_4, %get3A_5] : memref<1x1x1x384x384xf32, #tpu.memory_space<vmem>>, vector<1x1x1x384x384xf32>
    %get3A_7 = vector.shape_cast %get3A_6 : vector<1x1x1x384x384xf32> to vector<384x384xf32>
    %get3A_8 = arith.constant 0 : index
    %get3A_9 = arith.constant 0 : index
    %get3A_10 = arith.constant 0 : index
    %get3A_11 = arith.constant 0 : index
    %get3A_12 = vector.load %arg2[%get3A_8, %get3A_9, %get3A_10, %get3A_11] : memref<1x1x384x384xf32, #tpu.memory_space<vmem>>, vector<1x1x384x384xf32>
    %get3A_13 = vector.shape_cast %get3A_12 : vector<1x1x384x384xf32> to vector<384x384xf32>
    %get3A_14 = arith.constant 0 : index
    %get3A_15 = arith.constant 0 : index
    %get3A_16 = arith.constant 0 : index
    %get3A_17 = arith.constant 0 : index
    %get3A_18 = vector.load %arg3[%get3A_14, %get3A_15, %get3A_16, %get3A_17] : memref<1x1x384x384xf32, #tpu.memory_space<vmem>>, vector<1x1x384x384xf32>
    %get3A_19 = vector.shape_cast %get3A_18 : vector<1x1x384x384xf32> to vector<384x384xf32>
    %sub3A = arith.subf %get3A_7, %get3A_19 : vector<384x384xf32>
    %get3A_20 = arith.constant 0 : index
    %get3A_21 = arith.constant 0 : index
    %get3A_22 = memref.load %arg4[%get3A_20, %get3A_21] : memref<1x1xf32, #tpu.memory_space<smem>>
    %mul3A = arith.mulf %sub3A, %sub3A : vector<384x384xf32>
    %mul3A_23 = arith.mulf %get3A_13, %mul3A : vector<384x384xf32>
    %reduce_sum3A = vector.shape_cast %mul3A_23 : vector<384x384xf32> to vector<1x384x384xf32>
    %reduce_sum3A_24 = arith.constant dense<0.000000e+00> : vector<1xf32>
    %reduce_sum3A_25 = vector.multi_reduction <add>, %reduce_sum3A, %reduce_sum3A_24 [1, 2] : vector<1x384x384xf32> to vector<1xf32>
    %reduce_sum3A_26 = vector.shape_cast %reduce_sum3A_25 : vector<1xf32> to vector<1x1x1xf32>
    %reduce_sum3A_27 = vector.extract %reduce_sum3A_26[0, 0, 0] : f32 from vector<1x1x1xf32>
    %add3A = arith.addf %get3A_22, %reduce_sum3A_27 : f32
    %swap3A = arith.constant 0 : index
    %swap3A_28 = arith.constant 0 : index
    %swap3A_29 = memref.load %arg4[%swap3A, %swap3A_28] : memref<1x1xf32, #tpu.memory_space<smem>>
    memref.store %add3A, %arg4[%swap3A, %swap3A_28] : memref<1x1xf32, #tpu.memory_space<smem>>
    %get3A_30 = arith.constant 0 : index
    %get3A_31 = arith.constant 0 : index
    %get3A_32 = memref.load %arg5[%get3A_30, %get3A_31] : memref<1x1xf32, #tpu.memory_space<smem>>
    %reduce_sum3A_33 = vector.shape_cast %get3A_13 : vector<384x384xf32> to vector<1x384x384xf32>
    %reduce_sum3A_34 = arith.constant dense<0.000000e+00> : vector<1xf32>
    %reduce_sum3A_35 = vector.multi_reduction <add>, %reduce_sum3A_33, %reduce_sum3A_34 [1, 2] : vector<1x384x384xf32> to vector<1xf32>
    %reduce_sum3A_36 = vector.shape_cast %reduce_sum3A_35 : vector<1xf32> to vector<1x1x1xf32>
    %reduce_sum3A_37 = vector.extract %reduce_sum3A_36[0, 0, 0] : f32 from vector<1x1x1xf32>
    %add3A_38 = arith.addf %get3A_32, %reduce_sum3A_37 : f32
    %swap3A_39 = arith.constant 0 : index
    %swap3A_40 = arith.constant 0 : index
    %swap3A_41 = memref.load %arg5[%swap3A_39, %swap3A_40] : memref<1x1xf32, #tpu.memory_space<smem>>
    memref.store %add3A_38, %arg5[%swap3A_39, %swap3A_40] : memref<1x1xf32, #tpu.memory_space<smem>>
    return
  }
  func.func @transform_0(%arg0: i32) -> (i32, i32, i32, i32, i32) {
    %add3A = arith.constant 2 : i32
    %add3A_0 = arith.addi %add3A, %arg0 : i32
    %c2_i32 = arith.constant 2 : i32
    %c5_i32 = arith.constant 5 : i32
    %c0_i32 = arith.constant 0 : i32
    %c0_i32_1 = arith.constant 0 : i32
    %c0_i32_2 = arith.constant 0 : i32
    return %c2_i32, %add3A_0, %c5_i32, %c0_i32, %c0_i32_1 : i32, i32, i32, i32, i32
  }
  func.func @transform_1(%arg0: i32) -> (i32, i32, i32, i32) {
    %add3A = arith.constant 2 : i32
    %add3A_0 = arith.addi %add3A, %arg0 : i32
    %c0_i32 = arith.constant 0 : i32
    %c0_i32_1 = arith.constant 0 : i32
    %c0_i32_2 = arith.constant 0 : i32
    %c0_i32_3 = arith.constant 0 : i32
    return %add3A_0, %c0_i32, %c0_i32_1, %c0_i32_2 : i32, i32, i32, i32
  }
  func.func @transform_2(%arg0: i32) -> (i32, i32, i32, i32) {
    %add3A = arith.constant 2 : i32
    %add3A_0 = arith.addi %add3A, %arg0 : i32
    %c2_i32 = arith.constant 2 : i32
    %c0_i32 = arith.constant 0 : i32
    %c0_i32_1 = arith.constant 0 : i32
    %c0_i32_2 = arith.constant 0 : i32
    return %add3A_0, %c2_i32, %c0_i32, %c0_i32_1 : i32, i32, i32, i32
  }
  func.func @transform_3(%arg0: i32) -> (i32, i32) {
    %c0_i32 = arith.constant 0 : i32
    %c0_i32_0 = arith.constant 0 : i32
    %c0_i32_1 = arith.constant 0 : i32
    return %c0_i32, %c0_i32_0 : i32, i32
  }
  func.func @transform_4(%arg0: i32) -> (i32, i32) {
    %c0_i32 = arith.constant 0 : i32
    %c0_i32_0 = arith.constant 0 : i32
    %c0_i32_1 = arith.constant 0 : i32
    return %c0_i32, %c0_i32_0 : i32, i32
  }
}

module attributes {stable_mosaic.version = 14 : i64} {
  func.func @_fold_body(%arg0: memref<32x16xf32, #tpu.memory_space<vmem>>, %arg1: memref<32x16xf32, #tpu.memory_space<vmem>>, %arg2: memref<1x1xf32, #tpu.memory_space<smem>>, %arg3: memref<1x1xf32, #tpu.memory_space<smem>>, %arg4: memref<1x1xf32, #tpu.memory_space<vmem>>) attributes {dimension_semantics = [], scalar_prefetch = 0 : i64, scratch_operands = 0 : i64, tpu.core_type = #tpu.core_type<tc>} {
    %get3A = arith.constant 0 : index
    %get3A_0 = arith.constant 0 : index
    %get3A_1 = vector.load %arg0[%get3A, %get3A_0] : memref<32x16xf32, #tpu.memory_space<vmem>>, vector<32x16xf32>
    %reduce_sum3A = vector.shape_cast %get3A_1 : vector<32x16xf32> to vector<1x32x16xf32>
    %reduce_sum3A_2 = arith.constant dense<0.000000e+00> : vector<1xf32>
    %reduce_sum3A_3 = vector.multi_reduction <add>, %reduce_sum3A, %reduce_sum3A_2 [1, 2] : vector<1x32x16xf32> to vector<1xf32>
    %reduce_sum3A_4 = vector.shape_cast %reduce_sum3A_3 : vector<1xf32> to vector<1x1x1xf32>
    %reduce_sum3A_5 = vector.extract %reduce_sum3A_4[0, 0, 0] : f32 from vector<1x1x1xf32>
    %get3A_6 = arith.constant 0 : index
    %get3A_7 = arith.constant 0 : index
    %get3A_8 = memref.load %arg2[%get3A_6, %get3A_7] : memref<1x1xf32, #tpu.memory_space<smem>>
    %add3A = arith.addf %reduce_sum3A_5, %get3A_8 : f32
    %get3A_9 = arith.constant 0 : index
    %get3A_10 = arith.constant 0 : index
    %get3A_11 = vector.load %arg1[%get3A_9, %get3A_10] : memref<32x16xf32, #tpu.memory_space<vmem>>, vector<32x16xf32>
    %reduce_sum3A_12 = vector.shape_cast %get3A_11 : vector<32x16xf32> to vector<1x32x16xf32>
    %reduce_sum3A_13 = arith.constant dense<0.000000e+00> : vector<1xf32>
    %reduce_sum3A_14 = vector.multi_reduction <add>, %reduce_sum3A_12, %reduce_sum3A_13 [1, 2] : vector<1x32x16xf32> to vector<1xf32>
    %reduce_sum3A_15 = vector.shape_cast %reduce_sum3A_14 : vector<1xf32> to vector<1x1x1xf32>
    %reduce_sum3A_16 = vector.extract %reduce_sum3A_15[0, 0, 0] : f32 from vector<1x1x1xf32>
    %get3A_17 = arith.constant 0 : index
    %get3A_18 = arith.constant 0 : index
    %get3A_19 = memref.load %arg3[%get3A_17, %get3A_18] : memref<1x1xf32, #tpu.memory_space<smem>>
    %add3A_20 = arith.addf %reduce_sum3A_16, %get3A_19 : f32
    %div3A = arith.divf %add3A, %add3A_20 : f32
    %broadcast_in_dim3A = vector.broadcast %div3A : f32 to vector<1x1xf32>
    %swap3A = arith.constant 0 : index
    %swap3A_21 = arith.constant 0 : index
    %swap3A_22 = vector.load %arg4[%swap3A, %swap3A_21] : memref<1x1xf32, #tpu.memory_space<vmem>>, vector<1x1xf32>
    tpu.vector_store %arg4[%swap3A, %swap3A_21], %broadcast_in_dim3A {strides = array<i32>} : memref<1x1xf32, #tpu.memory_space<vmem>>, vector<1x1xf32>,
    return
  }
}

</mosaic_0001>

<sc_bundles>
// kernel: kernel.5.cloned.1.call-start
scs
__scs_entry_jumppad:
0x0: {  	(pc) =	sbr.rel $0x88, $3  }
0x1: {  	(tag) =	ssettag $0x0;
	lr =	simm.s32 $0x1  }
0x2: {  	[smem:$0x3F9F] =	sst lr;
	_ =	strace $0xD0000000  }
0x3: {  	_ = 	snop  }
0x4: {  	_ = 	snop  }
0x5: {  	_ = 	snop  }
0x6: {  	_ = 	snop  }
0x7: {  	_ = 	snop  }
__scs_overlays_trampoline_lowered:
0x8: {  	[smem:$0x3FAE] =	sst s0  }
0x9: {  	[smem:$0x3FAF] =	sst s1  }
0xa: {  	[smem:$0x3FB0] =	sst s2  }
0xb: {  	[smem:$0x3FB1] =	sst s3  }
0xc: {  	[smem:$0x3FB2] =	sst s4  }
0xd: {  	[smem:$0x3FB3] =	sst s5  }
0xe: {  	[smem:$0x3FB4] =	sst s6  }
0xf: {  	[smem:$0x3FB5] =	sst s7  }
0x10: {  	[smem:$0x3FB6] =	sst s8  }
0x11: {  	[smem:$0x3FB7] =	sst s9;
	s0 =	simm.s32 @!p0 $0x0  }
0x12: {  	s1 =	sld [smem:$0x3F9D];
	s0 =	simm.s32 @p0 $0x1  }
0x13: {  	[smem:$0x3FB8] =	sst s0;
	s0 =	simm.s32 @!p1 $0x0  }
0x14: {  	s2 =	sld [smem:$0x3F9C];
	s0 =	simm.s32 @p1 $0x1  }
0x15: {  	[smem:$0x3FB9] =	sst s0;
	s0 =	simm.s32 @!p2 $0x0  }
0x16: {  	s3 =	sld [smem:$0x3FDB];
	s0 =	simm.s32 @p2 $0x1  }
0x17: {  	s4 =	simm.s32 $0x1BF5;
	[smem:$0x3FBB] =	sst s0  }
0x18: {  	s0 =	sld [smem:$0x3F9E];
	_ =	swait.ge [sflag:s4], $0x0  }
0x19: {  	s7 =	sld [smem:$0x3F9F]  }
0x1a: {  	s8 =	sadd.s32 $0xFFFFE003, lr  }
0x1b: {  	s9 =	sadd.s32 $0xFFFFFEF7, lr;
	s5 =	simm.s32 $0xFFFFFFFF;
	p2 =	slt.u32 s8, $0xFFFFF086  }
0x1c: {  	p1 =	slt.u32 s9, $0xF7A;
	s5 =	simm.s32 @!p2 $0x0  }
0x1d: {  	s5 =	simm.s32 @p1 $0x1;
	p0 =	seq.s32 s7, s2  }
0x1e: {  	s7 =	smul.u32 @!p0 $0xF7A, s2;
	p2 =	seq.s32 @!p0 s5, $0x0  }
0x1f: {  	s9 =	smul.u32 $0xF7A, s1;
	s8 =	simm.s32 @!p0 $0x1BF5;
	p2 =	por !p2, p0  }
0x20: {  	[sflag:s8] =	ssyncset.s32 @!p0 $0xFFFFF086;
	s6 =	sadd.s32 @!p0 s3, s7;
	s7 =	simm.s32 @!p0 $0x108  }
0x21: {  	s3 =	sadd.s32 s3, s9;
	s6 =	sadd.s32 @!p0 $0x88, s6;
	s7 =	simm.s32 @p2 $0x1082  }
0x22: {  	[simem:s7], [sflag:s8] =	dma.local @!p0 [hbm:s6], $0xF7A  }
0x23: {  	s9 =	sor.u32 $0xD0000000, s2;
	s6 =	simm.s32 $0x108;
	_ =	swait.ge @!p0 [sflag:s8], $0x0  }
0x24: {  	s3 =	sadd.s32 $0x88, s3;
	s6 =	simm.s32 @!p1 $0x1082;
	[sflag:s4] =	ssyncset.s32 $0xFFFFF086  }
0x25: {  	[simem:s6], [sflag:s4] =	dma.local [hbm:s3], $0xF7A  }
0x26: {  	[smem:$0x3F9F] =	sst s1;
	(tag) =	ssettag s2;
	_ =	strace s9  }
0x27: {  	s1 =	sld [smem:$0x3FAF]  }
0x28: {  	s2 =	sld [smem:$0x3FB0]  }
0x29: {  	s4 =	sld [smem:$0x3FB2]  }
0x2a: {  	p0 =	seq.s32 s5, $0x0;
	s5 =	sld [smem:$0x3FB3]  }
0x2b: {  	s6 =	sld [smem:$0x3FB4]  }
0x2c: {  	s7 =	sld [smem:$0x3FB5]  }
0x2d: {  	s3 =	simm.s32 $0x108;
	s8 =	sld [smem:$0x3FB6]  }
0x2e: {  	s3 =	simm.s32 @!p0 $0x1082;
	s9 =	sld [smem:$0x3FB7]  }
0x2f: {  	lr =	sadd.s32 s0, s3;
	s0 =	sld [smem:$0x3FAE]  }
0x30: {  	s3 =	sld [smem:$0x3FB1]  }
0x31: {  	[smem:$0x3FBA] =	sst s10  }
0x32: {  	s10 =	sld [smem:$0x3FB8];
	_ =	sdelay $0x3  }
0x33: {  	p0 =	seq.s32 s10, $0x1;
	s10 =	sld [smem:$0x3FBA];
	_ =	sdelay $0x3  }
0x34: {  	[smem:$0x3FBA] =	sst s10  }
0x35: {  	s10 =	sld [smem:$0x3FB9];
	_ =	sdelay $0x3  }
0x36: {  	p1 =	seq.s32 s10, $0x1;
	s10 =	sld [smem:$0x3FBA];
	_ =	sdelay $0x3  }
0x37: {  	[smem:$0x3FBA] =	sst s10  }
0x38: {  	s10 =	sld [smem:$0x3FBB]  }
0x39: {  	_ = 	snop;
	(pc) =	sbr.ind lr, $3  }
0x3a: {  	_ = 	snop  }
0x3b: {  	_ = 	snop  }
0x3c: {  	p2 =	seq.s32 s10, $0x1;
	s10 =	sld [smem:$0x3FBA]  }
0x3d: {  	_ =	shalt  }
0x3e: {  	_ =	shalt  }
0x3f: {  	_ =	shalt  }
0x40: {  	_ =	shalt  }
0x41: {  	_ =	shalt  }
0x42: {  	_ =	shalt  }
0x43: {  	_ =	shalt  }
0x44: {  	_ =	shalt  }
0x45: {  	_ =	shalt  }
0x46: {  	_ =	shalt  }
0x47: {  	_ =	shalt  }
0x48: {  	_ =	shalt  }
0x49: {  	_ =	shalt  }
0x4a: {  	_ =	shalt  }
0x4b: {  	_ =	shalt  }
0x4c: {  	_ =	shalt  }
0x4d: {  	_ =	shalt  }
0x4e: {  	_ =	shalt  }
0x4f: {  	_ =	shalt  }
0x50: {  	_ =	shalt  }
0x51: {  	_ =	shalt  }
0x52: {  	_ =	shalt  }
0x53: {  	_ =	shalt  }
0x54: {  	_ =	shalt  }
0x55: {  	_ =	shalt  }
0x56: {  	_ =	shalt  }
0x57: {  	_ =	shalt  }
0x58: {  	_ =	shalt  }
0x59: {  	_ =	shalt  }
0x5a: {  	_ =	shalt  }
0x5b: {  	_ =	shalt  }
0x5c: {  	_ =	shalt  }
0x5d: {  	_ =	shalt  }
0x5e: {  	_ =	shalt  }
0x5f: {  	_ =	shalt  }
0x60: {  	_ =	shalt  }
0x61: {  	_ =	shalt  }
0x62: {  	_ =	shalt  }
0x63: {  	_ =	shalt  }
0x64: {  	_ =	shalt  }
0x65: {  	_ =	shalt  }
0x66: {  	_ =	shalt  }
0x67: {  	_ =	shalt  }
0x68: {  	_ =	shalt  }
0x69: {  	_ =	shalt  }
0x6a: {  	_ =	shalt  }
0x6b: {  	_ =	shalt  }
0x6c: {  	_ =	shalt  }
0x6d: {  	_ =	shalt  }
0x6e: {  	_ =	shalt  }
0x6f: {  	_ =	shalt  }
0x70: {  	_ =	shalt  }
0x71: {  	_ =	shalt  }
0x72: {  	_ =	shalt  }
0x73: {  	_ =	shalt  }
0x74: {  	_ =	shalt  }
0x75: {  	_ =	shalt  }
0x76: {  	_ =	shalt  }
0x77: {  	_ =	shalt  }
0x78: {  	_ =	shalt  }
0x79: {  	_ =	shalt  }
0x7a: {  	_ =	shalt  }
0x7b: {  	_ =	shalt  }
0x7c: {  	_ =	shalt  }
0x7d: {  	_ =	shalt  }
0x7e: {  	_ =	shalt  }
0x7f: {  	_ =	shalt  }
0x80: {  	_ =	shalt  }
0x81: {  	_ =	shalt  }
0x82: {  	_ =	shalt  }
0x83: {  	_ =	shalt  }
0x84: {  	_ =	shalt  }
0x85: {  	_ =	shalt  }
0x86: {  	_ =	shalt  }
0x87: {  	_ =	shalt  }
.Lfunc_end0:
.L_simem_size_0:
called_computation_lowered:
.L_overlay_start_0:
0x88: {  	s2 =	sld [smem:$0x3FD9]  }
0x89: {  	s3 =	sld [smem:$0x3FFE];
	_ =	sdelay $0x1  }
0x8a: {  	s1 =	srdreg.scid  }
0x8b: {  	s0 =	sand.u32 $0x1, s1  }
0x8c: {  	s17 =	sshll.u32 s0, $0xA;
	s2 =	sadd.s32 s3, s2  }
0x8d: {  	s2 =	sadd.s32 s2, s17  }
0x8e: {  	[smem:$0x3FC6] =	sst s2  }
0x8f: {  	_ = 	snop  }
0x90: {  	s2 =	sld [smem:$0x3FC9]  }
0x91: {  	s18 =	sld [smem:$0x3FC8];
	(tm) =	ssettm $0x1  }
0x92: {  	s4 =	sld [smem:$0x3FFB];
	_ =	sdelay $0x3  }
0x93: {  	_ =	strace s4  }
0x94: {  	s4 =	sld [smem:$0x3FFC];
	_ =	sdelay $0x3  }
0x95: {  	_ =	strace s4  }
0x96: {  	s4 =	sld [smem:$0x3FFD];
	_ =	sdelay $0x3  }
0x97: {  	_ =	strace s4  }
0x98: {  	_ =	strace $0x8FFFFFFF  }
0x99: {  	s19 =	sld [smem:$0x3FDB];
	_ =	sdelay $0x1  }
0x9a: {  	s5 =	simm.s32 $_scs_section_size  }
0x9b: {  	s6 =	simm.s32 $_size__tile_overlayer_lowered;
	s7 =	simm.s32 $_tile_overlayer_lowered  }
0x9c: {  	s22 =	simm.s32 $0x1BFF;
	s21 =	sshll.u32 s7, $0x1;
	s4 =	sadd.s32 s5, s19  }
0x9d: {  	s8 =	simm.s32 $0x0;
	s20 =	sshll.u32 s6, $0x1;
	s6 =	sadd.s32 s21, s4  }
0x9e: {  	[timem:s8], [sflag:s22] =	dma.local [hbm:s6], s20  }
0x9f: {  	_ =	swait.ge [sflag:s22], s20  }
0xa0: {  	s5 =	ssub.s32 $0x0, s20;
	[sflag:s22] =	ssyncset.done $0x0  }
0xa1: {  	[sflag:s22] =	ssyncadd.s32 s5;
	_ =	sdelay $0x1  }
0xa2: {  	s23 =	simm.s32 $0x1B8B  }
0xa3: {  	_ =	swait.ge [sflag:s23], $0x1  }
0xa4: {  	[sflag:s23] =	ssyncset.done $0x0  }
0xa5: {  	s25 =	simm.s32 $0x1B8E;
	s24 =	sld [smem:$0x3FFE];
	[sflag:s23] =	ssyncadd.s32 $0xFFFFFFFF  }
0xa6: {  	s26 =	simm.s32 $execute0_lowered;
	[smem:$0x3FD2] =	sst s25  }
0xa7: {  	s6 =	sshll.u32 s26, $0x1;
	_ =	strace $0x80000046;
	[dreg:$0x1] =	wrdreg $0xFFFFFFFF  }
0xa8: {  	s28 =	simm.s32 $_size_execute0_lowered;
	s4 =	sadd.s32 s4, s6;
	[dreg:$0x0] =	wrdreg $0x0  }
0xa9: {  	s6 =	sshll.u32 s28, $0x1;
	[dreg:$0x2] =	wrdreg s4  }
0xaa: {  	[dreg:$0x3] =	wrdreg s6  }
0xab: {  	[dreg:$0x4] =	wrdreg $0xC0  }
0xac: {  	_ =	task [dreg:s8], $0x5FFFF  }
0xad: {  	[dreg:$0x1] =	wrdreg $0xFFFFFFFF  }
0xae: {  	[dreg:$0x0] =	wrdreg $0x60  }
0xaf: {  	[dreg:$0x2] =	wrdreg s2  }
0xb0: {  	[dreg:$0x3] =	wrdreg s18  }
0xb1: {  	[dreg:$0x4] =	wrdreg s24  }
0xb2: {  	[dreg:$0x5] =	wrdreg $0x9  }
0xb3: {  	_ =	task.clear_ibuf [dreg:s8], $0x6FFFF;
	_ =	strace $0x90000046  }
0xb4: {  	s29 =	simm.s32 $0x9;
	_ =	strace $0x80000048  }
0xb5: {  	_ =	swait.ge [sflag:s29], $0x1  }
0xb6: {  	[sflag:s29] =	ssyncadd.s32 $0xFFFFFFFF  }
0xb7: {  	_ =	strace $0x90000048  }
0xb8: {  	_ =	sfence  }
0xb9: {  	s30 =	sld [smem:$0x0];
	_ =	sdelay $0x2  }
0xba: {  	s31 =	sshll.u32 s1, $0xD;
	s1 =	sshrl.u32 s1, $0x2  }
0xbb: {  	s3 =	sand.u32 $0x4000, s31;
	s1 =	sadd.s32 s1, s30  }
0xbc: {  	s0 =	sor.u32 s3, s0;
	s1 =	sshll.u32 s1, $0x11  }
0xbd: {  	s0 =	sor.u32 s1, s0  }
0xbe: {  	s0 =	sadd.s32 $0x8F2B, s0  }
0xbf: {  	[sflag:s0] =	ssyncadd.remote.s32 $0x1  }
0xc0: {  	_ =	sfence.sel $0xFFFF  }
0xc1: {  	[dreg:$0x0] =	wrdreg $0xFFFFFFFF;
	(pc) =	sbr.abs _section_cstart, $3  }
0xc2: {  	[dreg:$0x1] =	wrdreg $0xFFFFFFFF  }
0xc3: {  	_ =	task.clear_ibuf [dreg:s8], $0x2FFFF;
	_ =	strace $0x9FFFFFFF  }
0xc4: {  	(tm) =	ssettm $0x7FFFFFFF  }
0xc5: {  	_ =	shalt  }
tec
execute0_lowered:
.L_overlay_start_1:
0x0: {  	(tag) =	ssettag $0x1  }
0x1: {  	s9 =	rddreg [dreg:$0x0]  }
0x2: {  	s1 =	srdreg.scid;
	s10 =	rddreg [dreg:$0x1]  }
0x3: {  	s0 =	stileid.u32;
	s4 =	rddreg [dreg:$0x2]  }
0x4: {  	s2 =	simm.s32 $0x0;
	s15 =	simm.s32 $0x1800;
	s16 =	simm.s32 $0x3000  }
0x5: {  	s17 =	simm.s32 $0xC00;
	s18 =	simm.s32 $0x2400;
	s19 =	simm.s32 $0x3C00  }
0x6: {  	s20 =	simm.s32 $0x1;
	s3 =	sand.u32 $0x1, s1;
	s1 =	rddreg [dreg:$0x3]  }
0x7: {  	s21 =	sshll.u32 s0, $0x1;
	[smem:$0x7FF] =	sst s2;
	s7 =	sshrl.u32 s0, $0x3  }
0x8: {  	s5 =	sor.u32 s3, s21;
	_ =	strace $0x80000047;
	s11 =	smul.u32 $0xD8000, s7  }
0x9: {  	s3 =	ssub.s32 $0x2, s3;
	s7 =	smul.u32 $0x6C000, s7;
	s6 =	sand.u32 $0xF, s5  }
0xa: {  	s21 =	simm.s32 $0x2;
	s5 =	sshll.u32 s5, $0x4;
	s8 =	smul.u32 $0x18, s6  }
0xb: {  	s23 =	sshrl.u32 s3, $0x1;
	s13 =	sadd.s32 s5, s4;
	s22 =	smul.u32 $0x2400, s6  }
0xc: {  	s14 =	ssub.s32 s3, s23;
	s11 =	sadd.s32 $0xE34000, s11;
	s23 =	simm.s32 $0x3  }
0xd: {  	s14 =	smax.u32 s14, $0x1;
	s24 =	sadd.s32 $0x8, s8;
	s26 =	sadd.s32 s22, s11  }
0xe: {  	s4 =	sadd.s32 s7, s22;
	s29 =	sshrl.u32 s8, $0x3;
	s22 =	simm.s32 $0x4800  }
0xf: {  	s25 =	sshrl.u32 s24, $0x3;
	s5 =	sshrl.u32 s26, $0x3;
	s8 =	smul.u32 $0xC00, s29  }
0x10: {  	s28 =	sshrl.u32 s4, $0x3;
	s24 =	simm.s32 $0x4880;
	s12 =	smul.u32 $0xC00, s25  }
0x11: {  	s3 =	sadd.s32 s10, s28;
	s4 =	sadd.s32 s9, s5;
	s25 =	simm.s32 $0x0  }
0x12: {  	s5 =	sadd.s32 $0x9000, s3;
	s8 =	sadd.s32 $0x1800, s8;
	s30 =	sadd.s32 s12, s11  }
0x13: {  	s12 =	sadd.s32 s7, s12;
	s11 =	sadd.s32 s8, s11;
	s8 =	sadd.s32 s7, s8  }
0x14: {  	s6 =	sshrl.u32 s30, $0x3;
	s12 =	sshrl.u32 s12, $0x3;
	s11 =	sshrl.u32 s11, $0x3  }
0x15: {  	s31 =	sshrl.u32 s8, $0x3;
	s6 =	sadd.s32 s9, s6;
	s7 =	sadd.s32 s10, s12  }
0x16: {  	s9 =	sadd.s32 s9, s11;
	s10 =	sadd.s32 s10, s31;
	s12 =	sadd.s32 $0x1000, s13  }
0x17: {  	s13 =	sadd.s32 $0x1200, s13;
	s8 =	sadd.s32 $0x9000, s7;
	s11 =	sadd.s32 $0x9000, s10  }
.LBB2_1:
0x18: {  	[tilespmem:s2], [sflag:$0x1] =	stream.linear.gather [hbm4b:s4+s2], $0xC00, $0x38;
	[tilespmem:$0x4900] =	vst v63  }
0x19: {  	_ = 	snop  }
0x1a: {  	[tilespmem:s15], [sflag:$0x1] =	stream.linear.gather [hbm4b:s3+s2], $0xC00, $0x38;
	[tilespmem:$0x4900] =	vst v63  }
0x1b: {  	_ = 	snop  }
0x1c: {  	[tilespmem:s16], [sflag:$0x1] =	stream.linear.gather [hbm4b:s5+s2], $0xC00, $0x38;
	[tilespmem:$0x4900] =	vst v63  }
0x1d: {  	_ = 	snop  }
0x1e: {  	[tilespmem:s17], [sflag:$0x2] =	stream.linear.gather [hbm4b:s6+s2], $0xC00, $0x38;
	[tilespmem:$0x4900] =	vst v63  }
0x1f: {  	_ = 	snop  }
0x20: {  	[tilespmem:s18], [sflag:$0x2] =	stream.linear.gather [hbm4b:s7+s2], $0xC00, $0x38;
	[tilespmem:$0x4900] =	vst v63  }
0x21: {  	_ = 	snop  }
0x22: {  	[tilespmem:s19], [sflag:$0x2] =	stream.linear.gather [hbm4b:s8+s2], $0xC00, $0x38;
	[tilespmem:$0x4900] =	vst v63  }
0x23: {  	_ =	swait.ge [sflag:s20], $0xC00  }
0x24: {  	[sflag:s20] =	ssyncset.done $0x0  }
0x25: {  	[sflag:s20] =	ssyncadd.s32 $0xFFFFF400  }
0x26: {  	_ =	swait.ge [sflag:s20], $0xC00  }
0x27: {  	[sflag:s20] =	ssyncset.done $0x0  }
0x28: {  	[sflag:s20] =	ssyncadd.s32 $0xFFFFF400  }
0x29: {  	_ =	swait.ge [sflag:s20], $0xC00  }
0x2a: {  	[sflag:s20] =	ssyncset.done $0x0  }
0x2b: {  	s26 =	simm.s32 $0xFFFFFC00;
	[sflag:s20] =	ssyncadd.s32 $0xFFFFF400  }
0x2c: {  	v0 =	vld [tilespmem:s26+$0xC00]  }
0x2d: {  	v1 =	vld [tilespmem:s26+$0x3C00]  }
0x2e: {  	v2 =	vld [tilespmem:s26+$0xC10]  }
0x2f: {  	v3 =	vld [tilespmem:s26+$0x3C10]  }
0x30: {  	v4 =	vld [tilespmem:s26+$0xC20]  }
0x31: {  	v5 =	vld [tilespmem:s26+$0x3C20]  }
0x32: {  	v6 =	vld [tilespmem:s26+$0xC30]  }
0x33: {  	v7 =	vld [tilespmem:s26+$0x3C30]  }
0x34: {  	v8 =	vld [tilespmem:s26+$0xC40]  }
0x35: {  	v9 =	vld [tilespmem:s26+$0x3C40]  }
0x36: {  	v10 =	vld [tilespmem:s26+$0xC50]  }
0x37: {  	v11 =	vld [tilespmem:s26+$0x3C50]  }
0x38: {  	v12 =	vld [tilespmem:s26+$0xC60]  }
0x39: {  	v13 =	vld [tilespmem:s26+$0x3C60]  }
0x3a: {  	v14 =	vld [tilespmem:s26+$0xC70]  }
0x3b: {  	v15 =	vld [tilespmem:s26+$0x3C70]  }
0x3c: {  	v16 =	vld [tilespmem:s26+$0x800]  }
0x3d: {  	v17 =	vld [tilespmem:s26+$0x3800]  }
0x3e: {  	v18 =	vld [tilespmem:s26+$0x810]  }
0x3f: {  	v19 =	vld [tilespmem:s26+$0x3810]  }
0x40: {  	v20 =	vld [tilespmem:s26+$0x820]  }
0x41: {  	v21 =	vld [tilespmem:s26+$0x3820]  }
0x42: {  	v22 =	vld [tilespmem:s26+$0x830]  }
0x43: {  	v23 =	vld [tilespmem:s26+$0x3830]  }
0x44: {  	v24 =	vld [tilespmem:s26+$0x840]  }
0x45: {  	v25 =	vld [tilespmem:s26+$0x3840]  }
0x46: {  	v26 =	vld [tilespmem:s26+$0x850]  }
0x47: {  	v27 =	vld [tilespmem:s26+$0x3850]  }
0x48: {  	v28 =	vld [tilespmem:s26+$0x860]  }
0x49: {  	v29 =	vld [tilespmem:s26+$0x3860]  }
0x4a: {  	v30 =	vld [tilespmem:s26+$0x870]  }
0x4b: {  	v31 =	vld [tilespmem:s26+$0x3870]  }
0x4c: {  	v32 =	vld [tilespmem:s26+$0x400]  }
0x4d: {  	v33 =	vld [tilespmem:s26+$0x3400]  }
0x4e: {  	v34 =	vld [tilespmem:s26+$0x410]  }
0x4f: {  	v35 =	vld [tilespmem:s26+$0x3410]  }
0x50: {  	v36 =	vld [tilespmem:s26+$0x420]  }
0x51: {  	v37 =	vld [tilespmem:s26+$0x3450]  }
0x52: {  	v63 =	vld [tilespmem:s26+$0x2400];
	v0 =	vsub.f32 v0, v1;
	v1 =	vsub.f32 v2, v3  }
0x53: {  	v2 =	vld [tilespmem:s26+$0x3420];
	v3 =	vsub.f32 v4, v5;
	v5 =	vsub.f32 v6, v7  }
0x54: {  	v6 =	vld [tilespmem:s26+$0x430];
	v7 =	vsub.f32 v8, v9;
	v8 =	vsub.f32 v10, v11  }
0x55: {  	v11 =	vld [tilespmem:s26+$0x3430];
	v10 =	vsub.f32 v12, v13;
	v12 =	vsub.f32 v16, v17  }
0x56: {  	v13 =	vld [tilespmem:s26+$0x440];
	v16 =	vsub.f32 v14, v15;
	v17 =	vsub.f32 v18, v19  }
0x57: {  	v18 =	vld [tilespmem:s26+$0x3440];
	v4 =	vimm.f32 $0.0e+00;
	v19 =	vsub.f32 v20, v21;
	v0 =	vmul.f32 v0, v0  }
0x58: {  	v20 =	vsub.f32 v22, v23;
	v21 =	vld [tilespmem:s26+$0x450];
	v1 =	vmul.f32 v1, v1;
	v23 =	vmul.f32 v3, v3  }
0x59: {  	v26 =	vsub.f32 v26, v27;
	v27 =	vld [tilespmem:s26+$0x470];
	v22 =	vmul.f32 v5, v5;
	v15 =	vmul.f32 v7, v7  }
0x5a: {  	v24 =	vsub.f32 v24, v25;
	v3 =	vld [tilespmem:s26+$0x460];
	v9 =	vmul.f32 v8, v8;
	v14 =	vmul.f32 v10, v10  }
0x5b: {  	v5 =	vsub.f32 v28, v29;
	v7 =	vld [tilespmem:s26+$0x3460];
	v10 =	vmul.f32 v16, v16;
	v12 =	vmul.f32 v12, v12  }
0x5c: {  	v8 =	vsub.f32 v30, v31;
	v30 =	vmul.f32 v17, v17;
	v31 =	vld [tilespmem:s26+$0x3470];
	v61 =	vmul.f32 v19, v19  }
0x5d: {  	v28 =	vsub.f32 v32, v33;
	v62 =	vmul.f32 v20, v20;
	v19 =	vld [tilespmem:s26+$0x1C00];
	v25 =	vmul.f32 v24, v24  }
0x5e: {  	v29 =	vsub.f32 v34, v35;
	v24 =	vmul.f32 v26, v26;
	v20 =	vld [tilespmem:s26+$0x1C10];
	v17 =	vmul.f32 v5, v5  }
0x5f: {  	v16 =	vmul.f32 v8, v8;
	v5 =	vld [tilespmem:s26+$0x2000];
	v0 =	vmul.f32 v0, v63;
	v8 =	vsub.f32 v13, v18  }
0x60: {  	v6 =	vsub.f32 v6, v11;
	v11 =	vmul.f32 v28, v28;
	v18 =	vld [tilespmem:s26+$0x2010];
	v21 =	vsub.f32 v21, v37  }
0x61: {  	v2 =	vsub.f32 v36, v2;
	v13 =	vmul.f32 v29, v29;
	v29 =	vmul.f32 v8, v8  }
0x62: {  	v3 =	vsub.f32 v3, v7;
	v7 =	vmul.f32 v11, v19;
	v8 =	vld [tilespmem:s26+$0x2410];
	v28 =	vmul.f32 v21, v21  }
0x63: {  	v11 =	vsub.f32 v27, v31;
	v13 =	vmul.f32 v13, v20;
	v21 =	vld [tilespmem:s26+$0x1C20];
	v19 =	vadd.f32 v19, v4  }
0x64: {  	v20 =	vadd.f32 v20, v4;
	v31 =	vld [tilespmem:s26+$0x2020];
	v26 =	vmul.f32 v3, v3;
	v3 =	vadd.f32 v7, v4  }
0x65: {  	v12 =	vmul.f32 v12, v5;
	v13 =	vadd.f32 v13, v4;
	v27 =	vmul.f32 v30, v18  }
0x66: {  	v2 =	vmul.f32 v2, v2;
	v7 =	vld [tilespmem:s26+$0x1C30];
	v5 =	vadd.f32 v5, v19;
	v18 =	vadd.f32 v18, v20  }
0x67: {  	v6 =	vmul.f32 v6, v6;
	v3 =	vadd.f32 v12, v3;
	v12 =	vadd.f32 v27, v13  }
0x68: {  	v13 =	vmul.f32 v1, v8;
	v19 =	vmul.f32 v2, v21;
	v1 =	vadd.f32 v63, v5  }
0x69: {  	v30 =	vld [tilespmem:s26+$0x2030];
	v27 =	vmul.f32 v11, v11;
	v39 =	vmul.f32 v61, v31;
	v11 =	vimm.f32 $0.0e+00  }
0x6a: {  	v35 =	vld [tilespmem:s26+$0x2420];
	v0 =	vadd.f32 v0, v3;
	v3 =	vadd.f32 v8, v18;
	v8 =	vimm.f32 $0.0e+00  }
0x6b: {  	v32 =	vld [tilespmem:s26+$0x2430];
	v5 =	vmul.f32 v6, v7;
	v2 =	vadd.f32 v13, v12;
	v37 =	vadd.f32 v19, v4  }
0x6c: {  	v33 =	vld [tilespmem:s26+$0x1C40];
	v19 =	vadd.f32 v21, v4;
	v20 =	vadd.f32 v7, v4;
	v6 =	vimm.f32 $0.0e+00  }
0x6d: {  	v34 =	vld [tilespmem:s26+$0x1C50];
	v7 =	vimm.f32 $0.0e+00;
	v12 =	vimm.f32 $0.0e+00;
	v13 =	vimm.f32 $0.0e+00  }
0x6e: {  	s28 =	simm.s32 $0xFFFFF200;
	v36 =	vld [tilespmem:s26+$0x2040];
	v21 =	vmul.f32 v62, v30;
	v38 =	vadd.f32 v5, v4;
	v5 =	vimm.f32 $0.0e+00  }
.LBB2_2:
0x6f: {  	p0 =	sne.s32 s28, $0xFFFFFE00;
	v18 =	vadd.f32 v39, v37;
	v19 =	vadd.f32 v31, v19;
	v31 =	vld [tilespmem:s26+$0x2050];
	v23 =	vmul.f32 v23, v35  }
0x70: {  	v21 =	vadd.f32 v21, v38;
	v30 =	vadd.f32 v30, v20;
	v20 =	vmul.f32 v22, v32;
	v22 =	vld [tilespmem:s26+$0x2440]  }
0x71: {  	v29 =	vmul.f32 v29, v33;
	v18 =	vadd.f32 v23, v18;
	v19 =	vadd.f32 v35, v19;
	v23 =	vld [tilespmem:s26+$0x2450]  }
0x72: {  	v28 =	vmul.f32 v28, v34;
	v35 =	vld [tilespmem:s26+$0x1C60];
	v20 =	vadd.f32 v20, v21;
	v21 =	vadd.f32 v32, v30  }
0x73: {  	v6 =	vadd.f32 v33, v6;
	v4 =	vadd.f32 v29, v4;
	v29 =	vld [tilespmem:s26+$0x1C70];
	v25 =	vmul.f32 v25, v36  }
0x74: {  	v7 =	vadd.f32 v34, v7;
	v8 =	vadd.f32 v28, v8;
	v24 =	vmul.f32 v24, v31;
	v28 =	vld [tilespmem:s26+$0x2060]  }
0x75: {  	v6 =	vadd.f32 v36, v6;
	v4 =	vadd.f32 v25, v4;
	v25 =	vld [tilespmem:s26+$0x2070];
	v15 =	vmul.f32 v15, v22  }
0x76: {  	v7 =	vadd.f32 v31, v7;
	v8 =	vadd.f32 v24, v8;
	v9 =	vmul.f32 v9, v23;
	v24 =	vld [tilespmem:s26+$0x2460]  }
0x77: {  	v6 =	vadd.f32 v22, v6;
	v26 =	vmul.f32 v26, v35;
	v4 =	vadd.f32 v15, v4;
	v15 =	vld [tilespmem:s26+$0x2470];
	s26 =	sshra.s32 s28, $0x2  }
0x78: {  	v7 =	vadd.f32 v23, v7;
	v22 =	vld [tilespmem:s26+$0xC00];
	v27 =	vmul.f32 v27, v29;
	v8 =	vadd.f32 v9, v8  }
0x79: {  	v13 =	vadd.f32 v35, v13;
	v9 =	vld [tilespmem:s26+$0x3C00];
	v12 =	vadd.f32 v26, v12;
	v17 =	vmul.f32 v17, v28  }
0x7a: {  	v5 =	vadd.f32 v29, v5;
	v23 =	vld [tilespmem:s26+$0xC10];
	v11 =	vadd.f32 v27, v11;
	v16 =	vmul.f32 v16, v25  }
0x7b: {  	v13 =	vadd.f32 v28, v13;
	v26 =	vld [tilespmem:s26+$0x3C10];
	v12 =	vadd.f32 v17, v12;
	v14 =	vmul.f32 v14, v24  }
0x7c: {  	v5 =	vadd.f32 v25, v5;
	v17 =	vld [tilespmem:s26+$0xC20];
	v11 =	vadd.f32 v16, v11;
	v10 =	vmul.f32 v10, v15  }
0x7d: {  	v13 =	vadd.f32 v24, v13;
	v16 =	vld [tilespmem:s26+$0x3C20];
	v12 =	vadd.f32 v14, v12  }
0x7e: {  	v5 =	vadd.f32 v15, v5;
	v14 =	vld [tilespmem:s26+$0xC30];
	v11 =	vadd.f32 v10, v11  }
0x7f: {  	v10 =	vld [tilespmem:s26+$0x3C30]  }
0x80: {  	v15 =	vld [tilespmem:s26+$0xC40]  }
0x81: {  	v24 =	vld [tilespmem:s26+$0x3C40]  }
0x82: {  	v25 =	vld [tilespmem:s26+$0xC50]  }
0x83: {  	v27 =	vld [tilespmem:s26+$0x3C50]  }
0x84: {  	v28 =	vld [tilespmem:s26+$0xC60]  }
0x85: {  	v29 =	vld [tilespmem:s26+$0x3C60]  }
0x86: {  	v30 =	vld [tilespmem:s26+$0xC70]  }
0x87: {  	v31 =	vld [tilespmem:s26+$0x3C70]  }
0x88: {  	v32 =	vld [tilespmem:s26+$0x800]  }
0x89: {  	v33 =	vld [tilespmem:s26+$0x3800]  }
0x8a: {  	v34 =	vld [tilespmem:s26+$0x810]  }
0x8b: {  	v35 =	vld [tilespmem:s26+$0x3810]  }
0x8c: {  	v36 =	vld [tilespmem:s26+$0x820]  }
0x8d: {  	v37 =	vld [tilespmem:s26+$0x3820]  }
0x8e: {  	v38 =	vld [tilespmem:s26+$0x830]  }
0x8f: {  	v39 =	vld [tilespmem:s26+$0x3830]  }
0x90: {  	v40 =	vld [tilespmem:s26+$0x840]  }
0x91: {  	v41 =	vld [tilespmem:s26+$0x3840]  }
0x92: {  	v42 =	vld [tilespmem:s26+$0x850]  }
0x93: {  	v43 =	vld [tilespmem:s26+$0x3850]  }
0x94: {  	v44 =	vld [tilespmem:s26+$0x860]  }
0x95: {  	v45 =	vld [tilespmem:s26+$0x3860]  }
0x96: {  	v46 =	vld [tilespmem:s26+$0x870]  }
0x97: {  	v47 =	vld [tilespmem:s26+$0x3870]  }
0x98: {  	v48 =	vld [tilespmem:s26+$0x400]  }
0x99: {  	v49 =	vld [tilespmem:s26+$0x3400]  }
0x9a: {  	v50 =	vld [tilespmem:s26+$0x410]  }
0x9b: {  	v9 =	vsub.f32 v22, v9;
	v51 =	vld [tilespmem:s26+$0x3410]  }
0x9c: {  	v22 =	vsub.f32 v23, v26;
	v16 =	vsub.f32 v17, v16;
	v52 =	vld [tilespmem:s26+$0x420]  }
0x9d: {  	v10 =	vsub.f32 v14, v10;
	v14 =	vsub.f32 v15, v24;
	v17 =	vld [tilespmem:s26+$0x3420]  }
0x9e: {  	v25 =	vsub.f32 v25, v27;
	v26 =	vsub.f32 v28, v29;
	v24 =	vld [tilespmem:s26+$0x430]  }
0x9f: {  	v29 =	vsub.f32 v30, v31;
	v28 =	vsub.f32 v32, v33;
	v27 =	vld [tilespmem:s26+$0x3430]  }
0xa0: {  	v31 =	vsub.f32 v34, v35;
	v32 =	vsub.f32 v36, v37;
	v30 =	vld [tilespmem:s26+$0x440]  }
0xa1: {  	v34 =	vsub.f32 v38, v39;
	v35 =	vsub.f32 v40, v41;
	v33 =	vld [tilespmem:s26+$0x3440]  }
0xa2: {  	v38 =	vmul.f32 v9, v9;
	v39 =	vmul.f32 v22, v22;
	v37 =	vsub.f32 v42, v43;
	v36 =	vld [tilespmem:s26+$0x450]  }
0xa3: {  	v23 =	vmul.f32 v16, v16;
	v22 =	vmul.f32 v10, v10;
	v41 =	vsub.f32 v44, v45;
	v40 =	vld [tilespmem:s26+$0x3450]  }
0xa4: {  	v15 =	vmul.f32 v14, v14;
	v9 =	vmul.f32 v25, v25;
	v16 =	vsub.f32 v46, v47;
	v42 =	vld [tilespmem:s26+$0x460]  }
0xa5: {  	v14 =	vmul.f32 v26, v26;
	v10 =	vmul.f32 v29, v29;
	v43 =	vsub.f32 v48, v49;
	v44 =	vld [tilespmem:s26+$0x3460]  }
0xa6: {  	v31 =	vmul.f32 v31, v31;
	v46 =	vmul.f32 v28, v28;
	v26 =	vsub.f32 v50, v51;
	v45 =	vld [tilespmem:s26+$0x470]  }
0xa7: {  	v48 =	vmul.f32 v32, v32;
	v49 =	vmul.f32 v34, v34;
	v28 =	vsub.f32 v52, v17;
	v47 =	vld [tilespmem:s26+$0x3470]  }
0xa8: {  	v25 =	vmul.f32 v35, v35;
	v27 =	vsub.f32 v24, v27;
	v24 =	vmul.f32 v37, v37;
	v32 =	vld [tilespmem:s26+$0x1C00]  }
0xa9: {  	v16 =	vmul.f32 v16, v16;
	v17 =	vmul.f32 v41, v41;
	v29 =	vsub.f32 v30, v33;
	v34 =	vld [tilespmem:s26+$0x1C10]  }
0xaa: {  	v30 =	vmul.f32 v43, v43;
	v33 =	vmul.f32 v26, v26;
	v26 =	vsub.f32 v36, v40;
	v35 =	vld [tilespmem:s26+$0x2000]  }
0xab: {  	v37 =	vmul.f32 v27, v27;
	v36 =	vmul.f32 v28, v28;
	v27 =	vsub.f32 v42, v44;
	v40 =	vld [tilespmem:s26+$0x2010]  }
0xac: {  	v29 =	vmul.f32 v29, v29;
	v28 =	vmul.f32 v26, v26;
	v41 =	vsub.f32 v45, v47;
	v42 =	vld [tilespmem:s26+$0x2400]  }
0xad: {  	v26 =	vmul.f32 v27, v27;
	v30 =	vmul.f32 v30, v32;
	v43 =	vld [tilespmem:s26+$0x2410]  }
0xae: {  	v33 =	vmul.f32 v33, v34;
	v44 =	vld [tilespmem:s26+$0x1C20];
	v27 =	vmul.f32 v41, v41  }
0xaf: {  	v1 =	vadd.f32 v32, v1;
	v0 =	vadd.f32 v30, v0;
	v41 =	vld [tilespmem:s26+$0x1C30];
	v30 =	vmul.f32 v46, v35  }
0xb0: {  	v3 =	vadd.f32 v34, v3;
	v2 =	vadd.f32 v33, v2;
	v32 =	vmul.f32 v31, v40;
	v31 =	vld [tilespmem:s26+$0x2020]  }
0xb1: {  	v1 =	vadd.f32 v35, v1;
	v0 =	vadd.f32 v30, v0;
	v30 =	vld [tilespmem:s26+$0x2030];
	v33 =	vmul.f32 v38, v42  }
.Ltmp0:
0xb2: {  	v3 =	vadd.f32 v40, v3;
	v2 =	vadd.f32 v32, v2;
	v34 =	vmul.f32 v39, v43;
	v35 =	vld [tilespmem:s26+$0x2420];
	(pc) =	sbr.rel @p0 .LBB2_2-.Ltmp0, $4  }
0xb3: {  	v1 =	vadd.f32 v42, v1;
	v36 =	vmul.f32 v36, v44;
	v0 =	vadd.f32 v33, v0;
	v32 =	vld [tilespmem:s26+$0x2430]  }
0xb4: {  	v3 =	vadd.f32 v43, v3;
	v38 =	vmul.f32 v37, v41;
	v33 =	vld [tilespmem:s26+$0x1C40];
	v2 =	vadd.f32 v34, v2  }
0xb5: {  	v19 =	vadd.f32 v44, v19;
	v37 =	vadd.f32 v36, v18;
	v34 =	vld [tilespmem:s26+$0x1C50];
	v39 =	vmul.f32 v48, v31  }
0xb6: {  	s28 =	sadd.s32 $0x200, s28;
	v38 =	vadd.f32 v38, v20;
	v20 =	vadd.f32 v41, v21;
	v21 =	vmul.f32 v49, v30;
	v36 =	vld [tilespmem:s26+$0x2040]  }
0xb7: {  	v40 =	vld [tilespmem:s26+$0x2050]  }
0xb8: {  	v41 =	vld [tilespmem:s26+$0x2440]  }
0xb9: {  	v42 =	vld [tilespmem:s26+$0x2450]  }
0xba: {  	v43 =	vld [tilespmem:s26+$0x1C60]  }
0xbb: {  	v44 =	vld [tilespmem:s26+$0x1C70]  }
0xbc: {  	v45 =	vld [tilespmem:s26+$0x2060]  }
0xbd: {  	v18 =	vld [tilespmem:s26+$0x2470]  }
0xbe: {  	v46 =	vld [tilespmem:s26+$0x2070];
	s31 =	simm.s32 $0x0  }
0xbf: {  	v47 =	vld [tilespmem:s26+$0x2460];
	[tilespmem:s31], [sflag:$0x1] =	stream.linear.gather [hbm4b:s9+s31], $0xC00, $0x38  }
0xc0: {  	_ = 	snop  }
0xc1: {  	[tilespmem:s15], [sflag:$0x1] =	stream.linear.gather [hbm4b:s10+s31], $0xC00, $0x38;
	[tilespmem:$0x4900] =	vst v63  }
0xc2: {  	[tilespmem:$0x1FFF0] =	vst v18  }
0xc3: {  	[tilespmem:s16], [sflag:$0x1] =	stream.linear.gather [hbm4b:s11+s31], $0xC00, $0x38;
	[tilespmem:$0x4900] =	vst v63  }
0xc4: {  	_ =	swait.ge [sflag:s21], $0xC00  }
0xc5: {  	[sflag:s21] =	ssyncset.done $0x0  }
0xc6: {  	[sflag:s21] =	ssyncadd.s32 $0xFFFFF400  }
0xc7: {  	_ =	swait.ge [sflag:s21], $0xC00  }
0xc8: {  	[sflag:s21] =	ssyncset.done $0x0  }
0xc9: {  	[sflag:s21] =	ssyncadd.s32 $0xFFFFF400  }
0xca: {  	_ =	swait.ge [sflag:s21], $0xC00  }
0xcb: {  	[sflag:s21] =	ssyncset.done $0x0  }
0xcc: {  	s26 =	simm.s32 $0x0;
	[sflag:s21] =	ssyncadd.s32 $0xFFFFF400  }
0xcd: {  	v18 =	vld [tilespmem:s26+$0x1400]  }
0xce: {  	v51 =	vld [tilespmem:s26+$0x4410]  }
0xcf: {  	v52 =	vld [tilespmem:s26+$0x1420]  }
0xd0: {  	v53 =	vld [tilespmem:s26+$0x4420]  }
0xd1: {  	v54 =	vld [tilespmem:s26+$0x1430]  }
0xd2: {  	v55 =	vld [tilespmem:s26+$0x4430]  }
0xd3: {  	v56 =	vld [tilespmem:s26+$0x1440]  }
0xd4: {  	v57 =	vld [tilespmem:s26+$0x4440]  }
0xd5: {  	v58 =	vld [tilespmem:s26+$0x1450]  }
0xd6: {  	v59 =	vld [tilespmem:s26+$0x4450]  }
0xd7: {  	v60 =	vld [tilespmem:s26+$0x1460]  }
0xd8: {  	v61 =	vld [tilespmem:s26+$0x4460]  }
0xd9: {  	v62 =	vld [tilespmem:s26+$0x1470]  }
0xda: {  	v63 =	vld [tilespmem:s26+$0x4470]  }
0xdb: {  	v48 =	vld [tilespmem:s26+$0x1000]  }
0xdc: {  	v50 =	vld [tilespmem:s26+$0x1010]  }
0xdd: {  	v49 =	vld [tilespmem:s26+$0x4010]  }
0xde: {  	v37 =	vadd.f32 v39, v37;
	v23 =	vmul.f32 v23, v35;
	v39 =	vld [tilespmem:s26+$0x1020]  }
0xdf: {  	v31 =	vadd.f32 v31, v19;
	v38 =	vadd.f32 v21, v38;
	v22 =	vmul.f32 v22, v32;
	v19 =	vld [tilespmem:s26+$0x4020]  }
0xe0: {  	v37 =	vadd.f32 v23, v37;
	v23 =	vmul.f32 v29, v33;
	v29 =	vld [tilespmem:s26+$0x1030]  }
0xe1: {  	v30 =	vadd.f32 v30, v20;
	v20 =	vadd.f32 v22, v38;
	v22 =	vmul.f32 v28, v34;
	v28 =	vld [tilespmem:s26+$0x4030]  }
0xe2: {  	v4 =	vadd.f32 v23, v4;
	v23 =	vmul.f32 v25, v36;
	v25 =	vld [tilespmem:s26+$0x1040]  }
0xe3: {  	v8 =	vadd.f32 v22, v8;
	v22 =	vmul.f32 v24, v40;
	v24 =	vld [tilespmem:s26+$0x4040]  }
0xe4: {  	v7 =	vadd.f32 v34, v7;
	v15 =	vmul.f32 v15, v41;
	v4 =	vadd.f32 v23, v4;
	v23 =	vld [tilespmem:s26+$0x1050]  }
0xe5: {  	v21 =	vadd.f32 v35, v31;
	v8 =	vadd.f32 v22, v8;
	v22 =	vld [tilespmem:s26+$0x4050]  }
0xe6: {  	v31 =	vadd.f32 v40, v7;
	v26 =	vmul.f32 v26, v43;
	v7 =	vadd.f32 v15, v4;
	v15 =	vld [tilespmem:s26+$0x1060]  }
0xe7: {  	v4 =	vmul.f32 v27, v44;
	v27 =	vld [tilespmem:s26+$0x4060]  }
0xe8: {  	v17 =	vmul.f32 v17, v45;
	v12 =	vadd.f32 v26, v12;
	v26 =	vld [tilespmem:s26+$0x1070]  }
0xe9: {  	v9 =	vmul.f32 v9, v42;
	v4 =	vadd.f32 v4, v11;
	v11 =	vmul.f32 v16, v46;
	v16 =	vld [tilespmem:s26+$0x4070]  }
0xea: {  	v12 =	vadd.f32 v17, v12;
	v17 =	vld [tilespmem:s26+$0xC00]  }
0xeb: {  	v9 =	vadd.f32 v9, v8;
	v8 =	vadd.f32 v42, v31;
	v31 =	vld [tilespmem:s26+$0x3C00]  }
0xec: {  	v6 =	vadd.f32 v33, v6;
	v33 =	vld [tilespmem:s26+$0xC10]  }
0xed: {  	v34 =	vld [tilespmem:s26+$0x3C10]  }
0xee: {  	v6 =	vadd.f32 v36, v6;
	v35 =	vld [tilespmem:s26+$0xC20]  }
0xef: {  	v38 =	vld [tilespmem:s26+$0x3C20]  }
0xf0: {  	v6 =	vadd.f32 v41, v6;
	v41 =	vld [tilespmem:s26+$0xC30]  }
0xf1: {  	v13 =	vadd.f32 v43, v13;
	v5 =	vadd.f32 v44, v5;
	v44 =	vld [tilespmem:s26+$0x3C30]  }
0xf2: {  	v30 =	vadd.f32 v32, v30;
	v14 =	vmul.f32 v14, v47;
	[tilespmem:$0x1FFC0] =	vst v18;
	v18 =	vld [tilespmem:s26+$0x4400]  }
0xf3: {  	v13 =	vadd.f32 v45, v13;
	v32 =	vadd.f32 v46, v5;
	v46 =	vld [tilespmem:s26+$0xC40]  }
0xf4: {  	v5 =	vadd.f32 v14, v12;
	v14 =	vsub.f32 v52, v53;
	v52 =	vld [tilespmem:$0x1FFF0]  }
0xf5: {  	v40 =	vsub.f32 v56, v57;
	v56 =	vld [tilespmem:s26+$0x3C40]  }
0xf6: {  	v11 =	vadd.f32 v11, v4;
	v4 =	vadd.f32 v47, v13;
	v12 =	vld [tilespmem:$0x1FFC0]  }
0xf7: {  	v36 =	vsub.f32 v54, v55;
	v42 =	vsub.f32 v58, v59;
	[tilespmem:$0x1FFD0] =	vst v18;
	v18 =	vld [tilespmem:s26+$0x1410]  }
0xf8: {  	v61 =	vsub.f32 v60, v61;
	v19 =	vsub.f32 v39, v19;
	v13 =	vld [tilespmem:$0x1FFD0]  }
0xf9: {  	v28 =	vsub.f32 v29, v28;
	v24 =	vsub.f32 v25, v24;
	v29 =	vld [tilespmem:s26+$0xC50]  }
0xfa: {  	v57 =	vsub.f32 v23, v22;
	v58 =	vld [tilespmem:s26+$0x3C50];
	v27 =	vsub.f32 v15, v27  }
0xfb: {  	v59 =	vld [tilespmem:s26+$0xC60];
	v16 =	vsub.f32 v26, v16;
	v26 =	vsub.f32 v17, v31;
	v23 =	vmul.f32 v14, v14  }
0xfc: {  	v31 =	vld [tilespmem:s26+$0x3C60];
	v33 =	vsub.f32 v33, v34;
	v22 =	vmul.f32 v36, v36;
	v15 =	vmul.f32 v40, v40;
	[tilespmem:$0x1FFE0] =	vst v18  }
0xfd: {  	v14 =	vmul.f32 v42, v42;
	v19 =	vmul.f32 v19, v19;
	v12 =	vsub.f32 v12, v13;
	v13 =	vld [tilespmem:$0x1FFE0]  }
0xfe: {  	v60 =	vld [tilespmem:s26+$0xC70];
	v35 =	vsub.f32 v35, v38;
	v42 =	vmul.f32 v28, v28;
	v25 =	vmul.f32 v24, v24  }
0xff: {  	v28 =	vsub.f32 v41, v44;
	v24 =	vmul.f32 v57, v57;
	v17 =	vmul.f32 v27, v27;
	v18 =	vld [tilespmem:s26+$0x4000]  }
0x100: {  	v62 =	vsub.f32 v62, v63;
	v53 =	vld [tilespmem:s26+$0x2800];
	v26 =	vmul.f32 v26, v26;
	v33 =	vmul.f32 v33, v33  }
0x101: {  	v63 =	vsub.f32 v50, v49;
	v35 =	vmul.f32 v35, v35;
	v36 =	vld [tilespmem:s26+$0x2820];
	v54 =	vmul.f32 v28, v28  }
0x102: {  	v10 =	vmul.f32 v10, v52;
	v31 =	vsub.f32 v59, v31;
	v59 =	vld [tilespmem:s26+$0x2420];
	v13 =	vsub.f32 v13, v51  }
0x103: {  	v39 =	vsub.f32 v46, v56;
	v49 =	vmul.f32 v12, v12;
	v12 =	vmul.f32 v62, v62;
	v62 =	vld [tilespmem:s26+$0x3C70]  }
0x104: {  	v27 =	vsub.f32 v29, v58;
	v18 =	vsub.f32 v48, v18;
	v48 =	vld [tilespmem:s26+$0x2410];
	v50 =	vmul.f32 v13, v13  }
0x105: {  	v13 =	vmul.f32 v61, v61;
	v61 =	vmul.f32 v63, v63;
	v63 =	vld [tilespmem:s26+$0x2400]  }
0x106: {  	v55 =	vld [tilespmem:s26+$0x2810];
	v29 =	vmul.f32 v39, v39;
	v28 =	vmul.f32 v27, v27  }
0x107: {  	v56 =	vld [tilespmem:s26+$0x2C00];
	v10 =	vadd.f32 v10, v11;
	v27 =	vmul.f32 v31, v31;
	v11 =	vadd.f32 v52, v32  }
0x108: {  	v35 =	vmul.f32 v35, v59;
	v18 =	vmul.f32 v18, v18;
	v34 =	vsub.f32 v60, v62;
	v60 =	vld [tilespmem:s26+$0x2430]  }
0x109: {  	v58 =	vld [tilespmem:s26+$0x2C10];
	v39 =	vmul.f32 v19, v36;
	v31 =	vmul.f32 v33, v48;
	v3 =	vadd.f32 v48, v3  }
0x10a: {  	v38 =	vadd.f32 v35, v37;
	v18 =	vmul.f32 v18, v53;
	v57 =	vmul.f32 v26, v63  }
0x10b: {  	v61 =	vmul.f32 v61, v55;
	v2 =	vadd.f32 v31, v2;
	v3 =	vadd.f32 v55, v3  }
0x10c: {  	v31 =	vld [tilespmem:s26+$0x2830];
	v26 =	vmul.f32 v34, v34;
	v1 =	vadd.f32 v63, v1;
	v0 =	vadd.f32 v57, v0  }
0x10d: {  	v32 =	vld [tilespmem:s26+$0x2C20];
	v63 =	vmul.f32 v54, v60;
	v19 =	vadd.f32 v60, v30;
	v2 =	vadd.f32 v61, v2  }
0x10e: {  	v34 =	vld [tilespmem:s26+$0x2C30];
	v3 =	vadd.f32 v58, v3;
	v0 =	vadd.f32 v18, v0;
	v18 =	vmul.f32 v49, v56  }
0x10f: {  	v62 =	vmul.f32 v50, v58;
	v33 =	vld [tilespmem:s26+$0x2440];
	v1 =	vadd.f32 v53, v1;
	v20 =	vadd.f32 v63, v20  }
0x110: {  	v16 =	vmul.f32 v16, v16;
	v35 =	vld [tilespmem:s26+$0x2450];
	v0 =	vadd.f32 v18, v0;
	v18 =	vadd.f32 v59, v21  }
0x111: {  	s28 =	simm.s32 $0x200;
	v37 =	vld [tilespmem:s26+$0x2840];
	v2 =	vadd.f32 v62, v2;
	v1 =	vadd.f32 v56, v1;
	v21 =	vmul.f32 v42, v31  }
.LBB2_4:
0x112: {  	p0 =	sne.s32 s28, $0xE00;
	v30 =	vadd.f32 v39, v38;
	v36 =	vadd.f32 v36, v18;
	v38 =	vld [tilespmem:s26+$0x2850];
	v18 =	vmul.f32 v23, v32  }
0x113: {  	v20 =	vadd.f32 v21, v20;
	v21 =	vadd.f32 v31, v19;
	v22 =	vmul.f32 v22, v34;
	v23 =	vld [tilespmem:s26+$0x2C40]  }
0x114: {  	v29 =	vmul.f32 v29, v33;
	v18 =	vadd.f32 v18, v30;
	v19 =	vadd.f32 v32, v36;
	v30 =	vld [tilespmem:s26+$0x2C50]  }
0x115: {  	v28 =	vmul.f32 v28, v35;
	v31 =	vld [tilespmem:s26+$0x2460];
	v20 =	vadd.f32 v22, v20;
	v21 =	vadd.f32 v34, v21  }
0x116: {  	v6 =	vadd.f32 v33, v6;
	v7 =	vadd.f32 v29, v7;
	v22 =	vld [tilespmem:s26+$0x2470];
	v25 =	vmul.f32 v25, v37  }
0x117: {  	v8 =	vadd.f32 v35, v8;
	v9 =	vadd.f32 v28, v9;
	v24 =	vmul.f32 v24, v38;
	v28 =	vld [tilespmem:s26+$0x2860]  }
0x118: {  	v6 =	vadd.f32 v37, v6;
	v7 =	vadd.f32 v25, v7;
	v25 =	vld [tilespmem:s26+$0x2870];
	v15 =	vmul.f32 v15, v23  }
0x119: {  	v8 =	vadd.f32 v38, v8;
	v9 =	vadd.f32 v24, v9;
	v14 =	vmul.f32 v14, v30;
	v24 =	vld [tilespmem:s26+$0x2C60]  }
0x11a: {  	v6 =	vadd.f32 v23, v6;
	v27 =	vmul.f32 v27, v31;
	v7 =	vadd.f32 v15, v7;
	v15 =	vld [tilespmem:s26+$0x2C70];
	s26 =	sshra.s32 s28, $0x2  }
0x11b: {  	v8 =	vadd.f32 v30, v8;
	v23 =	vld [tilespmem:s26+$0x1400];
	v26 =	vmul.f32 v26, v22;
	v9 =	vadd.f32 v14, v9  }
0x11c: {  	v4 =	vadd.f32 v31, v4;
	v14 =	vld [tilespmem:s26+$0x4400];
	v5 =	vadd.f32 v27, v5;
	v17 =	vmul.f32 v17, v28  }
0x11d: {  	v11 =	vadd.f32 v22, v11;
	v27 =	vld [tilespmem:s26+$0x1410];
	v10 =	vadd.f32 v26, v10;
	v16 =	vmul.f32 v16, v25  }
0x11e: {  	v4 =	vadd.f32 v28, v4;
	v22 =	vld [tilespmem:s26+$0x4410];
	v5 =	vadd.f32 v17, v5;
	v13 =	vmul.f32 v13, v24  }
0x11f: {  	v11 =	vadd.f32 v25, v11;
	v17 =	vld [tilespmem:s26+$0x1420];
	v10 =	vadd.f32 v16, v10;
	v12 =	vmul.f32 v12, v15  }
0x120: {  	v4 =	vadd.f32 v24, v4;
	v16 =	vld [tilespmem:s26+$0x4420];
	v5 =	vadd.f32 v13, v5  }
0x121: {  	v11 =	vadd.f32 v15, v11;
	v13 =	vld [tilespmem:s26+$0x1430];
	v10 =	vadd.f32 v12, v10  }
0x122: {  	v12 =	vld [tilespmem:s26+$0x4430]  }
0x123: {  	v15 =	vld [tilespmem:s26+$0x1440]  }
0x124: {  	v24 =	vld [tilespmem:s26+$0x4440]  }
0x125: {  	v25 =	vld [tilespmem:s26+$0x1450]  }
0x126: {  	v26 =	vld [tilespmem:s26+$0x4450]  }
0x127: {  	v28 =	vld [tilespmem:s26+$0x1460]  }
0x128: {  	v29 =	vld [tilespmem:s26+$0x4460]  }
0x129: {  	v30 =	vld [tilespmem:s26+$0x1470]  }
0x12a: {  	v31 =	vld [tilespmem:s26+$0x4470]  }
0x12b: {  	v32 =	vld [tilespmem:s26+$0x1000]  }
0x12c: {  	v33 =	vld [tilespmem:s26+$0x4000]  }
0x12d: {  	v34 =	vld [tilespmem:s26+$0x1010]  }
0x12e: {  	v35 =	vld [tilespmem:s26+$0x4010]  }
0x12f: {  	v36 =	vld [tilespmem:s26+$0x1020]  }
0x130: {  	v37 =	vld [tilespmem:s26+$0x4020]  }
0x131: {  	v38 =	vld [tilespmem:s26+$0x1030]  }
0x132: {  	v39 =	vld [tilespmem:s26+$0x4030]  }
0x133: {  	v40 =	vld [tilespmem:s26+$0x1040]  }
0x134: {  	v41 =	vld [tilespmem:s26+$0x4040]  }
0x135: {  	v42 =	vld [tilespmem:s26+$0x1050]  }
0x136: {  	v43 =	vld [tilespmem:s26+$0x4050]  }
0x137: {  	v44 =	vld [tilespmem:s26+$0x1060]  }
0x138: {  	v45 =	vld [tilespmem:s26+$0x4060]  }
0x139: {  	v46 =	vld [tilespmem:s26+$0x1070]  }
0x13a: {  	v47 =	vld [tilespmem:s26+$0x4070]  }
0x13b: {  	v48 =	vld [tilespmem:s26+$0xC00]  }
0x13c: {  	v49 =	vld [tilespmem:s26+$0x3C00]  }
0x13d: {  	v50 =	vld [tilespmem:s26+$0xC10]  }
0x13e: {  	v14 =	vsub.f32 v23, v14;
	v51 =	vld [tilespmem:s26+$0x3C10]  }
0x13f: {  	v22 =	vsub.f32 v27, v22;
	v16 =	vsub.f32 v17, v16;
	v52 =	vld [tilespmem:s26+$0xC20]  }
0x140: {  	v12 =	vsub.f32 v13, v12;
	v13 =	vsub.f32 v15, v24;
	v17 =	vld [tilespmem:s26+$0x3C20]  }
0x141: {  	v25 =	vsub.f32 v25, v26;
	v26 =	vsub.f32 v28, v29;
	v24 =	vld [tilespmem:s26+$0xC30]  }
0x142: {  	v29 =	vsub.f32 v30, v31;
	v28 =	vsub.f32 v32, v33;
	v27 =	vld [tilespmem:s26+$0x3C30]  }
0x143: {  	v31 =	vsub.f32 v34, v35;
	v32 =	vsub.f32 v36, v37;
	v30 =	vld [tilespmem:s26+$0xC40]  }
0x144: {  	v34 =	vsub.f32 v38, v39;
	v35 =	vsub.f32 v40, v41;
	v33 =	vld [tilespmem:s26+$0x3C40]  }
0x145: {  	v38 =	vmul.f32 v14, v14;
	v39 =	vmul.f32 v22, v22;
	v37 =	vsub.f32 v42, v43;
	v36 =	vld [tilespmem:s26+$0xC50]  }
0x146: {  	v23 =	vmul.f32 v16, v16;
	v22 =	vmul.f32 v12, v12;
	v41 =	vsub.f32 v44, v45;
	v40 =	vld [tilespmem:s26+$0x3C50]  }
0x147: {  	v15 =	vmul.f32 v13, v13;
	v14 =	vmul.f32 v25, v25;
	v16 =	vsub.f32 v46, v47;
	v42 =	vld [tilespmem:s26+$0xC60]  }
0x148: {  	v13 =	vmul.f32 v26, v26;
	v12 =	vmul.f32 v29, v29;
	v43 =	vsub.f32 v48, v49;
	v44 =	vld [tilespmem:s26+$0x3C60]  }
0x149: {  	v31 =	vmul.f32 v31, v31;
	v46 =	vmul.f32 v28, v28;
	v26 =	vsub.f32 v50, v51;
	v45 =	vld [tilespmem:s26+$0xC70]  }
0x14a: {  	v48 =	vmul.f32 v32, v32;
	v49 =	vmul.f32 v34, v34;
	v28 =	vsub.f32 v52, v17;
	v47 =	vld [tilespmem:s26+$0x3C70]  }
0x14b: {  	v25 =	vmul.f32 v35, v35;
	v27 =	vsub.f32 v24, v27;
	v24 =	vmul.f32 v37, v37;
	v32 =	vld [tilespmem:s26+$0x2400]  }
0x14c: {  	v16 =	vmul.f32 v16, v16;
	v17 =	vmul.f32 v41, v41;
	v29 =	vsub.f32 v30, v33;
	v34 =	vld [tilespmem:s26+$0x2410]  }
0x14d: {  	v26 =	vmul.f32 v26, v26;
	v30 =	vmul.f32 v43, v43;
	v33 =	vsub.f32 v36, v40;
	v35 =	vld [tilespmem:s26+$0x2800]  }
0x14e: {  	v37 =	vmul.f32 v28, v28;
	v40 =	vmul.f32 v27, v27;
	v27 =	vsub.f32 v42, v44;
	v41 =	vld [tilespmem:s26+$0x2810]  }
0x14f: {  	v29 =	vmul.f32 v29, v29;
	v28 =	vmul.f32 v33, v33;
	v33 =	vsub.f32 v45, v47;
	v42 =	vld [tilespmem:s26+$0x2C00]  }
0x150: {  	v27 =	vmul.f32 v27, v27;
	v30 =	vmul.f32 v30, v32;
	v43 =	vld [tilespmem:s26+$0x2C10]  }
0x151: {  	v36 =	vmul.f32 v26, v34;
	v44 =	vld [tilespmem:s26+$0x2420];
	v26 =	vmul.f32 v33, v33  }
0x152: {  	v1 =	vadd.f32 v32, v1;
	v0 =	vadd.f32 v30, v0;
	v30 =	vld [tilespmem:s26+$0x2430];
	v32 =	vmul.f32 v46, v35  }
0x153: {  	v3 =	vadd.f32 v34, v3;
	v2 =	vadd.f32 v36, v2;
	v33 =	vmul.f32 v31, v41;
	v36 =	vld [tilespmem:s26+$0x2820]  }
0x154: {  	v1 =	vadd.f32 v35, v1;
	v0 =	vadd.f32 v32, v0;
	v31 =	vld [tilespmem:s26+$0x2830];
	v34 =	vmul.f32 v38, v42  }
.Ltmp1:
0x155: {  	v3 =	vadd.f32 v41, v3;
	v2 =	vadd.f32 v33, v2;
	v35 =	vmul.f32 v39, v43;
	v32 =	vld [tilespmem:s26+$0x2C20];
	(pc) =	sbr.rel @p0 .LBB2_4-.Ltmp1, $4  }
0x156: {  	v1 =	vadd.f32 v42, v1;
	v37 =	vmul.f32 v37, v44;
	v0 =	vadd.f32 v34, v0;
	v34 =	vld [tilespmem:s26+$0x2C30]  }
0x157: {  	v3 =	vadd.f32 v43, v3;
	v40 =	vmul.f32 v40, v30;
	v33 =	vld [tilespmem:s26+$0x2440];
	v2 =	vadd.f32 v35, v2  }
0x158: {  	v38 =	vadd.f32 v37, v18;
	v18 =	vadd.f32 v44, v19;
	v35 =	vld [tilespmem:s26+$0x2450];
	v39 =	vmul.f32 v48, v36  }
0x159: {  	s28 =	sadd.s32 $0x200, s28;
	v19 =	vadd.f32 v30, v21;
	v20 =	vadd.f32 v40, v20;
	v21 =	vmul.f32 v49, v31;
	v37 =	vld [tilespmem:s26+$0x2840]  }
0x15a: {  	v40 =	vld [tilespmem:s26+$0x2850]  }
0x15b: {  	v41 =	vld [tilespmem:s26+$0x2C40]  }
0x15c: {  	v30 =	vld [tilespmem:s26+$0x2C70]  }
0x15d: {  	v42 =	vld [tilespmem:s26+$0x2C50]  }
0x15e: {  	v43 =	vld [tilespmem:s26+$0x2460]  }
0x15f: {  	v44 =	vld [tilespmem:s26+$0x2470]  }
0x160: {  	v45 =	vld [tilespmem:s26+$0x2860]  }
0x161: {  	v46 =	vld [tilespmem:s26+$0x2870];
	[tilespmem:$0x1FFB0] =	vst v30  }
0x162: {  	v47 =	vld [tilespmem:s26+$0x2C60];
	_ =	swait.ge [sflag:s20], $0xC00  }
0x163: {  	[sflag:s20] =	ssyncset.done $0x0  }
0x164: {  	[sflag:s20] =	ssyncadd.s32 $0xFFFFF400  }
0x165: {  	_ =	swait.ge [sflag:s20], $0xC00  }
0x166: {  	[sflag:s20] =	ssyncset.done $0x0  }
0x167: {  	[sflag:s20] =	ssyncadd.s32 $0xFFFFF400  }
0x168: {  	_ =	swait.ge [sflag:s20], $0xC00  }
0x169: {  	[sflag:s20] =	ssyncset.done $0x0  }
0x16a: {  	s26 =	simm.s32 $0xFFFFFC00;
	[sflag:s20] =	ssyncadd.s32 $0xFFFFF400  }
0x16b: {  	v30 =	vld [tilespmem:s26+$0xC00]  }
0x16c: {  	v51 =	vld [tilespmem:s26+$0x3C10]  }
0x16d: {  	v52 =	vld [tilespmem:s26+$0xC20]  }
0x16e: {  	v53 =	vld [tilespmem:s26+$0x3C20]  }
0x16f: {  	v54 =	vld [tilespmem:s26+$0xC30]  }
0x170: {  	v55 =	vld [tilespmem:s26+$0x3C30]  }
0x171: {  	v56 =	vld [tilespmem:s26+$0xC40]  }
0x172: {  	v57 =	vld [tilespmem:s26+$0x3C40]  }
0x173: {  	v58 =	vld [tilespmem:s26+$0xC50]  }
0x174: {  	v59 =	vld [tilespmem:s26+$0x3C50]  }
0x175: {  	v60 =	vld [tilespmem:s26+$0xC60]  }
0x176: {  	v61 =	vld [tilespmem:s26+$0x3C60]  }
0x177: {  	v62 =	vld [tilespmem:s26+$0xC70]  }
0x178: {  	v63 =	vld [tilespmem:s26+$0x3C70]  }
0x179: {  	v48 =	vld [tilespmem:s26+$0x800]  }
0x17a: {  	v50 =	vld [tilespmem:s26+$0x810]  }
0x17b: {  	v49 =	vld [tilespmem:s26+$0x3810]  }
0x17c: {  	v38 =	vadd.f32 v39, v38;
	v23 =	vmul.f32 v23, v32;
	v39 =	vld [tilespmem:s26+$0x820]  }
0x17d: {  	v18 =	vadd.f32 v36, v18;
	v20 =	vadd.f32 v21, v20;
	v21 =	vmul.f32 v22, v34;
	v22 =	vld [tilespmem:s26+$0x3820]  }
0x17e: {  	v19 =	vadd.f32 v31, v19;
	v31 =	vadd.f32 v23, v38;
	v23 =	vmul.f32 v29, v33;
	v36 =	vld [tilespmem:s26+$0x830]  }
0x17f: {  	v32 =	vadd.f32 v32, v18;
	v29 =	vadd.f32 v21, v20;
	v18 =	vmul.f32 v28, v35;
	v20 =	vld [tilespmem:s26+$0x3830]  }
0x180: {  	v28 =	vadd.f32 v34, v19;
	v7 =	vadd.f32 v23, v7;
	v19 =	vmul.f32 v25, v37;
	v21 =	vld [tilespmem:s26+$0x840]  }
0x181: {  	v6 =	vadd.f32 v33, v6;
	v9 =	vadd.f32 v18, v9;
	v18 =	vmul.f32 v24, v40;
	v23 =	vld [tilespmem:s26+$0x3840]  }
0x182: {  	v8 =	vadd.f32 v35, v8;
	v15 =	vmul.f32 v15, v41;
	v7 =	vadd.f32 v19, v7;
	v19 =	vld [tilespmem:s26+$0x850]  }
0x183: {  	v24 =	vadd.f32 v37, v6;
	v14 =	vmul.f32 v14, v42;
	v9 =	vadd.f32 v18, v9;
	v18 =	vld [tilespmem:s26+$0x3850]  }
0x184: {  	v25 =	vadd.f32 v40, v8;
	v27 =	vmul.f32 v27, v43;
	v6 =	vadd.f32 v15, v7;
	v15 =	vld [tilespmem:s26+$0x860]  }
0x185: {  	v7 =	vadd.f32 v41, v24;
	v24 =	vmul.f32 v26, v44;
	v8 =	vadd.f32 v14, v9;
	v14 =	vld [tilespmem:s26+$0x3860]  }
0x186: {  	v17 =	vmul.f32 v17, v45;
	v5 =	vadd.f32 v27, v5;
	v9 =	vadd.f32 v42, v25;
	v25 =	vld [tilespmem:s26+$0x870]  }
0x187: {  	v16 =	vmul.f32 v16, v46;
	v10 =	vadd.f32 v24, v10;
	v24 =	vld [tilespmem:s26+$0x3870]  }
0x188: {  	v5 =	vadd.f32 v17, v5;
	v17 =	vld [tilespmem:s26+$0x400]  }
0x189: {  	v10 =	vadd.f32 v16, v10;
	v16 =	vld [tilespmem:s26+$0x3400]  }
0x18a: {  	v26 =	vld [tilespmem:s26+$0x410]  }
0x18b: {  	v35 =	vld [tilespmem:s26+$0x420]  }
0x18c: {  	v38 =	vld [tilespmem:s26+$0x3420]  }
0x18d: {  	v41 =	vld [tilespmem:s26+$0x430]  }
0x18e: {  	v11 =	vadd.f32 v44, v11;
	v44 =	vld [tilespmem:s26+$0x3430]  }
0x18f: {  	v4 =	vadd.f32 v43, v4;
	[tilespmem:$0x1FF80] =	vst v30;
	v30 =	vld [tilespmem:s26+$0x3C00]  }
0x190: {  	v11 =	vadd.f32 v46, v11;
	v46 =	vld [tilespmem:s26+$0x440]  }
0x191: {  	v13 =	vmul.f32 v13, v47;
	v4 =	vadd.f32 v45, v4;
	v34 =	vsub.f32 v52, v53;
	v53 =	vld [tilespmem:$0x1FFB0]  }
0x192: {  	v40 =	vsub.f32 v56, v57;
	v57 =	vsub.f32 v60, v61;
	v60 =	vld [tilespmem:s26+$0x3440]  }
0x193: {  	v5 =	vadd.f32 v13, v5;
	v13 =	vld [tilespmem:$0x1FF80]  }
0x194: {  	v4 =	vadd.f32 v47, v4;
	v37 =	vsub.f32 v54, v55;
	[tilespmem:$0x1FF90] =	vst v30;
	v30 =	vld [tilespmem:s26+$0xC10]  }
0x195: {  	v56 =	vsub.f32 v58, v59;
	v58 =	vsub.f32 v62, v63;
	v27 =	vld [tilespmem:$0x1FF90]  }
0x196: {  	v59 =	vsub.f32 v50, v49;
	v39 =	vsub.f32 v39, v22;
	v61 =	vld [tilespmem:s26+$0x450]  }
0x197: {  	v36 =	vsub.f32 v36, v20;
	v21 =	vsub.f32 v21, v23;
	v62 =	vld [tilespmem:s26+$0x3450]  }
0x198: {  	v19 =	vsub.f32 v19, v18;
	v14 =	vsub.f32 v15, v14;
	v15 =	vld [tilespmem:s26+$0x460]  }
0x199: {  	v63 =	vsub.f32 v25, v24;
	v23 =	vmul.f32 v34, v34;
	v22 =	vmul.f32 v37, v37;
	[tilespmem:$0x1FFA0] =	vst v30;
	v30 =	vld [tilespmem:s26+$0x3800]  }
0x19a: {  	v20 =	vmul.f32 v40, v40;
	v18 =	vmul.f32 v56, v56;
	v13 =	vsub.f32 v13, v27;
	v27 =	vld [tilespmem:s26+$0x3410]  }
0x19b: {  	v16 =	vsub.f32 v17, v16;
	v54 =	vmul.f32 v59, v59;
	v39 =	vmul.f32 v39, v39;
	v47 =	vld [tilespmem:$0x1FFA0]  }
0x19c: {  	v17 =	vld [tilespmem:s26+$0x3460];
	v35 =	vsub.f32 v35, v38;
	v56 =	vmul.f32 v36, v36;
	v25 =	vmul.f32 v21, v21  }
0x19d: {  	v55 =	vld [tilespmem:s26+$0x3470];
	v41 =	vsub.f32 v41, v44;
	v24 =	vmul.f32 v19, v19;
	v21 =	vmul.f32 v14, v14  }
0x19e: {  	v30 =	vsub.f32 v48, v30;
	v48 =	vmul.f32 v12, v53;
	v12 =	vmul.f32 v58, v58;
	v58 =	vld [tilespmem:s26+$0x1C10]  }
0x19f: {  	v19 =	vmul.f32 v63, v63;
	v14 =	vmul.f32 v16, v16;
	v26 =	vsub.f32 v26, v27;
	v27 =	vld [tilespmem:s26+$0x470]  }
0x1a0: {  	v33 =	vsub.f32 v47, v51;
	v51 =	vmul.f32 v13, v13;
	v13 =	vmul.f32 v57, v57;
	v57 =	vld [tilespmem:s26+$0x1C00]  }
0x1a1: {  	v35 =	vmul.f32 v35, v35;
	v41 =	vmul.f32 v41, v41;
	v15 =	vsub.f32 v15, v17;
	v17 =	vld [tilespmem:s26+$0x2010]  }
0x1a2: {  	v59 =	vsub.f32 v46, v60;
	v60 =	vld [tilespmem:s26+$0x2000];
	v16 =	vmul.f32 v26, v26;
	v26 =	vsub.f32 v61, v62  }
0x1a3: {  	v30 =	vmul.f32 v30, v30;
	v52 =	vmul.f32 v33, v33;
	v61 =	vld [tilespmem:s26+$0x2400]  }
0x1a4: {  	v11 =	vadd.f32 v53, v11;
	v62 =	vld [tilespmem:s26+$0x1C20];
	v33 =	vmul.f32 v26, v26;
	v16 =	vmul.f32 v16, v58  }
0x1a5: {  	v26 =	vsub.f32 v27, v55;
	v14 =	vmul.f32 v14, v57;
	v27 =	vmul.f32 v15, v15;
	v15 =	vld [tilespmem:s26+$0x2410]  }
0x1a6: {  	v63 =	vld [tilespmem:s26+$0x1C30];
	v10 =	vadd.f32 v48, v10;
	v2 =	vadd.f32 v16, v2;
	v16 =	vmul.f32 v54, v17  }
0x1a7: {  	v1 =	vadd.f32 v57, v1;
	v0 =	vadd.f32 v14, v0;
	v14 =	vmul.f32 v30, v60  }
0x1a8: {  	v38 =	vld [tilespmem:s26+$0x2020];
	v34 =	vmul.f32 v59, v59;
	v3 =	vadd.f32 v58, v3;
	v2 =	vadd.f32 v16, v2  }
0x1a9: {  	v37 =	vld [tilespmem:s26+$0x2030];
	v0 =	vadd.f32 v14, v0;
	v14 =	vadd.f32 v60, v1;
	v1 =	vmul.f32 v51, v61  }
0x1aa: {  	v36 =	vld [tilespmem:s26+$0x2420];
	v16 =	vadd.f32 v17, v3;
	v17 =	vmul.f32 v35, v62;
	v3 =	vmul.f32 v52, v15  }
0x1ab: {  	v41 =	vmul.f32 v41, v63;
	v30 =	vld [tilespmem:s26+$0x2430];
	v1 =	vadd.f32 v1, v0;
	v0 =	vadd.f32 v61, v14  }
0x1ac: {  	v26 =	vmul.f32 v26, v26;
	v35 =	vld [tilespmem:s26+$0x1C40];
	v14 =	vadd.f32 v17, v31;
	v3 =	vadd.f32 v3, v2  }
0x1ad: {  	v31 =	vld [tilespmem:s26+$0x1C50];
	v2 =	vadd.f32 v15, v16;
	v15 =	vadd.f32 v62, v32;
	v32 =	vmul.f32 v39, v38  }
0x1ae: {  	s28 =	simm.s32 $0xFFFFF200;
	v17 =	vadd.f32 v63, v28;
	v28 =	vld [tilespmem:s26+$0x2040];
	v16 =	vadd.f32 v41, v29;
	v29 =	vmul.f32 v56, v37  }
.LBB2_6:
0x1af: {  	p0 =	sne.s32 s28, $0xFFFFFE00;
	v14 =	vadd.f32 v32, v14;
	v15 =	vadd.f32 v38, v15;
	v32 =	vld [tilespmem:s26+$0x2050];
	v23 =	vmul.f32 v23, v36  }
0x1b0: {  	v16 =	vadd.f32 v29, v16;
	v17 =	vadd.f32 v37, v17;
	v22 =	vmul.f32 v22, v30;
	v29 =	vld [tilespmem:s26+$0x2440]  }
0x1b1: {  	v34 =	vmul.f32 v34, v35;
	v14 =	vadd.f32 v23, v14;
	v15 =	vadd.f32 v36, v15;
	v23 =	vld [tilespmem:s26+$0x2450]  }
0x1b2: {  	v33 =	vmul.f32 v33, v31;
	v36 =	vld [tilespmem:s26+$0x1C60];
	v16 =	vadd.f32 v22, v16;
	v17 =	vadd.f32 v30, v17  }
0x1b3: {  	v7 =	vadd.f32 v35, v7;
	v6 =	vadd.f32 v34, v6;
	v22 =	vld [tilespmem:s26+$0x1C70];
	v25 =	vmul.f32 v25, v28  }
0x1b4: {  	v9 =	vadd.f32 v31, v9;
	v8 =	vadd.f32 v33, v8;
	v24 =	vmul.f32 v24, v32;
	v30 =	vld [tilespmem:s26+$0x2060]  }
0x1b5: {  	v7 =	vadd.f32 v28, v7;
	v6 =	vadd.f32 v25, v6;
	v25 =	vld [tilespmem:s26+$0x2070];
	v20 =	vmul.f32 v20, v29  }
0x1b6: {  	v9 =	vadd.f32 v32, v9;
	v8 =	vadd.f32 v24, v8;
	v18 =	vmul.f32 v18, v23;
	v24 =	vld [tilespmem:s26+$0x2460]  }
0x1b7: {  	v7 =	vadd.f32 v29, v7;
	v27 =	vmul.f32 v27, v36;
	v6 =	vadd.f32 v20, v6;
	v20 =	vld [tilespmem:s26+$0x2470];
	s26 =	sshra.s32 s28, $0x2  }
0x1b8: {  	v9 =	vadd.f32 v23, v9;
	v28 =	vld [tilespmem:s26+$0xC00];
	v26 =	vmul.f32 v26, v22;
	v8 =	vadd.f32 v18, v8  }
0x1b9: {  	v4 =	vadd.f32 v36, v4;
	v18 =	vld [tilespmem:s26+$0x3C00];
	v5 =	vadd.f32 v27, v5;
	v21 =	vmul.f32 v21, v30  }
0x1ba: {  	v11 =	vadd.f32 v22, v11;
	v23 =	vld [tilespmem:s26+$0xC10];
	v10 =	vadd.f32 v26, v10;
	v19 =	vmul.f32 v19, v25  }
0x1bb: {  	v4 =	vadd.f32 v30, v4;
	v22 =	vld [tilespmem:s26+$0x3C10];
	v5 =	vadd.f32 v21, v5;
	v13 =	vmul.f32 v13, v24  }
0x1bc: {  	v11 =	vadd.f32 v25, v11;
	v21 =	vld [tilespmem:s26+$0xC20];
	v10 =	vadd.f32 v19, v10;
	v12 =	vmul.f32 v12, v20  }
0x1bd: {  	v4 =	vadd.f32 v24, v4;
	v19 =	vld [tilespmem:s26+$0x3C20];
	v5 =	vadd.f32 v13, v5  }
0x1be: {  	v11 =	vadd.f32 v20, v11;
	v13 =	vld [tilespmem:s26+$0xC30];
	v10 =	vadd.f32 v12, v10  }
0x1bf: {  	v12 =	vld [tilespmem:s26+$0x3C30]  }
0x1c0: {  	v20 =	vld [tilespmem:s26+$0xC40]  }
0x1c1: {  	v24 =	vld [tilespmem:s26+$0x3C40]  }
0x1c2: {  	v25 =	vld [tilespmem:s26+$0xC50]  }
0x1c3: {  	v26 =	vld [tilespmem:s26+$0x3C50]  }
0x1c4: {  	v27 =	vld [tilespmem:s26+$0xC60]  }
0x1c5: {  	v29 =	vld [tilespmem:s26+$0x3C60]  }
0x1c6: {  	v30 =	vld [tilespmem:s26+$0xC70]  }
0x1c7: {  	v31 =	vld [tilespmem:s26+$0x3C70]  }
0x1c8: {  	v32 =	vld [tilespmem:s26+$0x800]  }
0x1c9: {  	v33 =	vld [tilespmem:s26+$0x3800]  }
0x1ca: {  	v34 =	vld [tilespmem:s26+$0x810]  }
0x1cb: {  	v35 =	vld [tilespmem:s26+$0x3810]  }
0x1cc: {  	v36 =	vld [tilespmem:s26+$0x820]  }
0x1cd: {  	v37 =	vld [tilespmem:s26+$0x3820]  }
0x1ce: {  	v38 =	vld [tilespmem:s26+$0x830]  }
0x1cf: {  	v39 =	vld [tilespmem:s26+$0x3830]  }
0x1d0: {  	v40 =	vld [tilespmem:s26+$0x840]  }
0x1d1: {  	v41 =	vld [tilespmem:s26+$0x3840]  }
0x1d2: {  	v42 =	vld [tilespmem:s26+$0x850]  }
0x1d3: {  	v43 =	vld [tilespmem:s26+$0x3850]  }
0x1d4: {  	v44 =	vld [tilespmem:s26+$0x860]  }
0x1d5: {  	v45 =	vld [tilespmem:s26+$0x3860]  }
0x1d6: {  	v46 =	vld [tilespmem:s26+$0x870]  }
0x1d7: {  	v47 =	vld [tilespmem:s26+$0x3870]  }
0x1d8: {  	v48 =	vld [tilespmem:s26+$0x400]  }
0x1d9: {  	v49 =	vld [tilespmem:s26+$0x3400]  }
0x1da: {  	v50 =	vld [tilespmem:s26+$0x410]  }
0x1db: {  	v18 =	vsub.f32 v28, v18;
	v51 =	vld [tilespmem:s26+$0x3410]  }
0x1dc: {  	v22 =	vsub.f32 v23, v22;
	v19 =	vsub.f32 v21, v19;
	v28 =	vld [tilespmem:s26+$0x420]  }
0x1dd: {  	v12 =	vsub.f32 v13, v12;
	v13 =	vsub.f32 v20, v24;
	v21 =	vld [tilespmem:s26+$0x3420]  }
0x1de: {  	v25 =	vsub.f32 v25, v26;
	v26 =	vsub.f32 v27, v29;
	v24 =	vld [tilespmem:s26+$0x430]  }
0x1df: {  	v30 =	vsub.f32 v30, v31;
	v29 =	vsub.f32 v32, v33;
	v27 =	vld [tilespmem:s26+$0x3430]  }
0x1e0: {  	v32 =	vsub.f32 v34, v35;
	v33 =	vsub.f32 v36, v37;
	v31 =	vld [tilespmem:s26+$0x440]  }
0x1e1: {  	v35 =	vsub.f32 v38, v39;
	v36 =	vsub.f32 v40, v41;
	v34 =	vld [tilespmem:s26+$0x3440]  }
0x1e2: {  	v39 =	vmul.f32 v18, v18;
	v40 =	vmul.f32 v22, v22;
	v38 =	vsub.f32 v42, v43;
	v37 =	vld [tilespmem:s26+$0x450]  }
0x1e3: {  	v23 =	vmul.f32 v19, v19;
	v22 =	vmul.f32 v12, v12;
	v42 =	vsub.f32 v44, v45;
	v41 =	vld [tilespmem:s26+$0x3450]  }
0x1e4: {  	v20 =	vmul.f32 v13, v13;
	v18 =	vmul.f32 v25, v25;
	v19 =	vsub.f32 v46, v47;
	v43 =	vld [tilespmem:s26+$0x460]  }
0x1e5: {  	v13 =	vmul.f32 v26, v26;
	v12 =	vmul.f32 v30, v30;
	v44 =	vsub.f32 v48, v49;
	v45 =	vld [tilespmem:s26+$0x3460]  }
0x1e6: {  	v29 =	vmul.f32 v29, v29;
	v32 =	vmul.f32 v32, v32;
	v26 =	vsub.f32 v50, v51;
	v30 =	vld [tilespmem:s26+$0x470]  }
0x1e7: {  	v47 =	vmul.f32 v33, v33;
	v48 =	vmul.f32 v35, v35;
	v28 =	vsub.f32 v28, v21;
	v46 =	vld [tilespmem:s26+$0x3470]  }
0x1e8: {  	v25 =	vmul.f32 v36, v36;
	v27 =	vsub.f32 v24, v27;
	v24 =	vmul.f32 v38, v38;
	v35 =	vld [tilespmem:s26+$0x1C00]  }
0x1e9: {  	v19 =	vmul.f32 v19, v19;
	v21 =	vmul.f32 v42, v42;
	v31 =	vsub.f32 v31, v34;
	v36 =	vld [tilespmem:s26+$0x1C10]  }
0x1ea: {  	v26 =	vmul.f32 v26, v26;
	v38 =	vmul.f32 v44, v44;
	v33 =	vsub.f32 v37, v41;
	v37 =	vld [tilespmem:s26+$0x2000]  }
0x1eb: {  	v28 =	vmul.f32 v28, v28;
	v41 =	vmul.f32 v27, v27;
	v27 =	vsub.f32 v43, v45;
	v42 =	vld [tilespmem:s26+$0x2010]  }
0x1ec: {  	v34 =	vmul.f32 v31, v31;
	v33 =	vmul.f32 v33, v33;
	v30 =	vsub.f32 v30, v46;
	v31 =	vld [tilespmem:s26+$0x2400]  }
0x1ed: {  	v27 =	vmul.f32 v27, v27;
	v38 =	vmul.f32 v38, v35;
	v43 =	vld [tilespmem:s26+$0x2410]  }
0x1ee: {  	v44 =	vmul.f32 v26, v36;
	v45 =	vld [tilespmem:s26+$0x1C20];
	v26 =	vmul.f32 v30, v30  }
0x1ef: {  	v0 =	vadd.f32 v35, v0;
	v1 =	vadd.f32 v38, v1;
	v46 =	vld [tilespmem:s26+$0x1C30];
	v29 =	vmul.f32 v29, v37  }
0x1f0: {  	v2 =	vadd.f32 v36, v2;
	v3 =	vadd.f32 v44, v3;
	v30 =	vmul.f32 v32, v42;
	v38 =	vld [tilespmem:s26+$0x2020]  }
0x1f1: {  	v0 =	vadd.f32 v37, v0;
	v1 =	vadd.f32 v29, v1;
	v37 =	vld [tilespmem:s26+$0x2030];
	v29 =	vmul.f32 v39, v31  }
.Ltmp2:
0x1f2: {  	v2 =	vadd.f32 v42, v2;
	v3 =	vadd.f32 v30, v3;
	v32 =	vmul.f32 v40, v43;
	v36 =	vld [tilespmem:s26+$0x2420];
	(pc) =	sbr.rel @p0 .LBB2_6-.Ltmp2, $4  }
0x1f3: {  	v0 =	vadd.f32 v31, v0;
	v28 =	vmul.f32 v28, v45;
	v1 =	vadd.f32 v29, v1;
	v30 =	vld [tilespmem:s26+$0x2430]  }
0x1f4: {  	v2 =	vadd.f32 v43, v2;
	v29 =	vmul.f32 v41, v46;
	v35 =	vld [tilespmem:s26+$0x1C40];
	v3 =	vadd.f32 v32, v3  }
0x1f5: {  	v15 =	vadd.f32 v45, v15;
	v14 =	vadd.f32 v28, v14;
	v31 =	vld [tilespmem:s26+$0x1C50];
	v32 =	vmul.f32 v47, v38  }
0x1f6: {  	s28 =	sadd.s32 $0x200, s28;
	v17 =	vadd.f32 v46, v17;
	v16 =	vadd.f32 v29, v16;
	v29 =	vmul.f32 v48, v37;
	v28 =	vld [tilespmem:s26+$0x2040]  }
0x1f7: {  	v14 =	vadd.f32 v32, v14;
	v15 =	vadd.f32 v38, v15  }
0x1f8: {  	v23 =	vmul.f32 v23, v36;
	v1 =	vadd.f32 v3, v1;
	v0 =	vadd.f32 v2, v0  }
0x1f9: {  	v45 =	vld [tilespmem:s26+$0x2050];
	v16 =	vadd.f32 v29, v16;
	v17 =	vadd.f32 v37, v17;
	v22 =	vmul.f32 v22, v30  }
0x1fa: {  	v48 =	vld [tilespmem:s26+$0x1C60];
	v14 =	vadd.f32 v23, v14;
	v15 =	vadd.f32 v36, v15  }
0x1fb: {  	v50 =	vld [tilespmem:s26+$0x1C70];
	v34 =	vmul.f32 v34, v35;
	v7 =	vadd.f32 v35, v7;
	v16 =	vadd.f32 v22, v16  }
0x1fc: {  	v46 =	vld [tilespmem:s26+$0x2440];
	v17 =	vadd.f32 v30, v17;
	v9 =	vadd.f32 v31, v9  }
0x1fd: {  	v33 =	vmul.f32 v33, v31;
	v6 =	vadd.f32 v34, v6;
	v7 =	vadd.f32 v28, v7  }
0x1fe: {  	v47 =	vld [tilespmem:s26+$0x2450];
	v1 =	vadd.f32 v14, v1;
	v0 =	vadd.f32 v15, v0  }
0x1ff: {  	v51 =	vld [tilespmem:s26+$0x2060];
	v49 =	vmul.f32 v25, v28;
	v8 =	vadd.f32 v33, v8;
	v9 =	vadd.f32 v45, v9  }
0x200: {  	v53 =	vld [tilespmem:s26+$0x2070];
	v24 =	vmul.f32 v24, v45;
	v4 =	vadd.f32 v48, v4;
	v11 =	vadd.f32 v50, v11  }
0x201: {  	v52 =	vmul.f32 v27, v48;
	v6 =	vadd.f32 v49, v6;
	v7 =	vadd.f32 v46, v7  }
0x202: {  	v54 =	vmul.f32 v26, v50;
	v1 =	vadd.f32 v16, v1;
	v0 =	vadd.f32 v17, v0  }
0x203: {  	v55 =	vld [tilespmem:s26+$0x2460];
	v20 =	vmul.f32 v20, v46;
	v8 =	vadd.f32 v24, v8;
	v9 =	vadd.f32 v47, v9  }
0x204: {  	v18 =	vmul.f32 v18, v47;
	v5 =	vadd.f32 v52, v5;
	v10 =	vadd.f32 v54, v10  }
0x205: {  	v57 =	vld [tilespmem:s26+$0x2470];
	v56 =	vmul.f32 v21, v51;
	v4 =	vadd.f32 v51, v4;
	v60 =	vadd.f32 v53, v11  }
0x206: {  	v58 =	vmul.f32 v19, v53;
	v6 =	vadd.f32 v20, v6;
	v0 =	vadd.f32 v7, v0  }
0x207: {  	v8 =	vadd.f32 v18, v8;
	v2 =	vadd.f32 v56, v5  }
0x208: {  	v59 =	vmul.f32 v13, v55;
	v10 =	vadd.f32 v58, v10;
	v1 =	vadd.f32 v6, v1  }
0x209: {  	v3 =	vadd.f32 v55, v4;
	v0 =	vadd.f32 v9, v0  }
0x20a: {  	v61 =	vmul.f32 v12, v57;
	v2 =	vadd.f32 v59, v2;
	v1 =	vadd.f32 v8, v1  }
0x20b: {  	v63 =	vadd.f32 v57, v60;
	v0 =	vadd.f32 v3, v0  }
0x20c: {  	v62 =	vadd.f32 v61, v10;
	v1 =	vadd.f32 v2, v1  }
0x20d: {  	v0 =	vadd.f32 v63, v0  }
0x20e: {  	v1 =	vadd.f32 v62, v1  }
0x20f: {  	[tilespmem:$0x4880] =	vst v0  }
0x210: {  	[tilespmem:$0x4800] =	vst v1  }
0x211: {  	[hbm4b:s12+s2] =	stream.linear.scatter [tilespmem:s22], [sflag:$0x3], $0x80, $0x38;
	[tilespmem:$0x4900] =	vst v63  }
0x212: {  	s25 =	sadd.s32 $0x1, s25;
	_ =	swait.ge [sflag:s23], $0x80  }
0x213: {  	p0 =	sne.s32 s25, s14;
	[sflag:s23] =	ssyncset.done $0x0  }
.Ltmp3:
0x214: {  	[sflag:s23] =	ssyncadd.s32 $0xFFFFFF80;
	(pc) =	sbr.rel @p0 .LBB2_1-.Ltmp3, $4  }
0x215: {  	[hbm4b:s13+s2] =	stream.linear.scatter [tilespmem:s24], [sflag:$0x3], $0x80, $0x38;
	[tilespmem:$0x4900] =	vst v63  }
0x216: {  	_ =	swait.ge [sflag:s23], $0x80  }
0x217: {  	[sflag:s23] =	ssyncset.done $0x0  }
0x218: {  	[sflag:s23] =	ssyncadd.s32 $0xFFFFFF80  }
0x219: {  	_ =	sfence.sel $0x180000  }
0x21a: {  	[bflag:$0x0] =	sbarrier.arrive $0xFFFF  }
0x21b: {  	p0 =	sne.s32 s0, $0x0;
	_ =	strace $0x90000047  }
0x21c: {  	s0 =	sadd.s32 @!p0 $0x100000, s1;
	[bflag:$0x2] =	sbarrier.arrive $0xFFFF  }
0x21d: {  	[sflag:s0] =	ssyncadd.tile.s32 @!p0 $0x1;
	_ =	shalt  }
.Lfunc_end2:
_tile_overlayer_lowered:
.L_overlay_start_2:
0x21e: {  	(tag) =	ssettag $0x2  }
0x21f: {  	s0 =	rddreg [dreg:$0x0];
	s2 =	stileid.u32  }
0x220: {  	s1 =	rddreg [dreg:$0x1];
	p0 =	sne.s32 s2, $0x0  }
0x221: {  	s3 =	rddreg [dreg:$0x2];
	[bflag:$0x3] =	sbarrier.arrive $0xFFFF;
	s2 =	simm.s32 @!p0 $0x1C03  }
0x222: {  	[timem:s3], [sflag:s2] =	dma.local @!p0 [hbm:s0], s1  }
0x223: {  	s0 =	simm.s32 @!p0 $0x3  }
0x224: {  	_ =	swait.ge @!p0 [sflag:s0], s1  }
0x225: {  	s1 =	ssub.s32 @!p0 $0x0, s1;
	[sflag:s0] =	ssyncset.done @!p0 $0x0  }
0x226: {  	[sflag:s0] =	ssyncadd.s32 @!p0 s1  }
0x227: {  	[bflag:$0x3] =	sbarrier.arrive $0xFFFF  }
0x228: {  	_ =	shalt  }

</sc_bundles>
